<compile_context>
chip_gen: v7x
topology: tpu7x:2x2x1
jax: 0.10.2.dev20260603
libtpu: 0.0.44.dev20260713+nightly
codegen_flags: <defaults>
</compile_context>

<pallas_src>
import functools

import jax
import jax.numpy as jnp
from jax import lax
from jax.experimental import pallas as pl
from jax.experimental.pallas import tpu as pltpu
from jax.experimental.pallas import tpu_sc as plsc

_NC = 2
_NS = 16
_NW = _NC * _NS
_C = 128
_L = 16


@functools.cache
def _build(B, S, D, V):
    N = B * S
    T = N // _NW
    n_chunks = T // _C
    R = 2 * D
    mesh = plsc.VectorSubcoreMesh(
        core_axis_name="c", subcore_axis_name="s",
        num_cores=_NC, num_subcores=_NS)

    @functools.partial(
        pl.kernel,
        out_type=jax.ShapeDtypeStruct((N // _C, _C // 2, R), jnp.float32),
        mesh=mesh,
        scratch_types=[
            pltpu.VMEM((n_chunks, _C), jnp.int32),
            pltpu.VMEM((2, _C, R), jnp.float32),
            pltpu.VMEM((2, _C, _L), jnp.float32),
            pltpu.VMEM((2, _C // 2, R), jnp.float32),
            pltpu.VMEM((2, _C // 2, R), jnp.float32),
            pltpu.SemaphoreType.DMA,
            pltpu.SemaphoreType.DMA,
            pltpu.SemaphoreType.DMA,
            pltpu.SemaphoreType.DMA,
            pltpu.SemaphoreType.DMA,
            pltpu.SemaphoreType.DMA,
            pltpu.SemaphoreType.DMA,
            pltpu.SemaphoreType.DMA,
        ],
    )
    def _k(rows_hbm, par_hbm, tok_hbm, pos_hbm, out_hbm,
           rows_v, buf_v, par_v, pos_v, acc_v,
           g0, g1, p0, p1, q0, q1, o0, o1):
        gsem = (g0, g1)
        psem = (p0, p1)
        qsem = (q0, q1)
        osem = (o0, o1)
        wid = lax.axis_index("s") * _NC + lax.axis_index("c")
        pos0 = lax.mul(lax.rem(wid, S // T), n_chunks)
        out0 = lax.mul(wid, n_chunks)
        pltpu.sync_copy(rows_hbm.at[wid], rows_v)

        def issue(c):
            s = c & 1
            g = pltpu.async_copy(
                tok_hbm.at[rows_v.at[c]], buf_v.at[s], gsem[s])
            p = pltpu.async_copy(
                pos_hbm.at[pos0 + c], pos_v.at[s], psem[s])
            q = pltpu.async_copy(
                par_hbm.at[wid, c], par_v.at[s], qsem[s])
            return g, p, q

        def extract(c):
            s = c & 1

            def tok_body(j, carry):
                pm = par_v[s, j]
                r = lax.shift_right_logical(j, 1)
                h = lax.mul(lax.bitwise_and(j, 1), D)
                for grp in range(D // _L):
                    lo = buf_v[s, j, pl.ds(grp * _L, _L)]
                    hi = buf_v[s, j, pl.ds(D + grp * _L, _L)]
                    val = lo * (1.0 - pm) + hi * pm
                    sl = pl.ds(h + grp * _L, _L)
                    acc_v[s, r, sl] = val + pos_v[s, r, sl]
                return carry

            lax.fori_loop(0, _C, tok_body, 0)

        pending = {0: issue(0), 1: issue(1)}
        out_pending = {}
        for c in range(n_chunks):
            g, p, q = pending.pop(c)
            g.wait()
            p.wait()
            q.wait()
            if c >= 2:
                out_pending.pop(c - 2).wait()
            extract(c)
            out_pending[c] = pltpu.async_copy(
                acc_v.at[c & 1], out_hbm.at[out0 + c], osem[c & 1])
            if c + 2 < n_chunks:
                pending[c + 2] = issue(c + 2)
        out_pending.pop(n_chunks - 2).wait()
        out_pending.pop(n_chunks - 1).wait()

    return _k


def kernel(input_ids, token_table, pos_table):
    B, S = input_ids.shape
    V, D = token_table.shape
    N = B * S
    T = N // _NW
    n_chunks = T // _C
    ids = input_ids.reshape(_NW, n_chunks, _C).astype(jnp.int32)
    rows = lax.shift_right_logical(ids, 1)
    par = jnp.broadcast_to(
        jnp.bitwise_and(ids, 1).astype(jnp.float32)[..., None],
        (_NW, n_chunks, _C, _L))
    tok2 = token_table.reshape(V // 2, 2 * D)
    pos3 = pos_table.reshape(S // _C, _C // 2, 2 * D)
    out3 = _build(B, S, D, V)(rows, par, tok2, pos3)
    return out3.reshape(B, S, D)

# --- scband reference (transcript-rebuilt; emitter-appended) ---
"""Pipeline reference for scband-token-embedding-87411174408636 (READ-ONLY COPY).

The authoritative reference and input builder live on the scoring server;
editing this copy changes nothing except your own understanding.
"""

import jax, jax.numpy as jnp
import numpy as np

VOCAB = 1000000
EMBED_DIM = 64
MAX_POS = 8192
B = 4
S = 8192

def setup_inputs(seed: int = 0) -> dict:
    key = jax.random.key(seed)
    k1, k2, k3 = jax.random.split(key, 3)
    input_ids = jax.random.randint(k1, (B, S), 0, VOCAB, dtype=jnp.int64 if jax.config.jax_enable_x64 else jnp.int32)
    token_table = jax.random.normal(k2, (VOCAB, EMBED_DIM), dtype=jnp.float32) * 0.02
    pos_table = jax.random.normal(k3, (MAX_POS, EMBED_DIM), dtype=jnp.float32) * 0.02
    return {"input_ids": input_ids, "token_table": token_table, "pos_table": pos_table}

def reference(input_ids, token_table, pos_table):
    # token embedding lookup (gather)
    embeddings = jnp.take(token_table, input_ids, axis=0)
    # default position ids: arange(seq_len) broadcast over batch
    seq_len = input_ids.shape[1]
    position_ids = jnp.arange(seq_len)[None, :]
    pos_emb = jnp.take(pos_table, position_ids, axis=0)
    embeddings = embeddings + pos_emb
    return embeddings

if __name__ == "__main__":
    import jax
    _d = setup_inputs()
    print(jax.jit(kernel)(*tuple(_d.values())))

</pallas_src>

<mosaic_0001>
#map = affine_map<(d0, d1) -> (0, 0, 0)>
#map1 = affine_map<(d0, d1) -> (0, 0, 0, 0)>
#map2 = affine_map<(d0, d1) -> (0, 0)>
module attributes {stable_mosaic.version = 14 : i64} {
  func.func @_k(%arg0: i32, %arg1: i32, %arg2: memref<32x8x128xi32, #tpu.memory_space<hbm>>, %arg3: memref<32x8x128x16xf32, #tpu.memory_space<hbm>>, %arg4: memref<500000x128xf32, #tpu.memory_space<hbm>>, %arg5: memref<64x64x128xf32, #tpu.memory_space<hbm>>, %arg6: memref<256x64x128xf32, #tpu.memory_space<hbm>>, %arg7: memref<8x128xi32, #tpu.memory_space<vmem>>, %arg8: memref<2x128x128xf32, #tpu.memory_space<vmem>>, %arg9: memref<2x128x16xf32, #tpu.memory_space<vmem>>, %arg10: memref<2x64x128xf32, #tpu.memory_space<vmem>>, %arg11: memref<2x64x128xf32, #tpu.memory_space<vmem>>, %arg12: memref<!tpu.dma_semaphore, #tpu.memory_space<semaphore_mem>>, %arg13: memref<!tpu.dma_semaphore, #tpu.memory_space<semaphore_mem>>, %arg14: memref<!tpu.dma_semaphore, #tpu.memory_space<semaphore_mem>>, %arg15: memref<!tpu.dma_semaphore, #tpu.memory_space<semaphore_mem>>, %arg16: memref<!tpu.dma_semaphore, #tpu.memory_space<semaphore_mem>>, %arg17: memref<!tpu.dma_semaphore, #tpu.memory_space<semaphore_mem>>, %arg18: memref<!tpu.dma_semaphore, #tpu.memory_space<semaphore_mem>>, %arg19: memref<!tpu.dma_semaphore, #tpu.memory_space<semaphore_mem>>) attributes {dimension_semantics = [#tpu.dimension_semantics<core_parallel>, #tpu.dimension_semantics<subcore_parallel>], iteration_bounds = array<i64: 2, 16>, scalar_prefetch = 0 : i64, scratch_operands = 13 : i64, tpu.core_type = #tpu.core_type<sc_vector_subcore>, window_params = [{transform_indices = #map}, {transform_indices = #map1}, {transform_indices = #map2}, {transform_indices = #map}, {transform_indices = #map}]} {
    %mul3A = arith.constant 2 : i32
    %mul3A_0 = arith.muli %arg1, %mul3A : i32
    %add3A = arith.addi %mul3A_0, %arg0 : i32
    %rem3A = arith.constant 8 : i32
    %rem3A_1 = arith.remsi %add3A, %rem3A : i32
    %mul3A_2 = arith.constant 8 : i32
    %mul3A_3 = arith.muli %rem3A_1, %mul3A_2 : i32
    %mul3A_4 = arith.constant 8 : i32
    %mul3A_5 = arith.muli %add3A, %mul3A_4 : i32
    "tpu.region"() ({
      %run_scoped3A = tpu.sem_alloc : memref<!tpu.dma_semaphore, #tpu.memory_space<semaphore_mem>>
      %dma_start3A_1107 = arith.constant 0 : i32
      %dma_start3A_1108 = arith.constant 0 : i32
      %dma_start3A_1109 = tpu.memref_slice %arg2[%add3A, %dma_start3A_1107, %dma_start3A_1108] : memref<32x8x128xi32, #tpu.memory_space<hbm>> -> memref<1x8x128xi32, #tpu.memory_space<hbm>>
      %dma_start3A_1110 = tpu.memref_squeeze %dma_start3A_1109 : memref<1x8x128xi32, #tpu.memory_space<hbm>> -> memref<8x128xi32, #tpu.memory_space<hbm>>
      %dma_start3A_1111 = arith.constant 0 : i32
      %dma_start3A_1112 = arith.constant 0 : i32
      %dma_start3A_1113 = tpu.memref_slice %arg2[%add3A, %dma_start3A_1111, %dma_start3A_1112] : memref<32x8x128xi32, #tpu.memory_space<hbm>> -> memref<1x8x128xi32, #tpu.memory_space<hbm>>
      %dma_start3A_1114 = tpu.memref_squeeze %dma_start3A_1113 : memref<1x8x128xi32, #tpu.memory_space<hbm>> -> memref<8x128xi32, #tpu.memory_space<hbm>>
      tpu.enqueue_dma source(%dma_start3A_1114 : memref<8x128xi32, #tpu.memory_space<hbm>>) target(%arg7 : memref<8x128xi32, #tpu.memory_space<vmem>>) target_semaphore(%run_scoped3A : memref<!tpu.dma_semaphore, #tpu.memory_space<semaphore_mem>>)
      %dma_wait3A_1115 = arith.constant 0 : i32
      %dma_wait3A_1116 = arith.constant 0 : i32
      %dma_wait3A_1117 = tpu.memref_slice %arg2[%add3A, %dma_wait3A_1115, %dma_wait3A_1116] : memref<32x8x128xi32, #tpu.memory_space<hbm>> -> memref<1x8x128xi32, #tpu.memory_space<hbm>>
      %dma_wait3A_1118 = tpu.memref_squeeze %dma_wait3A_1117 : memref<1x8x128xi32, #tpu.memory_space<hbm>> -> memref<8x128xi32, #tpu.memory_space<hbm>>
      %dma_wait3A_1119 = arith.constant 0 : i32
      %dma_wait3A_1120 = arith.constant 0 : i32
      %dma_wait3A_1121 = tpu.memref_slice %arg2[%add3A, %dma_wait3A_1119, %dma_wait3A_1120] : memref<32x8x128xi32, #tpu.memory_space<hbm>> -> memref<1x8x128xi32, #tpu.memory_space<hbm>>
      %dma_wait3A_1122 = tpu.memref_squeeze %dma_wait3A_1121 : memref<1x8x128xi32, #tpu.memory_space<hbm>> -> memref<8x128xi32, #tpu.memory_space<hbm>>
      tpu.wait_dma2 semaphore(%run_scoped3A : memref<!tpu.dma_semaphore, #tpu.memory_space<semaphore_mem>>) src(%dma_wait3A_1122 : memref<8x128xi32, #tpu.memory_space<hbm>>) dst(%arg7 : memref<8x128xi32, #tpu.memory_space<vmem>>)
      tpu.yield
    }) : () -> ()
    %dma_start3A = arith.constant 0 : i32
    %dma_start3A_6 = arith.constant 0 : i32
    %dma_start3A_7 = arith.constant 0 : i32
    %dma_start3A_8 = arith.constant 0 : i32
    %dma_start3A_9 = tpu.memref_slice %arg8[%dma_start3A_6, %dma_start3A_7, %dma_start3A_8] : memref<2x128x128xf32, #tpu.memory_space<vmem>> -> memref<1x128x128xf32, #tpu.memory_space<vmem>>
    %dma_start3A_10 = tpu.memref_squeeze %dma_start3A_9 : memref<1x128x128xf32, #tpu.memory_space<vmem>> -> memref<128x128xf32, #tpu.memory_space<vmem>>
    %dma_start3A_11 = arith.constant 0 : i32
    %dma_start3A_12 = tpu.memref_slice %arg7[%dma_start3A, %dma_start3A_11] : memref<8x128xi32, #tpu.memory_space<vmem>> -> memref<1x128xi32, #tpu.memory_space<vmem>>
    %dma_start3A_13 = tpu.memref_squeeze %dma_start3A_12 : memref<1x128xi32, #tpu.memory_space<vmem>> -> memref<128xi32, #tpu.memory_space<vmem>>
    %dma_start3A_14 = arith.constant 0 : i32
    %dma_start3A_15 = arith.constant 0 : i32
    %dma_start3A_16 = tpu.memref_slice %arg4[%dma_start3A_14, %dma_start3A_15] : memref<500000x128xf32, #tpu.memory_space<hbm>> -> memref<500000x128xf32, #tpu.memory_space<hbm>>
    tpu.enqueue_indirect_dma source(%dma_start3A_16 : memref<500000x128xf32, #tpu.memory_space<hbm>>) target(%dma_start3A_10 : memref<128x128xf32, #tpu.memory_space<vmem>>) offsets(%dma_start3A_13 : memref<128xi32, #tpu.memory_space<vmem>>) semaphore(%arg12 : memref<!tpu.dma_semaphore, #tpu.memory_space<semaphore_mem>>)
    %add3A_17 = arith.constant 0 : i32
    %add3A_18 = arith.addi %mul3A_3, %add3A_17 : i32
    %dma_start3A_19 = arith.constant 0 : i32
    %dma_start3A_20 = arith.constant 0 : i32
    %dma_start3A_21 = arith.constant 0 : i32
    %dma_start3A_22 = tpu.memref_slice %arg10[%dma_start3A_19, %dma_start3A_20, %dma_start3A_21] : memref<2x64x128xf32, #tpu.memory_space<vmem>> -> memref<1x64x128xf32, #tpu.memory_space<vmem>>
    %dma_start3A_23 = tpu.memref_squeeze %dma_start3A_22 : memref<1x64x128xf32, #tpu.memory_space<vmem>> -> memref<64x128xf32, #tpu.memory_space<vmem>>
    %dma_start3A_24 = arith.constant 0 : i32
    %dma_start3A_25 = arith.constant 0 : i32
    %dma_start3A_26 = tpu.memref_slice %arg5[%add3A_18, %dma_start3A_24, %dma_start3A_25] : memref<64x64x128xf32, #tpu.memory_space<hbm>> -> memref<1x64x128xf32, #tpu.memory_space<hbm>>
    %dma_start3A_27 = tpu.memref_squeeze %dma_start3A_26 : memref<1x64x128xf32, #tpu.memory_space<hbm>> -> memref<64x128xf32, #tpu.memory_space<hbm>>
    %dma_start3A_28 = arith.constant 0 : i32
    %dma_start3A_29 = arith.constant 0 : i32
    %dma_start3A_30 = tpu.memref_slice %arg10[%dma_start3A_19, %dma_start3A_28, %dma_start3A_29] : memref<2x64x128xf32, #tpu.memory_space<vmem>> -> memref<1x64x128xf32, #tpu.memory_space<vmem>>
    %dma_start3A_31 = tpu.memref_squeeze %dma_start3A_30 : memref<1x64x128xf32, #tpu.memory_space<vmem>> -> memref<64x128xf32, #tpu.memory_space<vmem>>
    %dma_start3A_32 = arith.constant 0 : i32
    %dma_start3A_33 = arith.constant 0 : i32
    %dma_start3A_34 = tpu.memref_slice %arg5[%add3A_18, %dma_start3A_32, %dma_start3A_33] : memref<64x64x128xf32, #tpu.memory_space<hbm>> -> memref<1x64x128xf32, #tpu.memory_space<hbm>>
    %dma_start3A_35 = tpu.memref_squeeze %dma_start3A_34 : memref<1x64x128xf32, #tpu.memory_space<hbm>> -> memref<64x128xf32, #tpu.memory_space<hbm>>
    tpu.enqueue_dma source(%dma_start3A_35 : memref<64x128xf32, #tpu.memory_space<hbm>>) target(%dma_start3A_31 : memref<64x128xf32, #tpu.memory_space<vmem>>) target_semaphore(%arg14 : memref<!tpu.dma_semaphore, #tpu.memory_space<semaphore_mem>>)
    %dma_start3A_36 = arith.constant 0 : i32
    %dma_start3A_37 = arith.constant 0 : i32
    %dma_start3A_38 = arith.constant 0 : i32
    %dma_start3A_39 = arith.constant 0 : i32
    %dma_start3A_40 = tpu.memref_slice %arg9[%dma_start3A_37, %dma_start3A_38, %dma_start3A_39] : memref<2x128x16xf32, #tpu.memory_space<vmem>> -> memref<1x128x16xf32, #tpu.memory_space<vmem>>
    %dma_start3A_41 = tpu.memref_squeeze %dma_start3A_40 : memref<1x128x16xf32, #tpu.memory_space<vmem>> -> memref<128x16xf32, #tpu.memory_space<vmem>>
    %dma_start3A_42 = arith.constant 0 : i32
    %dma_start3A_43 = arith.constant 0 : i32
    %dma_start3A_44 = tpu.memref_slice %arg3[%add3A, %dma_start3A_36, %dma_start3A_42, %dma_start3A_43] : memref<32x8x128x16xf32, #tpu.memory_space<hbm>> -> memref<1x1x128x16xf32, #tpu.memory_space<hbm>>
    %dma_start3A_45 = tpu.memref_squeeze %dma_start3A_44 : memref<1x1x128x16xf32, #tpu.memory_space<hbm>> -> memref<128x16xf32, #tpu.memory_space<hbm>>
    %dma_start3A_46 = arith.constant 0 : i32
    %dma_start3A_47 = arith.constant 0 : i32
    %dma_start3A_48 = tpu.memref_slice %arg9[%dma_start3A_37, %dma_start3A_46, %dma_start3A_47] : memref<2x128x16xf32, #tpu.memory_space<vmem>> -> memref<1x128x16xf32, #tpu.memory_space<vmem>>
    %dma_start3A_49 = tpu.memref_squeeze %dma_start3A_48 : memref<1x128x16xf32, #tpu.memory_space<vmem>> -> memref<128x16xf32, #tpu.memory_space<vmem>>
    %dma_start3A_50 = arith.constant 0 : i32
    %dma_start3A_51 = arith.constant 0 : i32
    %dma_start3A_52 = tpu.memref_slice %arg3[%add3A, %dma_start3A_36, %dma_start3A_50, %dma_start3A_51] : memref<32x8x128x16xf32, #tpu.memory_space<hbm>> -> memref<1x1x128x16xf32, #tpu.memory_space<hbm>>
    %dma_start3A_53 = tpu.memref_squeeze %dma_start3A_52 : memref<1x1x128x16xf32, #tpu.memory_space<hbm>> -> memref<128x16xf32, #tpu.memory_space<hbm>>
    tpu.enqueue_dma source(%dma_start3A_53 : memref<128x16xf32, #tpu.memory_space<hbm>>) target(%dma_start3A_49 : memref<128x16xf32, #tpu.memory_space<vmem>>) target_semaphore(%arg16 : memref<!tpu.dma_semaphore, #tpu.memory_space<semaphore_mem>>)
    %dma_start3A_54 = arith.constant 1 : i32
    %dma_start3A_55 = arith.constant 1 : i32
    %dma_start3A_56 = arith.constant 0 : i32
    %dma_start3A_57 = arith.constant 0 : i32
    %dma_start3A_58 = tpu.memref_slice %arg8[%dma_start3A_55, %dma_start3A_56, %dma_start3A_57] : memref<2x128x128xf32, #tpu.memory_space<vmem>> -> memref<1x128x128xf32, #tpu.memory_space<vmem>>
    %dma_start3A_59 = tpu.memref_squeeze %dma_start3A_58 : memref<1x128x128xf32, #tpu.memory_space<vmem>> -> memref<128x128xf32, #tpu.memory_space<vmem>>
    %dma_start3A_60 = arith.constant 0 : i32
    %dma_start3A_61 = tpu.memref_slice %arg7[%dma_start3A_54, %dma_start3A_60] : memref<8x128xi32, #tpu.memory_space<vmem>> -> memref<1x128xi32, #tpu.memory_space<vmem>>
    %dma_start3A_62 = tpu.memref_squeeze %dma_start3A_61 : memref<1x128xi32, #tpu.memory_space<vmem>> -> memref<128xi32, #tpu.memory_space<vmem>>
    %dma_start3A_63 = arith.constant 0 : i32
    %dma_start3A_64 = arith.constant 0 : i32
    %dma_start3A_65 = tpu.memref_slice %arg4[%dma_start3A_63, %dma_start3A_64] : memref<500000x128xf32, #tpu.memory_space<hbm>> -> memref<500000x128xf32, #tpu.memory_space<hbm>>
    tpu.enqueue_indirect_dma source(%dma_start3A_65 : memref<500000x128xf32, #tpu.memory_space<hbm>>) target(%dma_start3A_59 : memref<128x128xf32, #tpu.memory_space<vmem>>) offsets(%dma_start3A_62 : memref<128xi32, #tpu.memory_space<vmem>>) semaphore(%arg13 : memref<!tpu.dma_semaphore, #tpu.memory_space<semaphore_mem>>)
    %add3A_66 = arith.constant 1 : i32
    %add3A_67 = arith.addi %mul3A_3, %add3A_66 : i32
    %dma_start3A_68 = arith.constant 1 : i32
    %dma_start3A_69 = arith.constant 0 : i32
    %dma_start3A_70 = arith.constant 0 : i32
    %dma_start3A_71 = tpu.memref_slice %arg10[%dma_start3A_68, %dma_start3A_69, %dma_start3A_70] : memref<2x64x128xf32, #tpu.memory_space<vmem>> -> memref<1x64x128xf32, #tpu.memory_space<vmem>>
    %dma_start3A_72 = tpu.memref_squeeze %dma_start3A_71 : memref<1x64x128xf32, #tpu.memory_space<vmem>> -> memref<64x128xf32, #tpu.memory_space<vmem>>
    %dma_start3A_73 = arith.constant 0 : i32
    %dma_start3A_74 = arith.constant 0 : i32
    %dma_start3A_75 = tpu.memref_slice %arg5[%add3A_67, %dma_start3A_73, %dma_start3A_74] : memref<64x64x128xf32, #tpu.memory_space<hbm>> -> memref<1x64x128xf32, #tpu.memory_space<hbm>>
    %dma_start3A_76 = tpu.memref_squeeze %dma_start3A_75 : memref<1x64x128xf32, #tpu.memory_space<hbm>> -> memref<64x128xf32, #tpu.memory_space<hbm>>
    %dma_start3A_77 = arith.constant 0 : i32
    %dma_start3A_78 = arith.constant 0 : i32
    %dma_start3A_79 = tpu.memref_slice %arg10[%dma_start3A_68, %dma_start3A_77, %dma_start3A_78] : memref<2x64x128xf32, #tpu.memory_space<vmem>> -> memref<1x64x128xf32, #tpu.memory_space<vmem>>
    %dma_start3A_80 = tpu.memref_squeeze %dma_start3A_79 : memref<1x64x128xf32, #tpu.memory_space<vmem>> -> memref<64x128xf32, #tpu.memory_space<vmem>>
    %dma_start3A_81 = arith.constant 0 : i32
    %dma_start3A_82 = arith.constant 0 : i32
    %dma_start3A_83 = tpu.memref_slice %arg5[%add3A_67, %dma_start3A_81, %dma_start3A_82] : memref<64x64x128xf32, #tpu.memory_space<hbm>> -> memref<1x64x128xf32, #tpu.memory_space<hbm>>
    %dma_start3A_84 = tpu.memref_squeeze %dma_start3A_83 : memref<1x64x128xf32, #tpu.memory_space<hbm>> -> memref<64x128xf32, #tpu.memory_space<hbm>>
    tpu.enqueue_dma source(%dma_start3A_84 : memref<64x128xf32, #tpu.memory_space<hbm>>) target(%dma_start3A_80 : memref<64x128xf32, #tpu.memory_space<vmem>>) target_semaphore(%arg15 : memref<!tpu.dma_semaphore, #tpu.memory_space<semaphore_mem>>)
    %dma_start3A_85 = arith.constant 1 : i32
    %dma_start3A_86 = arith.constant 1 : i32
    %dma_start3A_87 = arith.constant 0 : i32
    %dma_start3A_88 = arith.constant 0 : i32
    %dma_start3A_89 = tpu.memref_slice %arg9[%dma_start3A_86, %dma_start3A_87, %dma_start3A_88] : memref<2x128x16xf32, #tpu.memory_space<vmem>> -> memref<1x128x16xf32, #tpu.memory_space<vmem>>
    %dma_start3A_90 = tpu.memref_squeeze %dma_start3A_89 : memref<1x128x16xf32, #tpu.memory_space<vmem>> -> memref<128x16xf32, #tpu.memory_space<vmem>>
    %dma_start3A_91 = arith.constant 0 : i32
    %dma_start3A_92 = arith.constant 0 : i32
    %dma_start3A_93 = tpu.memref_slice %arg3[%add3A, %dma_start3A_85, %dma_start3A_91, %dma_start3A_92] : memref<32x8x128x16xf32, #tpu.memory_space<hbm>> -> memref<1x1x128x16xf32, #tpu.memory_space<hbm>>
    %dma_start3A_94 = tpu.memref_squeeze %dma_start3A_93 : memref<1x1x128x16xf32, #tpu.memory_space<hbm>> -> memref<128x16xf32, #tpu.memory_space<hbm>>
    %dma_start3A_95 = arith.constant 0 : i32
    %dma_start3A_96 = arith.constant 0 : i32
    %dma_start3A_97 = tpu.memref_slice %arg9[%dma_start3A_86, %dma_start3A_95, %dma_start3A_96] : memref<2x128x16xf32, #tpu.memory_space<vmem>> -> memref<1x128x16xf32, #tpu.memory_space<vmem>>
    %dma_start3A_98 = tpu.memref_squeeze %dma_start3A_97 : memref<1x128x16xf32, #tpu.memory_space<vmem>> -> memref<128x16xf32, #tpu.memory_space<vmem>>
    %dma_start3A_99 = arith.constant 0 : i32
    %dma_start3A_100 = arith.constant 0 : i32
    %dma_start3A_101 = tpu.memref_slice %arg3[%add3A, %dma_start3A_85, %dma_start3A_99, %dma_start3A_100] : memref<32x8x128x16xf32, #tpu.memory_space<hbm>> -> memref<1x1x128x16xf32, #tpu.memory_space<hbm>>
    %dma_start3A_102 = tpu.memref_squeeze %dma_start3A_101 : memref<1x1x128x16xf32, #tpu.memory_space<hbm>> -> memref<128x16xf32, #tpu.memory_space<hbm>>
    tpu.enqueue_dma source(%dma_start3A_102 : memref<128x16xf32, #tpu.memory_space<hbm>>) target(%dma_start3A_98 : memref<128x16xf32, #tpu.memory_space<vmem>>) target_semaphore(%arg17 : memref<!tpu.dma_semaphore, #tpu.memory_space<semaphore_mem>>)
    %dma_wait3A = arith.constant 0 : i32
    %dma_wait3A_103 = arith.constant 0 : i32
    %dma_wait3A_104 = arith.constant 0 : i32
    %dma_wait3A_105 = arith.constant 0 : i32
    %dma_wait3A_106 = tpu.memref_slice %arg8[%dma_wait3A_103, %dma_wait3A_104, %dma_wait3A_105] : memref<2x128x128xf32, #tpu.memory_space<vmem>> -> memref<1x128x128xf32, #tpu.memory_space<vmem>>
    %dma_wait3A_107 = tpu.memref_squeeze %dma_wait3A_106 : memref<1x128x128xf32, #tpu.memory_space<vmem>> -> memref<128x128xf32, #tpu.memory_space<vmem>>
    %dma_wait3A_108 = arith.constant 0 : i32
    %dma_wait3A_109 = tpu.memref_slice %arg7[%dma_wait3A, %dma_wait3A_108] : memref<8x128xi32, #tpu.memory_space<vmem>> -> memref<1x128xi32, #tpu.memory_space<vmem>>
    %dma_wait3A_110 = tpu.memref_squeeze %dma_wait3A_109 : memref<1x128xi32, #tpu.memory_space<vmem>> -> memref<128xi32, #tpu.memory_space<vmem>>
    %dma_wait3A_111 = arith.constant 0 : i32
    %dma_wait3A_112 = arith.constant 0 : i32
    %dma_wait3A_113 = tpu.memref_slice %arg4[%dma_wait3A_111, %dma_wait3A_112] : memref<500000x128xf32, #tpu.memory_space<hbm>> -> memref<500000x128xf32, #tpu.memory_space<hbm>>
    tpu.wait_indirect_dma semaphore(%arg12 : memref<!tpu.dma_semaphore, #tpu.memory_space<semaphore_mem>>) src(%dma_wait3A_113 : memref<500000x128xf32, #tpu.memory_space<hbm>>) dst(%dma_wait3A_107 : memref<128x128xf32, #tpu.memory_space<vmem>>)
    %dma_wait3A_114 = arith.constant 0 : i32
    %dma_wait3A_115 = arith.constant 0 : i32
    %dma_wait3A_116 = arith.constant 0 : i32
    %dma_wait3A_117 = tpu.memref_slice %arg10[%dma_wait3A_114, %dma_wait3A_115, %dma_wait3A_116] : memref<2x64x128xf32, #tpu.memory_space<vmem>> -> memref<1x64x128xf32, #tpu.memory_space<vmem>>
    %dma_wait3A_118 = tpu.memref_squeeze %dma_wait3A_117 : memref<1x64x128xf32, #tpu.memory_space<vmem>> -> memref<64x128xf32, #tpu.memory_space<vmem>>
    %dma_wait3A_119 = arith.constant 0 : i32
    %dma_wait3A_120 = arith.constant 0 : i32
    %dma_wait3A_121 = tpu.memref_slice %arg5[%add3A_18, %dma_wait3A_119, %dma_wait3A_120] : memref<64x64x128xf32, #tpu.memory_space<hbm>> -> memref<1x64x128xf32, #tpu.memory_space<hbm>>
    %dma_wait3A_122 = tpu.memref_squeeze %dma_wait3A_121 : memref<1x64x128xf32, #tpu.memory_space<hbm>> -> memref<64x128xf32, #tpu.memory_space<hbm>>
    %dma_wait3A_123 = arith.constant 0 : i32
    %dma_wait3A_124 = arith.constant 0 : i32
    %dma_wait3A_125 = tpu.memref_slice %arg10[%dma_wait3A_114, %dma_wait3A_123, %dma_wait3A_124] : memref<2x64x128xf32, #tpu.memory_space<vmem>> -> memref<1x64x128xf32, #tpu.memory_space<vmem>>
    %dma_wait3A_126 = tpu.memref_squeeze %dma_wait3A_125 : memref<1x64x128xf32, #tpu.memory_space<vmem>> -> memref<64x128xf32, #tpu.memory_space<vmem>>
    %dma_wait3A_127 = arith.constant 0 : i32
    %dma_wait3A_128 = arith.constant 0 : i32
    %dma_wait3A_129 = tpu.memref_slice %arg5[%add3A_18, %dma_wait3A_127, %dma_wait3A_128] : memref<64x64x128xf32, #tpu.memory_space<hbm>> -> memref<1x64x128xf32, #tpu.memory_space<hbm>>
    %dma_wait3A_130 = tpu.memref_squeeze %dma_wait3A_129 : memref<1x64x128xf32, #tpu.memory_space<hbm>> -> memref<64x128xf32, #tpu.memory_space<hbm>>
    tpu.wait_dma2 semaphore(%arg14 : memref<!tpu.dma_semaphore, #tpu.memory_space<semaphore_mem>>) src(%dma_wait3A_130 : memref<64x128xf32, #tpu.memory_space<hbm>>) dst(%dma_wait3A_126 : memref<64x128xf32, #tpu.memory_space<vmem>>)
    %dma_wait3A_131 = arith.constant 0 : i32
    %dma_wait3A_132 = arith.constant 0 : i32
    %dma_wait3A_133 = arith.constant 0 : i32
    %dma_wait3A_134 = arith.constant 0 : i32
    %dma_wait3A_135 = tpu.memref_slice %arg9[%dma_wait3A_132, %dma_wait3A_133, %dma_wait3A_134] : memref<2x128x16xf32, #tpu.memory_space<vmem>> -> memref<1x128x16xf32, #tpu.memory_space<vmem>>
    %dma_wait3A_136 = tpu.memref_squeeze %dma_wait3A_135 : memref<1x128x16xf32, #tpu.memory_space<vmem>> -> memref<128x16xf32, #tpu.memory_space<vmem>>
    %dma_wait3A_137 = arith.constant 0 : i32
    %dma_wait3A_138 = arith.constant 0 : i32
    %dma_wait3A_139 = tpu.memref_slice %arg3[%add3A, %dma_wait3A_131, %dma_wait3A_137, %dma_wait3A_138] : memref<32x8x128x16xf32, #tpu.memory_space<hbm>> -> memref<1x1x128x16xf32, #tpu.memory_space<hbm>>
    %dma_wait3A_140 = tpu.memref_squeeze %dma_wait3A_139 : memref<1x1x128x16xf32, #tpu.memory_space<hbm>> -> memref<128x16xf32, #tpu.memory_space<hbm>>
    %dma_wait3A_141 = arith.constant 0 : i32
    %dma_wait3A_142 = arith.constant 0 : i32
    %dma_wait3A_143 = tpu.memref_slice %arg9[%dma_wait3A_132, %dma_wait3A_141, %dma_wait3A_142] : memref<2x128x16xf32, #tpu.memory_space<vmem>> -> memref<1x128x16xf32, #tpu.memory_space<vmem>>
    %dma_wait3A_144 = tpu.memref_squeeze %dma_wait3A_143 : memref<1x128x16xf32, #tpu.memory_space<vmem>> -> memref<128x16xf32, #tpu.memory_space<vmem>>
    %dma_wait3A_145 = arith.constant 0 : i32
    %dma_wait3A_146 = arith.constant 0 : i32
    %dma_wait3A_147 = tpu.memref_slice %arg3[%add3A, %dma_wait3A_131, %dma_wait3A_145, %dma_wait3A_146] : memref<32x8x128x16xf32, #tpu.memory_space<hbm>> -> memref<1x1x128x16xf32, #tpu.memory_space<hbm>>
    %dma_wait3A_148 = tpu.memref_squeeze %dma_wait3A_147 : memref<1x1x128x16xf32, #tpu.memory_space<hbm>> -> memref<128x16xf32, #tpu.memory_space<hbm>>
    tpu.wait_dma2 semaphore(%arg16 : memref<!tpu.dma_semaphore, #tpu.memory_space<semaphore_mem>>) src(%dma_wait3A_148 : memref<128x16xf32, #tpu.memory_space<hbm>>) dst(%dma_wait3A_144 : memref<128x16xf32, #tpu.memory_space<vmem>>)
    %scan3A = arith.constant 0 : i32
    %scan3A_149 = arith.constant 0 : i32
    %scan3A_150 = arith.constant 128 : i32
    %scan3A_151 = arith.addi %scan3A_149, %scan3A_150 : i32
    %scan3A_152 = arith.constant 1 : i32
    scf.for %scan3A_1107 = %scan3A_149 to %scan3A_151 step %scan3A_152  : i32 {
      %get3A = arith.constant 0 : i32
      %get3A_1108 = arith.index_cast %get3A : i32 to index
      %get3A_1109 = arith.index_cast %scan3A_1107 : i32 to index
      %get3A_1110 = arith.constant 0 : index
      %get3A_1111 = tpu.vector_load %arg9[%get3A_1108, %get3A_1109, %get3A_1110] {strides = array<i32>} : memref<2x128x16xf32, #tpu.memory_space<vmem>>, vector<1x1x16xf32>,
      %get3A_1112 = vector.shape_cast %get3A_1111 : vector<1x1x16xf32> to vector<16xf32>
      %shift_right_logical3A = arith.constant 1 : i32
      %shift_right_logical3A_1113 = arith.shrui %scan3A_1107, %shift_right_logical3A : i32
      %and3A = arith.constant 1 : i32
      %and3A_1114 = arith.andi %scan3A_1107, %and3A : i32
      %mul3A_1115 = arith.constant 64 : i32
      %mul3A_1116 = arith.muli %and3A_1114, %mul3A_1115 : i32
      %get3A_1117 = arith.constant 0 : i32
      %get3A_1118 = arith.index_cast %get3A_1117 : i32 to index
      %get3A_1119 = arith.index_cast %scan3A_1107 : i32 to index
      %get3A_1120 = arith.constant 0 : index
      %get3A_1121 = tpu.vector_load %arg8[%get3A_1118, %get3A_1119, %get3A_1120] {strides = array<i32>} : memref<2x128x128xf32, #tpu.memory_space<vmem>>, vector<1x1x16xf32>,
      %get3A_1122 = vector.shape_cast %get3A_1121 : vector<1x1x16xf32> to vector<16xf32>
      %get3A_1123 = arith.constant 0 : i32
      %get3A_1124 = arith.index_cast %get3A_1123 : i32 to index
      %get3A_1125 = arith.index_cast %scan3A_1107 : i32 to index
      %get3A_1126 = arith.constant 64 : index
      %get3A_1127 = tpu.vector_load %arg8[%get3A_1124, %get3A_1125, %get3A_1126] {strides = array<i32>} : memref<2x128x128xf32, #tpu.memory_space<vmem>>, vector<1x1x16xf32>,
      %get3A_1128 = vector.shape_cast %get3A_1127 : vector<1x1x16xf32> to vector<16xf32>
      %sub3A = arith.constant 1.000000e+00 : f32
      %sub3A_1129 = vector.broadcast %sub3A : f32 to vector<16xf32>
      %sub3A_1130 = arith.subf %sub3A_1129, %get3A_1112 : vector<16xf32>
      %mul3A_1131 = arith.mulf %get3A_1122, %sub3A_1130 : vector<16xf32>
      %mul3A_1132 = arith.mulf %get3A_1128, %get3A_1112 : vector<16xf32>
      %add3A_1133 = arith.addf %mul3A_1131, %mul3A_1132 : vector<16xf32>
      %add3A_1134 = arith.constant 0 : i32
      %add3A_1135 = arith.addi %mul3A_1116, %add3A_1134 : i32
      %get3A_1136 = arith.constant 0 : i32
      %get3A_1137 = arith.index_cast %get3A_1136 : i32 to index
      %get3A_1138 = arith.index_cast %shift_right_logical3A_1113 : i32 to index
      %get3A_1139 = arith.index_cast %add3A_1135 : i32 to index
      %get3A_1140 = tpu.vector_load %arg10[%get3A_1137, %get3A_1138, %get3A_1139] {strides = array<i32>} : memref<2x64x128xf32, #tpu.memory_space<vmem>>, vector<1x1x16xf32>,
      %get3A_1141 = vector.shape_cast %get3A_1140 : vector<1x1x16xf32> to vector<16xf32>
      %add3A_1142 = arith.addf %add3A_1133, %get3A_1141 : vector<16xf32>
      %swap3A = arith.constant 0 : i32
      %swap3A_1143 = arith.index_cast %swap3A : i32 to index
      %swap3A_1144 = arith.index_cast %shift_right_logical3A_1113 : i32 to index
      %swap3A_1145 = arith.index_cast %add3A_1135 : i32 to index
      %swap3A_1146 = tpu.vector_load %arg11[%swap3A_1143, %swap3A_1144, %swap3A_1145] {strides = array<i32>} : memref<2x64x128xf32, #tpu.memory_space<vmem>>, vector<1x1x16xf32>,
      %swap3A_1147 = vector.shape_cast %swap3A_1146 : vector<1x1x16xf32> to vector<16xf32>
      %swap3A_1148 = vector.shape_cast %add3A_1142 : vector<16xf32> to vector<1x1x16xf32>
      tpu.vector_store %arg11[%swap3A_1143, %swap3A_1144, %swap3A_1145], %swap3A_1148 {strides = array<i32>} : memref<2x64x128xf32, #tpu.memory_space<vmem>>, vector<1x1x16xf32>,
      %get3A_1149 = arith.constant 0 : i32
      %get3A_1150 = arith.index_cast %get3A_1149 : i32 to index
      %get3A_1151 = arith.index_cast %scan3A_1107 : i32 to index
      %get3A_1152 = arith.constant 16 : index
      %get3A_1153 = tpu.vector_load %arg8[%get3A_1150, %get3A_1151, %get3A_1152] {strides = array<i32>} : memref<2x128x128xf32, #tpu.memory_space<vmem>>, vector<1x1x16xf32>,
      %get3A_1154 = vector.shape_cast %get3A_1153 : vector<1x1x16xf32> to vector<16xf32>
      %get3A_1155 = arith.constant 0 : i32
      %get3A_1156 = arith.index_cast %get3A_1155 : i32 to index
      %get3A_1157 = arith.index_cast %scan3A_1107 : i32 to index
      %get3A_1158 = arith.constant 80 : index
      %get3A_1159 = tpu.vector_load %arg8[%get3A_1156, %get3A_1157, %get3A_1158] {strides = array<i32>} : memref<2x128x128xf32, #tpu.memory_space<vmem>>, vector<1x1x16xf32>,
      %get3A_1160 = vector.shape_cast %get3A_1159 : vector<1x1x16xf32> to vector<16xf32>
      %sub3A_1161 = arith.constant 1.000000e+00 : f32
      %sub3A_1162 = vector.broadcast %sub3A_1161 : f32 to vector<16xf32>
      %sub3A_1163 = arith.subf %sub3A_1162, %get3A_1112 : vector<16xf32>
      %mul3A_1164 = arith.mulf %get3A_1154, %sub3A_1163 : vector<16xf32>
      %mul3A_1165 = arith.mulf %get3A_1160, %get3A_1112 : vector<16xf32>
      %add3A_1166 = arith.addf %mul3A_1164, %mul3A_1165 : vector<16xf32>
      %add3A_1167 = arith.constant 16 : i32
      %add3A_1168 = arith.addi %mul3A_1116, %add3A_1167 : i32
      %get3A_1169 = arith.constant 0 : i32
      %get3A_1170 = arith.index_cast %get3A_1169 : i32 to index
      %get3A_1171 = arith.index_cast %shift_right_logical3A_1113 : i32 to index
      %get3A_1172 = arith.index_cast %add3A_1168 : i32 to index
      %get3A_1173 = tpu.vector_load %arg10[%get3A_1170, %get3A_1171, %get3A_1172] {strides = array<i32>} : memref<2x64x128xf32, #tpu.memory_space<vmem>>, vector<1x1x16xf32>,
      %get3A_1174 = vector.shape_cast %get3A_1173 : vector<1x1x16xf32> to vector<16xf32>
      %add3A_1175 = arith.addf %add3A_1166, %get3A_1174 : vector<16xf32>
      %swap3A_1176 = arith.constant 0 : i32
      %swap3A_1177 = arith.index_cast %swap3A_1176 : i32 to index
      %swap3A_1178 = arith.index_cast %shift_right_logical3A_1113 : i32 to index
      %swap3A_1179 = arith.index_cast %add3A_1168 : i32 to index
      %swap3A_1180 = tpu.vector_load %arg11[%swap3A_1177, %swap3A_1178, %swap3A_1179] {strides = array<i32>} : memref<2x64x128xf32, #tpu.memory_space<vmem>>, vector<1x1x16xf32>,
      %swap3A_1181 = vector.shape_cast %swap3A_1180 : vector<1x1x16xf32> to vector<16xf32>
      %swap3A_1182 = vector.shape_cast %add3A_1175 : vector<16xf32> to vector<1x1x16xf32>
      tpu.vector_store %arg11[%swap3A_1177, %swap3A_1178, %swap3A_1179], %swap3A_1182 {strides = array<i32>} : memref<2x64x128xf32, #tpu.memory_space<vmem>>, vector<1x1x16xf32>,
      %get3A_1183 = arith.constant 0 : i32
      %get3A_1184 = arith.index_cast %get3A_1183 : i32 to index
      %get3A_1185 = arith.index_cast %scan3A_1107 : i32 to index
      %get3A_1186 = arith.constant 32 : index
      %get3A_1187 = tpu.vector_load %arg8[%get3A_1184, %get3A_1185, %get3A_1186] {strides = array<i32>} : memref<2x128x128xf32, #tpu.memory_space<vmem>>, vector<1x1x16xf32>,
      %get3A_1188 = vector.shape_cast %get3A_1187 : vector<1x1x16xf32> to vector<16xf32>
      %get3A_1189 = arith.constant 0 : i32
      %get3A_1190 = arith.index_cast %get3A_1189 : i32 to index
      %get3A_1191 = arith.index_cast %scan3A_1107 : i32 to index
      %get3A_1192 = arith.constant 96 : index
      %get3A_1193 = tpu.vector_load %arg8[%get3A_1190, %get3A_1191, %get3A_1192] {strides = array<i32>} : memref<2x128x128xf32, #tpu.memory_space<vmem>>, vector<1x1x16xf32>,
      %get3A_1194 = vector.shape_cast %get3A_1193 : vector<1x1x16xf32> to vector<16xf32>
      %sub3A_1195 = arith.constant 1.000000e+00 : f32
      %sub3A_1196 = vector.broadcast %sub3A_1195 : f32 to vector<16xf32>
      %sub3A_1197 = arith.subf %sub3A_1196, %get3A_1112 : vector<16xf32>
      %mul3A_1198 = arith.mulf %get3A_1188, %sub3A_1197 : vector<16xf32>
      %mul3A_1199 = arith.mulf %get3A_1194, %get3A_1112 : vector<16xf32>
      %add3A_1200 = arith.addf %mul3A_1198, %mul3A_1199 : vector<16xf32>
      %add3A_1201 = arith.constant 32 : i32
      %add3A_1202 = arith.addi %mul3A_1116, %add3A_1201 : i32
      %get3A_1203 = arith.constant 0 : i32
      %get3A_1204 = arith.index_cast %get3A_1203 : i32 to index
      %get3A_1205 = arith.index_cast %shift_right_logical3A_1113 : i32 to index
      %get3A_1206 = arith.index_cast %add3A_1202 : i32 to index
      %get3A_1207 = tpu.vector_load %arg10[%get3A_1204, %get3A_1205, %get3A_1206] {strides = array<i32>} : memref<2x64x128xf32, #tpu.memory_space<vmem>>, vector<1x1x16xf32>,
      %get3A_1208 = vector.shape_cast %get3A_1207 : vector<1x1x16xf32> to vector<16xf32>
      %add3A_1209 = arith.addf %add3A_1200, %get3A_1208 : vector<16xf32>
      %swap3A_1210 = arith.constant 0 : i32
      %swap3A_1211 = arith.index_cast %swap3A_1210 : i32 to index
      %swap3A_1212 = arith.index_cast %shift_right_logical3A_1113 : i32 to index
      %swap3A_1213 = arith.index_cast %add3A_1202 : i32 to index
      %swap3A_1214 = tpu.vector_load %arg11[%swap3A_1211, %swap3A_1212, %swap3A_1213] {strides = array<i32>} : memref<2x64x128xf32, #tpu.memory_space<vmem>>, vector<1x1x16xf32>,
      %swap3A_1215 = vector.shape_cast %swap3A_1214 : vector<1x1x16xf32> to vector<16xf32>
      %swap3A_1216 = vector.shape_cast %add3A_1209 : vector<16xf32> to vector<1x1x16xf32>
      tpu.vector_store %arg11[%swap3A_1211, %swap3A_1212, %swap3A_1213], %swap3A_1216 {strides = array<i32>} : memref<2x64x128xf32, #tpu.memory_space<vmem>>, vector<1x1x16xf32>,
      %get3A_1217 = arith.constant 0 : i32
      %get3A_1218 = arith.index_cast %get3A_1217 : i32 to index
      %get3A_1219 = arith.index_cast %scan3A_1107 : i32 to index
      %get3A_1220 = arith.constant 48 : index
      %get3A_1221 = tpu.vector_load %arg8[%get3A_1218, %get3A_1219, %get3A_1220] {strides = array<i32>} : memref<2x128x128xf32, #tpu.memory_space<vmem>>, vector<1x1x16xf32>,
      %get3A_1222 = vector.shape_cast %get3A_1221 : vector<1x1x16xf32> to vector<16xf32>
      %get3A_1223 = arith.constant 0 : i32
      %get3A_1224 = arith.index_cast %get3A_1223 : i32 to index
      %get3A_1225 = arith.index_cast %scan3A_1107 : i32 to index
      %get3A_1226 = arith.constant 112 : index
      %get3A_1227 = tpu.vector_load %arg8[%get3A_1224, %get3A_1225, %get3A_1226] {strides = array<i32>} : memref<2x128x128xf32, #tpu.memory_space<vmem>>, vector<1x1x16xf32>,
      %get3A_1228 = vector.shape_cast %get3A_1227 : vector<1x1x16xf32> to vector<16xf32>
      %sub3A_1229 = arith.constant 1.000000e+00 : f32
      %sub3A_1230 = vector.broadcast %sub3A_1229 : f32 to vector<16xf32>
      %sub3A_1231 = arith.subf %sub3A_1230, %get3A_1112 : vector<16xf32>
      %mul3A_1232 = arith.mulf %get3A_1222, %sub3A_1231 : vector<16xf32>
      %mul3A_1233 = arith.mulf %get3A_1228, %get3A_1112 : vector<16xf32>
      %add3A_1234 = arith.addf %mul3A_1232, %mul3A_1233 : vector<16xf32>
      %add3A_1235 = arith.constant 48 : i32
      %add3A_1236 = arith.addi %mul3A_1116, %add3A_1235 : i32
      %get3A_1237 = arith.constant 0 : i32
      %get3A_1238 = arith.index_cast %get3A_1237 : i32 to index
      %get3A_1239 = arith.index_cast %shift_right_logical3A_1113 : i32 to index
      %get3A_1240 = arith.index_cast %add3A_1236 : i32 to index
      %get3A_1241 = tpu.vector_load %arg10[%get3A_1238, %get3A_1239, %get3A_1240] {strides = array<i32>} : memref<2x64x128xf32, #tpu.memory_space<vmem>>, vector<1x1x16xf32>,
      %get3A_1242 = vector.shape_cast %get3A_1241 : vector<1x1x16xf32> to vector<16xf32>
      %add3A_1243 = arith.addf %add3A_1234, %get3A_1242 : vector<16xf32>
      %swap3A_1244 = arith.constant 0 : i32
      %swap3A_1245 = arith.index_cast %swap3A_1244 : i32 to index
      %swap3A_1246 = arith.index_cast %shift_right_logical3A_1113 : i32 to index
      %swap3A_1247 = arith.index_cast %add3A_1236 : i32 to index
      %swap3A_1248 = tpu.vector_load %arg11[%swap3A_1245, %swap3A_1246, %swap3A_1247] {strides = array<i32>} : memref<2x64x128xf32, #tpu.memory_space<vmem>>, vector<1x1x16xf32>,
      %swap3A_1249 = vector.shape_cast %swap3A_1248 : vector<1x1x16xf32> to vector<16xf32>
      %swap3A_1250 = vector.shape_cast %add3A_1243 : vector<16xf32> to vector<1x1x16xf32>
      tpu.vector_store %arg11[%swap3A_1245, %swap3A_1246, %swap3A_1247], %swap3A_1250 {strides = array<i32>} : memref<2x64x128xf32, #tpu.memory_space<vmem>>, vector<1x1x16xf32>,
    }
    %scan3A_153 = arith.constant 128 : i32
    %add3A_154 = arith.constant 0 : i32
    %add3A_155 = arith.addi %mul3A_5, %add3A_154 : i32
    %dma_start3A_156 = arith.constant 0 : i32
    %dma_start3A_157 = arith.constant 0 : i32
    %dma_start3A_158 = arith.constant 0 : i32
    %dma_start3A_159 = tpu.memref_slice %arg11[%dma_start3A_156, %dma_start3A_157, %dma_start3A_158] : memref<2x64x128xf32, #tpu.memory_space<vmem>> -> memref<1x64x128xf32, #tpu.memory_space<vmem>>
    %dma_start3A_160 = tpu.memref_squeeze %dma_start3A_159 : memref<1x64x128xf32, #tpu.memory_space<vmem>> -> memref<64x128xf32, #tpu.memory_space<vmem>>
    %dma_start3A_161 = arith.constant 0 : i32
    %dma_start3A_162 = arith.constant 0 : i32
    %dma_start3A_163 = tpu.memref_slice %arg6[%add3A_155, %dma_start3A_161, %dma_start3A_162] : memref<256x64x128xf32, #tpu.memory_space<hbm>> -> memref<1x64x128xf32, #tpu.memory_space<hbm>>
    %dma_start3A_164 = tpu.memref_squeeze %dma_start3A_163 : memref<1x64x128xf32, #tpu.memory_space<hbm>> -> memref<64x128xf32, #tpu.memory_space<hbm>>
    %dma_start3A_165 = arith.constant 0 : i32
    %dma_start3A_166 = arith.constant 0 : i32
    %dma_start3A_167 = tpu.memref_slice %arg6[%add3A_155, %dma_start3A_165, %dma_start3A_166] : memref<256x64x128xf32, #tpu.memory_space<hbm>> -> memref<1x64x128xf32, #tpu.memory_space<hbm>>
    %dma_start3A_168 = tpu.memref_squeeze %dma_start3A_167 : memref<1x64x128xf32, #tpu.memory_space<hbm>> -> memref<64x128xf32, #tpu.memory_space<hbm>>
    %dma_start3A_169 = arith.constant 0 : i32
    %dma_start3A_170 = arith.constant 0 : i32
    %dma_start3A_171 = tpu.memref_slice %arg11[%dma_start3A_156, %dma_start3A_169, %dma_start3A_170] : memref<2x64x128xf32, #tpu.memory_space<vmem>> -> memref<1x64x128xf32, #tpu.memory_space<vmem>>
    %dma_start3A_172 = tpu.memref_squeeze %dma_start3A_171 : memref<1x64x128xf32, #tpu.memory_space<vmem>> -> memref<64x128xf32, #tpu.memory_space<vmem>>
    tpu.enqueue_dma source(%dma_start3A_172 : memref<64x128xf32, #tpu.memory_space<vmem>>) target(%dma_start3A_168 : memref<64x128xf32, #tpu.memory_space<hbm>>) target_semaphore(%arg18 : memref<!tpu.dma_semaphore, #tpu.memory_space<semaphore_mem>>)
    %dma_start3A_173 = arith.constant 2 : i32
    %dma_start3A_174 = arith.constant 0 : i32
    %dma_start3A_175 = arith.constant 0 : i32
    %dma_start3A_176 = arith.constant 0 : i32
    %dma_start3A_177 = tpu.memref_slice %arg8[%dma_start3A_174, %dma_start3A_175, %dma_start3A_176] : memref<2x128x128xf32, #tpu.memory_space<vmem>> -> memref<1x128x128xf32, #tpu.memory_space<vmem>>
    %dma_start3A_178 = tpu.memref_squeeze %dma_start3A_177 : memref<1x128x128xf32, #tpu.memory_space<vmem>> -> memref<128x128xf32, #tpu.memory_space<vmem>>
    %dma_start3A_179 = arith.constant 0 : i32
    %dma_start3A_180 = tpu.memref_slice %arg7[%dma_start3A_173, %dma_start3A_179] : memref<8x128xi32, #tpu.memory_space<vmem>> -> memref<1x128xi32, #tpu.memory_space<vmem>>
    %dma_start3A_181 = tpu.memref_squeeze %dma_start3A_180 : memref<1x128xi32, #tpu.memory_space<vmem>> -> memref<128xi32, #tpu.memory_space<vmem>>
    %dma_start3A_182 = arith.constant 0 : i32
    %dma_start3A_183 = arith.constant 0 : i32
    %dma_start3A_184 = tpu.memref_slice %arg4[%dma_start3A_182, %dma_start3A_183] : memref<500000x128xf32, #tpu.memory_space<hbm>> -> memref<500000x128xf32, #tpu.memory_space<hbm>>
    tpu.enqueue_indirect_dma source(%dma_start3A_184 : memref<500000x128xf32, #tpu.memory_space<hbm>>) target(%dma_start3A_178 : memref<128x128xf32, #tpu.memory_space<vmem>>) offsets(%dma_start3A_181 : memref<128xi32, #tpu.memory_space<vmem>>) semaphore(%arg12 : memref<!tpu.dma_semaphore, #tpu.memory_space<semaphore_mem>>)
    %add3A_185 = arith.constant 2 : i32
    %add3A_186 = arith.addi %mul3A_3, %add3A_185 : i32
    %dma_start3A_187 = arith.constant 0 : i32
    %dma_start3A_188 = arith.constant 0 : i32
    %dma_start3A_189 = arith.constant 0 : i32
    %dma_start3A_190 = tpu.memref_slice %arg10[%dma_start3A_187, %dma_start3A_188, %dma_start3A_189] : memref<2x64x128xf32, #tpu.memory_space<vmem>> -> memref<1x64x128xf32, #tpu.memory_space<vmem>>
    %dma_start3A_191 = tpu.memref_squeeze %dma_start3A_190 : memref<1x64x128xf32, #tpu.memory_space<vmem>> -> memref<64x128xf32, #tpu.memory_space<vmem>>
    %dma_start3A_192 = arith.constant 0 : i32
    %dma_start3A_193 = arith.constant 0 : i32
    %dma_start3A_194 = tpu.memref_slice %arg5[%add3A_186, %dma_start3A_192, %dma_start3A_193] : memref<64x64x128xf32, #tpu.memory_space<hbm>> -> memref<1x64x128xf32, #tpu.memory_space<hbm>>
    %dma_start3A_195 = tpu.memref_squeeze %dma_start3A_194 : memref<1x64x128xf32, #tpu.memory_space<hbm>> -> memref<64x128xf32, #tpu.memory_space<hbm>>
    %dma_start3A_196 = arith.constant 0 : i32
    %dma_start3A_197 = arith.constant 0 : i32
    %dma_start3A_198 = tpu.memref_slice %arg10[%dma_start3A_187, %dma_start3A_196, %dma_start3A_197] : memref<2x64x128xf32, #tpu.memory_space<vmem>> -> memref<1x64x128xf32, #tpu.memory_space<vmem>>
    %dma_start3A_199 = tpu.memref_squeeze %dma_start3A_198 : memref<1x64x128xf32, #tpu.memory_space<vmem>> -> memref<64x128xf32, #tpu.memory_space<vmem>>
    %dma_start3A_200 = arith.constant 0 : i32
    %dma_start3A_201 = arith.constant 0 : i32
    %dma_start3A_202 = tpu.memref_slice %arg5[%add3A_186, %dma_start3A_200, %dma_start3A_201] : memref<64x64x128xf32, #tpu.memory_space<hbm>> -> memref<1x64x128xf32, #tpu.memory_space<hbm>>
    %dma_start3A_203 = tpu.memref_squeeze %dma_start3A_202 : memref<1x64x128xf32, #tpu.memory_space<hbm>> -> memref<64x128xf32, #tpu.memory_space<hbm>>
    tpu.enqueue_dma source(%dma_start3A_203 : memref<64x128xf32, #tpu.memory_space<hbm>>) target(%dma_start3A_199 : memref<64x128xf32, #tpu.memory_space<vmem>>) target_semaphore(%arg14 : memref<!tpu.dma_semaphore, #tpu.memory_space<semaphore_mem>>)
    %dma_start3A_204 = arith.constant 2 : i32
    %dma_start3A_205 = arith.constant 0 : i32
    %dma_start3A_206 = arith.constant 0 : i32
    %dma_start3A_207 = arith.constant 0 : i32
    %dma_start3A_208 = tpu.memref_slice %arg9[%dma_start3A_205, %dma_start3A_206, %dma_start3A_207] : memref<2x128x16xf32, #tpu.memory_space<vmem>> -> memref<1x128x16xf32, #tpu.memory_space<vmem>>
    %dma_start3A_209 = tpu.memref_squeeze %dma_start3A_208 : memref<1x128x16xf32, #tpu.memory_space<vmem>> -> memref<128x16xf32, #tpu.memory_space<vmem>>
    %dma_start3A_210 = arith.constant 0 : i32
    %dma_start3A_211 = arith.constant 0 : i32
    %dma_start3A_212 = tpu.memref_slice %arg3[%add3A, %dma_start3A_204, %dma_start3A_210, %dma_start3A_211] : memref<32x8x128x16xf32, #tpu.memory_space<hbm>> -> memref<1x1x128x16xf32, #tpu.memory_space<hbm>>
    %dma_start3A_213 = tpu.memref_squeeze %dma_start3A_212 : memref<1x1x128x16xf32, #tpu.memory_space<hbm>> -> memref<128x16xf32, #tpu.memory_space<hbm>>
    %dma_start3A_214 = arith.constant 0 : i32
    %dma_start3A_215 = arith.constant 0 : i32
    %dma_start3A_216 = tpu.memref_slice %arg9[%dma_start3A_205, %dma_start3A_214, %dma_start3A_215] : memref<2x128x16xf32, #tpu.memory_space<vmem>> -> memref<1x128x16xf32, #tpu.memory_space<vmem>>
    %dma_start3A_217 = tpu.memref_squeeze %dma_start3A_216 : memref<1x128x16xf32, #tpu.memory_space<vmem>> -> memref<128x16xf32, #tpu.memory_space<vmem>>
    %dma_start3A_218 = arith.constant 0 : i32
    %dma_start3A_219 = arith.constant 0 : i32
    %dma_start3A_220 = tpu.memref_slice %arg3[%add3A, %dma_start3A_204, %dma_start3A_218, %dma_start3A_219] : memref<32x8x128x16xf32, #tpu.memory_space<hbm>> -> memref<1x1x128x16xf32, #tpu.memory_space<hbm>>
    %dma_start3A_221 = tpu.memref_squeeze %dma_start3A_220 : memref<1x1x128x16xf32, #tpu.memory_space<hbm>> -> memref<128x16xf32, #tpu.memory_space<hbm>>
    tpu.enqueue_dma source(%dma_start3A_221 : memref<128x16xf32, #tpu.memory_space<hbm>>) target(%dma_start3A_217 : memref<128x16xf32, #tpu.memory_space<vmem>>) target_semaphore(%arg16 : memref<!tpu.dma_semaphore, #tpu.memory_space<semaphore_mem>>)
    %dma_wait3A_222 = arith.constant 1 : i32
    %dma_wait3A_223 = arith.constant 1 : i32
    %dma_wait3A_224 = arith.constant 0 : i32
    %dma_wait3A_225 = arith.constant 0 : i32
    %dma_wait3A_226 = tpu.memref_slice %arg8[%dma_wait3A_223, %dma_wait3A_224, %dma_wait3A_225] : memref<2x128x128xf32, #tpu.memory_space<vmem>> -> memref<1x128x128xf32, #tpu.memory_space<vmem>>
    %dma_wait3A_227 = tpu.memref_squeeze %dma_wait3A_226 : memref<1x128x128xf32, #tpu.memory_space<vmem>> -> memref<128x128xf32, #tpu.memory_space<vmem>>
    %dma_wait3A_228 = arith.constant 0 : i32
    %dma_wait3A_229 = tpu.memref_slice %arg7[%dma_wait3A_222, %dma_wait3A_228] : memref<8x128xi32, #tpu.memory_space<vmem>> -> memref<1x128xi32, #tpu.memory_space<vmem>>
    %dma_wait3A_230 = tpu.memref_squeeze %dma_wait3A_229 : memref<1x128xi32, #tpu.memory_space<vmem>> -> memref<128xi32, #tpu.memory_space<vmem>>
    %dma_wait3A_231 = arith.constant 0 : i32
    %dma_wait3A_232 = arith.constant 0 : i32
    %dma_wait3A_233 = tpu.memref_slice %arg4[%dma_wait3A_231, %dma_wait3A_232] : memref<500000x128xf32, #tpu.memory_space<hbm>> -> memref<500000x128xf32, #tpu.memory_space<hbm>>
    tpu.wait_indirect_dma semaphore(%arg13 : memref<!tpu.dma_semaphore, #tpu.memory_space<semaphore_mem>>) src(%dma_wait3A_233 : memref<500000x128xf32, #tpu.memory_space<hbm>>) dst(%dma_wait3A_227 : memref<128x128xf32, #tpu.memory_space<vmem>>)
    %dma_wait3A_234 = arith.constant 1 : i32
    %dma_wait3A_235 = arith.constant 0 : i32
    %dma_wait3A_236 = arith.constant 0 : i32
    %dma_wait3A_237 = tpu.memref_slice %arg10[%dma_wait3A_234, %dma_wait3A_235, %dma_wait3A_236] : memref<2x64x128xf32, #tpu.memory_space<vmem>> -> memref<1x64x128xf32, #tpu.memory_space<vmem>>
    %dma_wait3A_238 = tpu.memref_squeeze %dma_wait3A_237 : memref<1x64x128xf32, #tpu.memory_space<vmem>> -> memref<64x128xf32, #tpu.memory_space<vmem>>
    %dma_wait3A_239 = arith.constant 0 : i32
    %dma_wait3A_240 = arith.constant 0 : i32
    %dma_wait3A_241 = tpu.memref_slice %arg5[%add3A_67, %dma_wait3A_239, %dma_wait3A_240] : memref<64x64x128xf32, #tpu.memory_space<hbm>> -> memref<1x64x128xf32, #tpu.memory_space<hbm>>
    %dma_wait3A_242 = tpu.memref_squeeze %dma_wait3A_241 : memref<1x64x128xf32, #tpu.memory_space<hbm>> -> memref<64x128xf32, #tpu.memory_space<hbm>>
    %dma_wait3A_243 = arith.constant 0 : i32
    %dma_wait3A_244 = arith.constant 0 : i32
    %dma_wait3A_245 = tpu.memref_slice %arg10[%dma_wait3A_234, %dma_wait3A_243, %dma_wait3A_244] : memref<2x64x128xf32, #tpu.memory_space<vmem>> -> memref<1x64x128xf32, #tpu.memory_space<vmem>>
    %dma_wait3A_246 = tpu.memref_squeeze %dma_wait3A_245 : memref<1x64x128xf32, #tpu.memory_space<vmem>> -> memref<64x128xf32, #tpu.memory_space<vmem>>
    %dma_wait3A_247 = arith.constant 0 : i32
    %dma_wait3A_248 = arith.constant 0 : i32
    %dma_wait3A_249 = tpu.memref_slice %arg5[%add3A_67, %dma_wait3A_247, %dma_wait3A_248] : memref<64x64x128xf32, #tpu.memory_space<hbm>> -> memref<1x64x128xf32, #tpu.memory_space<hbm>>
    %dma_wait3A_250 = tpu.memref_squeeze %dma_wait3A_249 : memref<1x64x128xf32, #tpu.memory_space<hbm>> -> memref<64x128xf32, #tpu.memory_space<hbm>>
    tpu.wait_dma2 semaphore(%arg15 : memref<!tpu.dma_semaphore, #tpu.memory_space<semaphore_mem>>) src(%dma_wait3A_250 : memref<64x128xf32, #tpu.memory_space<hbm>>) dst(%dma_wait3A_246 : memref<64x128xf32, #tpu.memory_space<vmem>>)
    %dma_wait3A_251 = arith.constant 1 : i32
    %dma_wait3A_252 = arith.constant 1 : i32
    %dma_wait3A_253 = arith.constant 0 : i32
    %dma_wait3A_254 = arith.constant 0 : i32
    %dma_wait3A_255 = tpu.memref_slice %arg9[%dma_wait3A_252, %dma_wait3A_253, %dma_wait3A_254] : memref<2x128x16xf32, #tpu.memory_space<vmem>> -> memref<1x128x16xf32, #tpu.memory_space<vmem>>
    %dma_wait3A_256 = tpu.memref_squeeze %dma_wait3A_255 : memref<1x128x16xf32, #tpu.memory_space<vmem>> -> memref<128x16xf32, #tpu.memory_space<vmem>>
    %dma_wait3A_257 = arith.constant 0 : i32
    %dma_wait3A_258 = arith.constant 0 : i32
    %dma_wait3A_259 = tpu.memref_slice %arg3[%add3A, %dma_wait3A_251, %dma_wait3A_257, %dma_wait3A_258] : memref<32x8x128x16xf32, #tpu.memory_space<hbm>> -> memref<1x1x128x16xf32, #tpu.memory_space<hbm>>
    %dma_wait3A_260 = tpu.memref_squeeze %dma_wait3A_259 : memref<1x1x128x16xf32, #tpu.memory_space<hbm>> -> memref<128x16xf32, #tpu.memory_space<hbm>>
    %dma_wait3A_261 = arith.constant 0 : i32
    %dma_wait3A_262 = arith.constant 0 : i32
    %dma_wait3A_263 = tpu.memref_slice %arg9[%dma_wait3A_252, %dma_wait3A_261, %dma_wait3A_262] : memref<2x128x16xf32, #tpu.memory_space<vmem>> -> memref<1x128x16xf32, #tpu.memory_space<vmem>>
    %dma_wait3A_264 = tpu.memref_squeeze %dma_wait3A_263 : memref<1x128x16xf32, #tpu.memory_space<vmem>> -> memref<128x16xf32, #tpu.memory_space<vmem>>
    %dma_wait3A_265 = arith.constant 0 : i32
    %dma_wait3A_266 = arith.constant 0 : i32
    %dma_wait3A_267 = tpu.memref_slice %arg3[%add3A, %dma_wait3A_251, %dma_wait3A_265, %dma_wait3A_266] : memref<32x8x128x16xf32, #tpu.memory_space<hbm>> -> memref<1x1x128x16xf32, #tpu.memory_space<hbm>>
    %dma_wait3A_268 = tpu.memref_squeeze %dma_wait3A_267 : memref<1x1x128x16xf32, #tpu.memory_space<hbm>> -> memref<128x16xf32, #tpu.memory_space<hbm>>
    tpu.wait_dma2 semaphore(%arg17 : memref<!tpu.dma_semaphore, #tpu.memory_space<semaphore_mem>>) src(%dma_wait3A_268 : memref<128x16xf32, #tpu.memory_space<hbm>>) dst(%dma_wait3A_264 : memref<128x16xf32, #tpu.memory_space<vmem>>)
    %scan3A_269 = arith.constant 0 : i32
    %scan3A_270 = arith.constant 0 : i32
    %scan3A_271 = arith.constant 128 : i32
    %scan3A_272 = arith.addi %scan3A_270, %scan3A_271 : i32
    %scan3A_273 = arith.constant 1 : i32
    scf.for %scan3A_1107 = %scan3A_270 to %scan3A_272 step %scan3A_273  : i32 {
      %get3A = arith.constant 1 : i32
      %get3A_1108 = arith.index_cast %get3A : i32 to index
      %get3A_1109 = arith.index_cast %scan3A_1107 : i32 to index
      %get3A_1110 = arith.constant 0 : index
      %get3A_1111 = tpu.vector_load %arg9[%get3A_1108, %get3A_1109, %get3A_1110] {strides = array<i32>} : memref<2x128x16xf32, #tpu.memory_space<vmem>>, vector<1x1x16xf32>,
      %get3A_1112 = vector.shape_cast %get3A_1111 : vector<1x1x16xf32> to vector<16xf32>
      %shift_right_logical3A = arith.constant 1 : i32
      %shift_right_logical3A_1113 = arith.shrui %scan3A_1107, %shift_right_logical3A : i32
      %and3A = arith.constant 1 : i32
      %and3A_1114 = arith.andi %scan3A_1107, %and3A : i32
      %mul3A_1115 = arith.constant 64 : i32
      %mul3A_1116 = arith.muli %and3A_1114, %mul3A_1115 : i32
      %get3A_1117 = arith.constant 1 : i32
      %get3A_1118 = arith.index_cast %get3A_1117 : i32 to index
      %get3A_1119 = arith.index_cast %scan3A_1107 : i32 to index
      %get3A_1120 = arith.constant 0 : index
      %get3A_1121 = tpu.vector_load %arg8[%get3A_1118, %get3A_1119, %get3A_1120] {strides = array<i32>} : memref<2x128x128xf32, #tpu.memory_space<vmem>>, vector<1x1x16xf32>,
      %get3A_1122 = vector.shape_cast %get3A_1121 : vector<1x1x16xf32> to vector<16xf32>
      %get3A_1123 = arith.constant 1 : i32
      %get3A_1124 = arith.index_cast %get3A_1123 : i32 to index
      %get3A_1125 = arith.index_cast %scan3A_1107 : i32 to index
      %get3A_1126 = arith.constant 64 : index
      %get3A_1127 = tpu.vector_load %arg8[%get3A_1124, %get3A_1125, %get3A_1126] {strides = array<i32>} : memref<2x128x128xf32, #tpu.memory_space<vmem>>, vector<1x1x16xf32>,
      %get3A_1128 = vector.shape_cast %get3A_1127 : vector<1x1x16xf32> to vector<16xf32>
      %sub3A = arith.constant 1.000000e+00 : f32
      %sub3A_1129 = vector.broadcast %sub3A : f32 to vector<16xf32>
      %sub3A_1130 = arith.subf %sub3A_1129, %get3A_1112 : vector<16xf32>
      %mul3A_1131 = arith.mulf %get3A_1122, %sub3A_1130 : vector<16xf32>
      %mul3A_1132 = arith.mulf %get3A_1128, %get3A_1112 : vector<16xf32>
      %add3A_1133 = arith.addf %mul3A_1131, %mul3A_1132 : vector<16xf32>
      %add3A_1134 = arith.constant 0 : i32
      %add3A_1135 = arith.addi %mul3A_1116, %add3A_1134 : i32
      %get3A_1136 = arith.constant 1 : i32
      %get3A_1137 = arith.index_cast %get3A_1136 : i32 to index
      %get3A_1138 = arith.index_cast %shift_right_logical3A_1113 : i32 to index
      %get3A_1139 = arith.index_cast %add3A_1135 : i32 to index
      %get3A_1140 = tpu.vector_load %arg10[%get3A_1137, %get3A_1138, %get3A_1139] {strides = array<i32>} : memref<2x64x128xf32, #tpu.memory_space<vmem>>, vector<1x1x16xf32>,
      %get3A_1141 = vector.shape_cast %get3A_1140 : vector<1x1x16xf32> to vector<16xf32>
      %add3A_1142 = arith.addf %add3A_1133, %get3A_1141 : vector<16xf32>
      %swap3A = arith.constant 1 : i32
      %swap3A_1143 = arith.index_cast %swap3A : i32 to index
      %swap3A_1144 = arith.index_cast %shift_right_logical3A_1113 : i32 to index
      %swap3A_1145 = arith.index_cast %add3A_1135 : i32 to index
      %swap3A_1146 = tpu.vector_load %arg11[%swap3A_1143, %swap3A_1144, %swap3A_1145] {strides = array<i32>} : memref<2x64x128xf32, #tpu.memory_space<vmem>>, vector<1x1x16xf32>,
      %swap3A_1147 = vector.shape_cast %swap3A_1146 : vector<1x1x16xf32> to vector<16xf32>
      %swap3A_1148 = vector.shape_cast %add3A_1142 : vector<16xf32> to vector<1x1x16xf32>
      tpu.vector_store %arg11[%swap3A_1143, %swap3A_1144, %swap3A_1145], %swap3A_1148 {strides = array<i32>} : memref<2x64x128xf32, #tpu.memory_space<vmem>>, vector<1x1x16xf32>,
      %get3A_1149 = arith.constant 1 : i32
      %get3A_1150 = arith.index_cast %get3A_1149 : i32 to index
      %get3A_1151 = arith.index_cast %scan3A_1107 : i32 to index
      %get3A_1152 = arith.constant 16 : index
      %get3A_1153 = tpu.vector_load %arg8[%get3A_1150, %get3A_1151, %get3A_1152] {strides = array<i32>} : memref<2x128x128xf32, #tpu.memory_space<vmem>>, vector<1x1x16xf32>,
      %get3A_1154 = vector.shape_cast %get3A_1153 : vector<1x1x16xf32> to vector<16xf32>
      %get3A_1155 = arith.constant 1 : i32
      %get3A_1156 = arith.index_cast %get3A_1155 : i32 to index
      %get3A_1157 = arith.index_cast %scan3A_1107 : i32 to index
      %get3A_1158 = arith.constant 80 : index
      %get3A_1159 = tpu.vector_load %arg8[%get3A_1156, %get3A_1157, %get3A_1158] {strides = array<i32>} : memref<2x128x128xf32, #tpu.memory_space<vmem>>, vector<1x1x16xf32>,
      %get3A_1160 = vector.shape_cast %get3A_1159 : vector<1x1x16xf32> to vector<16xf32>
      %sub3A_1161 = arith.constant 1.000000e+00 : f32
      %sub3A_1162 = vector.broadcast %sub3A_1161 : f32 to vector<16xf32>
      %sub3A_1163 = arith.subf %sub3A_1162, %get3A_1112 : vector<16xf32>
      %mul3A_1164 = arith.mulf %get3A_1154, %sub3A_1163 : vector<16xf32>
      %mul3A_1165 = arith.mulf %get3A_1160, %get3A_1112 : vector<16xf32>
      %add3A_1166 = arith.addf %mul3A_1164, %mul3A_1165 : vector<16xf32>
      %add3A_1167 = arith.constant 16 : i32
      %add3A_1168 = arith.addi %mul3A_1116, %add3A_1167 : i32
      %get3A_1169 = arith.constant 1 : i32
      %get3A_1170 = arith.index_cast %get3A_1169 : i32 to index
      %get3A_1171 = arith.index_cast %shift_right_logical3A_1113 : i32 to index
      %get3A_1172 = arith.index_cast %add3A_1168 : i32 to index
      %get3A_1173 = tpu.vector_load %arg10[%get3A_1170, %get3A_1171, %get3A_1172] {strides = array<i32>} : memref<2x64x128xf32, #tpu.memory_space<vmem>>, vector<1x1x16xf32>,
      %get3A_1174 = vector.shape_cast %get3A_1173 : vector<1x1x16xf32> to vector<16xf32>
      %add3A_1175 = arith.addf %add3A_1166, %get3A_1174 : vector<16xf32>
      %swap3A_1176 = arith.constant 1 : i32
      %swap3A_1177 = arith.index_cast %swap3A_1176 : i32 to index
      %swap3A_1178 = arith.index_cast %shift_right_logical3A_1113 : i32 to index
      %swap3A_1179 = arith.index_cast %add3A_1168 : i32 to index
      %swap3A_1180 = tpu.vector_load %arg11[%swap3A_1177, %swap3A_1178, %swap3A_1179] {strides = array<i32>} : memref<2x64x128xf32, #tpu.memory_space<vmem>>, vector<1x1x16xf32>,
      %swap3A_1181 = vector.shape_cast %swap3A_1180 : vector<1x1x16xf32> to vector<16xf32>
      %swap3A_1182 = vector.shape_cast %add3A_1175 : vector<16xf32> to vector<1x1x16xf32>
      tpu.vector_store %arg11[%swap3A_1177, %swap3A_1178, %swap3A_1179], %swap3A_1182 {strides = array<i32>} : memref<2x64x128xf32, #tpu.memory_space<vmem>>, vector<1x1x16xf32>,
      %get3A_1183 = arith.constant 1 : i32
      %get3A_1184 = arith.index_cast %get3A_1183 : i32 to index
      %get3A_1185 = arith.index_cast %scan3A_1107 : i32 to index
      %get3A_1186 = arith.constant 32 : index
      %get3A_1187 = tpu.vector_load %arg8[%get3A_1184, %get3A_1185, %get3A_1186] {strides = array<i32>} : memref<2x128x128xf32, #tpu.memory_space<vmem>>, vector<1x1x16xf32>,
      %get3A_1188 = vector.shape_cast %get3A_1187 : vector<1x1x16xf32> to vector<16xf32>
      %get3A_1189 = arith.constant 1 : i32
      %get3A_1190 = arith.index_cast %get3A_1189 : i32 to index
      %get3A_1191 = arith.index_cast %scan3A_1107 : i32 to index
      %get3A_1192 = arith.constant 96 : index
      %get3A_1193 = tpu.vector_load %arg8[%get3A_1190, %get3A_1191, %get3A_1192] {strides = array<i32>} : memref<2x128x128xf32, #tpu.memory_space<vmem>>, vector<1x1x16xf32>,
      %get3A_1194 = vector.shape_cast %get3A_1193 : vector<1x1x16xf32> to vector<16xf32>
      %sub3A_1195 = arith.constant 1.000000e+00 : f32
      %sub3A_1196 = vector.broadcast %sub3A_1195 : f32 to vector<16xf32>
      %sub3A_1197 = arith.subf %sub3A_1196, %get3A_1112 : vector<16xf32>
      %mul3A_1198 = arith.mulf %get3A_1188, %sub3A_1197 : vector<16xf32>
      %mul3A_1199 = arith.mulf %get3A_1194, %get3A_1112 : vector<16xf32>
      %add3A_1200 = arith.addf %mul3A_1198, %mul3A_1199 : vector<16xf32>
      %add3A_1201 = arith.constant 32 : i32
      %add3A_1202 = arith.addi %mul3A_1116, %add3A_1201 : i32
      %get3A_1203 = arith.constant 1 : i32
      %get3A_1204 = arith.index_cast %get3A_1203 : i32 to index
      %get3A_1205 = arith.index_cast %shift_right_logical3A_1113 : i32 to index
      %get3A_1206 = arith.index_cast %add3A_1202 : i32 to index
      %get3A_1207 = tpu.vector_load %arg10[%get3A_1204, %get3A_1205, %get3A_1206] {strides = array<i32>} : memref<2x64x128xf32, #tpu.memory_space<vmem>>, vector<1x1x16xf32>,
      %get3A_1208 = vector.shape_cast %get3A_1207 : vector<1x1x16xf32> to vector<16xf32>
      %add3A_1209 = arith.addf %add3A_1200, %get3A_1208 : vector<16xf32>
      %swap3A_1210 = arith.constant 1 : i32
      %swap3A_1211 = arith.index_cast %swap3A_1210 : i32 to index
      %swap3A_1212 = arith.index_cast %shift_right_logical3A_1113 : i32 to index
      %swap3A_1213 = arith.index_cast %add3A_1202 : i32 to index
      %swap3A_1214 = tpu.vector_load %arg11[%swap3A_1211, %swap3A_1212, %swap3A_1213] {strides = array<i32>} : memref<2x64x128xf32, #tpu.memory_space<vmem>>, vector<1x1x16xf32>,
      %swap3A_1215 = vector.shape_cast %swap3A_1214 : vector<1x1x16xf32> to vector<16xf32>
      %swap3A_1216 = vector.shape_cast %add3A_1209 : vector<16xf32> to vector<1x1x16xf32>
      tpu.vector_store %arg11[%swap3A_1211, %swap3A_1212, %swap3A_1213], %swap3A_1216 {strides = array<i32>} : memref<2x64x128xf32, #tpu.memory_space<vmem>>, vector<1x1x16xf32>,
      %get3A_1217 = arith.constant 1 : i32
      %get3A_1218 = arith.index_cast %get3A_1217 : i32 to index
      %get3A_1219 = arith.index_cast %scan3A_1107 : i32 to index
      %get3A_1220 = arith.constant 48 : index
      %get3A_1221 = tpu.vector_load %arg8[%get3A_1218, %get3A_1219, %get3A_1220] {strides = array<i32>} : memref<2x128x128xf32, #tpu.memory_space<vmem>>, vector<1x1x16xf32>,
      %get3A_1222 = vector.shape_cast %get3A_1221 : vector<1x1x16xf32> to vector<16xf32>
      %get3A_1223 = arith.constant 1 : i32
      %get3A_1224 = arith.index_cast %get3A_1223 : i32 to index
      %get3A_1225 = arith.index_cast %scan3A_1107 : i32 to index
      %get3A_1226 = arith.constant 112 : index
      %get3A_1227 = tpu.vector_load %arg8[%get3A_1224, %get3A_1225, %get3A_1226] {strides = array<i32>} : memref<2x128x128xf32, #tpu.memory_space<vmem>>, vector<1x1x16xf32>,
      %get3A_1228 = vector.shape_cast %get3A_1227 : vector<1x1x16xf32> to vector<16xf32>
      %sub3A_1229 = arith.constant 1.000000e+00 : f32
      %sub3A_1230 = vector.broadcast %sub3A_1229 : f32 to vector<16xf32>
      %sub3A_1231 = arith.subf %sub3A_1230, %get3A_1112 : vector<16xf32>
      %mul3A_1232 = arith.mulf %get3A_1222, %sub3A_1231 : vector<16xf32>
      %mul3A_1233 = arith.mulf %get3A_1228, %get3A_1112 : vector<16xf32>
      %add3A_1234 = arith.addf %mul3A_1232, %mul3A_1233 : vector<16xf32>
      %add3A_1235 = arith.constant 48 : i32
      %add3A_1236 = arith.addi %mul3A_1116, %add3A_1235 : i32
      %get3A_1237 = arith.constant 1 : i32
      %get3A_1238 = arith.index_cast %get3A_1237 : i32 to index
      %get3A_1239 = arith.index_cast %shift_right_logical3A_1113 : i32 to index
      %get3A_1240 = arith.index_cast %add3A_1236 : i32 to index
      %get3A_1241 = tpu.vector_load %arg10[%get3A_1238, %get3A_1239, %get3A_1240] {strides = array<i32>} : memref<2x64x128xf32, #tpu.memory_space<vmem>>, vector<1x1x16xf32>,
      %get3A_1242 = vector.shape_cast %get3A_1241 : vector<1x1x16xf32> to vector<16xf32>
      %add3A_1243 = arith.addf %add3A_1234, %get3A_1242 : vector<16xf32>
      %swap3A_1244 = arith.constant 1 : i32
      %swap3A_1245 = arith.index_cast %swap3A_1244 : i32 to index
      %swap3A_1246 = arith.index_cast %shift_right_logical3A_1113 : i32 to index
      %swap3A_1247 = arith.index_cast %add3A_1236 : i32 to index
      %swap3A_1248 = tpu.vector_load %arg11[%swap3A_1245, %swap3A_1246, %swap3A_1247] {strides = array<i32>} : memref<2x64x128xf32, #tpu.memory_space<vmem>>, vector<1x1x16xf32>,
      %swap3A_1249 = vector.shape_cast %swap3A_1248 : vector<1x1x16xf32> to vector<16xf32>
      %swap3A_1250 = vector.shape_cast %add3A_1243 : vector<16xf32> to vector<1x1x16xf32>
      tpu.vector_store %arg11[%swap3A_1245, %swap3A_1246, %swap3A_1247], %swap3A_1250 {strides = array<i32>} : memref<2x64x128xf32, #tpu.memory_space<vmem>>, vector<1x1x16xf32>,
    }
    %scan3A_274 = arith.constant 128 : i32
    %add3A_275 = arith.constant 1 : i32
    %add3A_276 = arith.addi %mul3A_5, %add3A_275 : i32
    %dma_start3A_277 = arith.constant 1 : i32
    %dma_start3A_278 = arith.constant 0 : i32
    %dma_start3A_279 = arith.constant 0 : i32
    %dma_start3A_280 = tpu.memref_slice %arg11[%dma_start3A_277, %dma_start3A_278, %dma_start3A_279] : memref<2x64x128xf32, #tpu.memory_space<vmem>> -> memref<1x64x128xf32, #tpu.memory_space<vmem>>
    %dma_start3A_281 = tpu.memref_squeeze %dma_start3A_280 : memref<1x64x128xf32, #tpu.memory_space<vmem>> -> memref<64x128xf32, #tpu.memory_space<vmem>>
    %dma_start3A_282 = arith.constant 0 : i32
    %dma_start3A_283 = arith.constant 0 : i32
    %dma_start3A_284 = tpu.memref_slice %arg6[%add3A_276, %dma_start3A_282, %dma_start3A_283] : memref<256x64x128xf32, #tpu.memory_space<hbm>> -> memref<1x64x128xf32, #tpu.memory_space<hbm>>
    %dma_start3A_285 = tpu.memref_squeeze %dma_start3A_284 : memref<1x64x128xf32, #tpu.memory_space<hbm>> -> memref<64x128xf32, #tpu.memory_space<hbm>>
    %dma_start3A_286 = arith.constant 0 : i32
    %dma_start3A_287 = arith.constant 0 : i32
    %dma_start3A_288 = tpu.memref_slice %arg6[%add3A_276, %dma_start3A_286, %dma_start3A_287] : memref<256x64x128xf32, #tpu.memory_space<hbm>> -> memref<1x64x128xf32, #tpu.memory_space<hbm>>
    %dma_start3A_289 = tpu.memref_squeeze %dma_start3A_288 : memref<1x64x128xf32, #tpu.memory_space<hbm>> -> memref<64x128xf32, #tpu.memory_space<hbm>>
    %dma_start3A_290 = arith.constant 0 : i32
    %dma_start3A_291 = arith.constant 0 : i32
    %dma_start3A_292 = tpu.memref_slice %arg11[%dma_start3A_277, %dma_start3A_290, %dma_start3A_291] : memref<2x64x128xf32, #tpu.memory_space<vmem>> -> memref<1x64x128xf32, #tpu.memory_space<vmem>>
    %dma_start3A_293 = tpu.memref_squeeze %dma_start3A_292 : memref<1x64x128xf32, #tpu.memory_space<vmem>> -> memref<64x128xf32, #tpu.memory_space<vmem>>
    tpu.enqueue_dma source(%dma_start3A_293 : memref<64x128xf32, #tpu.memory_space<vmem>>) target(%dma_start3A_289 : memref<64x128xf32, #tpu.memory_space<hbm>>) target_semaphore(%arg19 : memref<!tpu.dma_semaphore, #tpu.memory_space<semaphore_mem>>)
    %dma_start3A_294 = arith.constant 3 : i32
    %dma_start3A_295 = arith.constant 1 : i32
    %dma_start3A_296 = arith.constant 0 : i32
    %dma_start3A_297 = arith.constant 0 : i32
    %dma_start3A_298 = tpu.memref_slice %arg8[%dma_start3A_295, %dma_start3A_296, %dma_start3A_297] : memref<2x128x128xf32, #tpu.memory_space<vmem>> -> memref<1x128x128xf32, #tpu.memory_space<vmem>>
    %dma_start3A_299 = tpu.memref_squeeze %dma_start3A_298 : memref<1x128x128xf32, #tpu.memory_space<vmem>> -> memref<128x128xf32, #tpu.memory_space<vmem>>
    %dma_start3A_300 = arith.constant 0 : i32
    %dma_start3A_301 = tpu.memref_slice %arg7[%dma_start3A_294, %dma_start3A_300] : memref<8x128xi32, #tpu.memory_space<vmem>> -> memref<1x128xi32, #tpu.memory_space<vmem>>
    %dma_start3A_302 = tpu.memref_squeeze %dma_start3A_301 : memref<1x128xi32, #tpu.memory_space<vmem>> -> memref<128xi32, #tpu.memory_space<vmem>>
    %dma_start3A_303 = arith.constant 0 : i32
    %dma_start3A_304 = arith.constant 0 : i32
    %dma_start3A_305 = tpu.memref_slice %arg4[%dma_start3A_303, %dma_start3A_304] : memref<500000x128xf32, #tpu.memory_space<hbm>> -> memref<500000x128xf32, #tpu.memory_space<hbm>>
    tpu.enqueue_indirect_dma source(%dma_start3A_305 : memref<500000x128xf32, #tpu.memory_space<hbm>>) target(%dma_start3A_299 : memref<128x128xf32, #tpu.memory_space<vmem>>) offsets(%dma_start3A_302 : memref<128xi32, #tpu.memory_space<vmem>>) semaphore(%arg13 : memref<!tpu.dma_semaphore, #tpu.memory_space<semaphore_mem>>)
    %add3A_306 = arith.constant 3 : i32
    %add3A_307 = arith.addi %mul3A_3, %add3A_306 : i32
    %dma_start3A_308 = arith.constant 1 : i32
    %dma_start3A_309 = arith.constant 0 : i32
    %dma_start3A_310 = arith.constant 0 : i32
    %dma_start3A_311 = tpu.memref_slice %arg10[%dma_start3A_308, %dma_start3A_309, %dma_start3A_310] : memref<2x64x128xf32, #tpu.memory_space<vmem>> -> memref<1x64x128xf32, #tpu.memory_space<vmem>>
    %dma_start3A_312 = tpu.memref_squeeze %dma_start3A_311 : memref<1x64x128xf32, #tpu.memory_space<vmem>> -> memref<64x128xf32, #tpu.memory_space<vmem>>
    %dma_start3A_313 = arith.constant 0 : i32
    %dma_start3A_314 = arith.constant 0 : i32
    %dma_start3A_315 = tpu.memref_slice %arg5[%add3A_307, %dma_start3A_313, %dma_start3A_314] : memref<64x64x128xf32, #tpu.memory_space<hbm>> -> memref<1x64x128xf32, #tpu.memory_space<hbm>>
    %dma_start3A_316 = tpu.memref_squeeze %dma_start3A_315 : memref<1x64x128xf32, #tpu.memory_space<hbm>> -> memref<64x128xf32, #tpu.memory_space<hbm>>
    %dma_start3A_317 = arith.constant 0 : i32
    %dma_start3A_318 = arith.constant 0 : i32
    %dma_start3A_319 = tpu.memref_slice %arg10[%dma_start3A_308, %dma_start3A_317, %dma_start3A_318] : memref<2x64x128xf32, #tpu.memory_space<vmem>> -> memref<1x64x128xf32, #tpu.memory_space<vmem>>
    %dma_start3A_320 = tpu.memref_squeeze %dma_start3A_319 : memref<1x64x128xf32, #tpu.memory_space<vmem>> -> memref<64x128xf32, #tpu.memory_space<vmem>>
    %dma_start3A_321 = arith.constant 0 : i32
    %dma_start3A_322 = arith.constant 0 : i32
    %dma_start3A_323 = tpu.memref_slice %arg5[%add3A_307, %dma_start3A_321, %dma_start3A_322] : memref<64x64x128xf32, #tpu.memory_space<hbm>> -> memref<1x64x128xf32, #tpu.memory_space<hbm>>
    %dma_start3A_324 = tpu.memref_squeeze %dma_start3A_323 : memref<1x64x128xf32, #tpu.memory_space<hbm>> -> memref<64x128xf32, #tpu.memory_space<hbm>>
    tpu.enqueue_dma source(%dma_start3A_324 : memref<64x128xf32, #tpu.memory_space<hbm>>) target(%dma_start3A_320 : memref<64x128xf32, #tpu.memory_space<vmem>>) target_semaphore(%arg15 : memref<!tpu.dma_semaphore, #tpu.memory_space<semaphore_mem>>)
    %dma_start3A_325 = arith.constant 3 : i32
    %dma_start3A_326 = arith.constant 1 : i32
    %dma_start3A_327 = arith.constant 0 : i32
    %dma_start3A_328 = arith.constant 0 : i32
    %dma_start3A_329 = tpu.memref_slice %arg9[%dma_start3A_326, %dma_start3A_327, %dma_start3A_328] : memref<2x128x16xf32, #tpu.memory_space<vmem>> -> memref<1x128x16xf32, #tpu.memory_space<vmem>>
    %dma_start3A_330 = tpu.memref_squeeze %dma_start3A_329 : memref<1x128x16xf32, #tpu.memory_space<vmem>> -> memref<128x16xf32, #tpu.memory_space<vmem>>
    %dma_start3A_331 = arith.constant 0 : i32
    %dma_start3A_332 = arith.constant 0 : i32
    %dma_start3A_333 = tpu.memref_slice %arg3[%add3A, %dma_start3A_325, %dma_start3A_331, %dma_start3A_332] : memref<32x8x128x16xf32, #tpu.memory_space<hbm>> -> memref<1x1x128x16xf32, #tpu.memory_space<hbm>>
    %dma_start3A_334 = tpu.memref_squeeze %dma_start3A_333 : memref<1x1x128x16xf32, #tpu.memory_space<hbm>> -> memref<128x16xf32, #tpu.memory_space<hbm>>
    %dma_start3A_335 = arith.constant 0 : i32
    %dma_start3A_336 = arith.constant 0 : i32
    %dma_start3A_337 = tpu.memref_slice %arg9[%dma_start3A_326, %dma_start3A_335, %dma_start3A_336] : memref<2x128x16xf32, #tpu.memory_space<vmem>> -> memref<1x128x16xf32, #tpu.memory_space<vmem>>
    %dma_start3A_338 = tpu.memref_squeeze %dma_start3A_337 : memref<1x128x16xf32, #tpu.memory_space<vmem>> -> memref<128x16xf32, #tpu.memory_space<vmem>>
    %dma_start3A_339 = arith.constant 0 : i32
    %dma_start3A_340 = arith.constant 0 : i32
    %dma_start3A_341 = tpu.memref_slice %arg3[%add3A, %dma_start3A_325, %dma_start3A_339, %dma_start3A_340] : memref<32x8x128x16xf32, #tpu.memory_space<hbm>> -> memref<1x1x128x16xf32, #tpu.memory_space<hbm>>
    %dma_start3A_342 = tpu.memref_squeeze %dma_start3A_341 : memref<1x1x128x16xf32, #tpu.memory_space<hbm>> -> memref<128x16xf32, #tpu.memory_space<hbm>>
    tpu.enqueue_dma source(%dma_start3A_342 : memref<128x16xf32, #tpu.memory_space<hbm>>) target(%dma_start3A_338 : memref<128x16xf32, #tpu.memory_space<vmem>>) target_semaphore(%arg17 : memref<!tpu.dma_semaphore, #tpu.memory_space<semaphore_mem>>)
    %dma_wait3A_343 = arith.constant 2 : i32
    %dma_wait3A_344 = arith.constant 0 : i32
    %dma_wait3A_345 = arith.constant 0 : i32
    %dma_wait3A_346 = arith.constant 0 : i32
    %dma_wait3A_347 = tpu.memref_slice %arg8[%dma_wait3A_344, %dma_wait3A_345, %dma_wait3A_346] : memref<2x128x128xf32, #tpu.memory_space<vmem>> -> memref<1x128x128xf32, #tpu.memory_space<vmem>>
    %dma_wait3A_348 = tpu.memref_squeeze %dma_wait3A_347 : memref<1x128x128xf32, #tpu.memory_space<vmem>> -> memref<128x128xf32, #tpu.memory_space<vmem>>
    %dma_wait3A_349 = arith.constant 0 : i32
    %dma_wait3A_350 = tpu.memref_slice %arg7[%dma_wait3A_343, %dma_wait3A_349] : memref<8x128xi32, #tpu.memory_space<vmem>> -> memref<1x128xi32, #tpu.memory_space<vmem>>
    %dma_wait3A_351 = tpu.memref_squeeze %dma_wait3A_350 : memref<1x128xi32, #tpu.memory_space<vmem>> -> memref<128xi32, #tpu.memory_space<vmem>>
    %dma_wait3A_352 = arith.constant 0 : i32
    %dma_wait3A_353 = arith.constant 0 : i32
    %dma_wait3A_354 = tpu.memref_slice %arg4[%dma_wait3A_352, %dma_wait3A_353] : memref<500000x128xf32, #tpu.memory_space<hbm>> -> memref<500000x128xf32, #tpu.memory_space<hbm>>
    tpu.wait_indirect_dma semaphore(%arg12 : memref<!tpu.dma_semaphore, #tpu.memory_space<semaphore_mem>>) src(%dma_wait3A_354 : memref<500000x128xf32, #tpu.memory_space<hbm>>) dst(%dma_wait3A_348 : memref<128x128xf32, #tpu.memory_space<vmem>>)
    %dma_wait3A_355 = arith.constant 0 : i32
    %dma_wait3A_356 = arith.constant 0 : i32
    %dma_wait3A_357 = arith.constant 0 : i32
    %dma_wait3A_358 = tpu.memref_slice %arg10[%dma_wait3A_355, %dma_wait3A_356, %dma_wait3A_357] : memref<2x64x128xf32, #tpu.memory_space<vmem>> -> memref<1x64x128xf32, #tpu.memory_space<vmem>>
    %dma_wait3A_359 = tpu.memref_squeeze %dma_wait3A_358 : memref<1x64x128xf32, #tpu.memory_space<vmem>> -> memref<64x128xf32, #tpu.memory_space<vmem>>
    %dma_wait3A_360 = arith.constant 0 : i32
    %dma_wait3A_361 = arith.constant 0 : i32
    %dma_wait3A_362 = tpu.memref_slice %arg5[%add3A_186, %dma_wait3A_360, %dma_wait3A_361] : memref<64x64x128xf32, #tpu.memory_space<hbm>> -> memref<1x64x128xf32, #tpu.memory_space<hbm>>
    %dma_wait3A_363 = tpu.memref_squeeze %dma_wait3A_362 : memref<1x64x128xf32, #tpu.memory_space<hbm>> -> memref<64x128xf32, #tpu.memory_space<hbm>>
    %dma_wait3A_364 = arith.constant 0 : i32
    %dma_wait3A_365 = arith.constant 0 : i32
    %dma_wait3A_366 = tpu.memref_slice %arg10[%dma_wait3A_355, %dma_wait3A_364, %dma_wait3A_365] : memref<2x64x128xf32, #tpu.memory_space<vmem>> -> memref<1x64x128xf32, #tpu.memory_space<vmem>>
    %dma_wait3A_367 = tpu.memref_squeeze %dma_wait3A_366 : memref<1x64x128xf32, #tpu.memory_space<vmem>> -> memref<64x128xf32, #tpu.memory_space<vmem>>
    %dma_wait3A_368 = arith.constant 0 : i32
    %dma_wait3A_369 = arith.constant 0 : i32
    %dma_wait3A_370 = tpu.memref_slice %arg5[%add3A_186, %dma_wait3A_368, %dma_wait3A_369] : memref<64x64x128xf32, #tpu.memory_space<hbm>> -> memref<1x64x128xf32, #tpu.memory_space<hbm>>
    %dma_wait3A_371 = tpu.memref_squeeze %dma_wait3A_370 : memref<1x64x128xf32, #tpu.memory_space<hbm>> -> memref<64x128xf32, #tpu.memory_space<hbm>>
    tpu.wait_dma2 semaphore(%arg14 : memref<!tpu.dma_semaphore, #tpu.memory_space<semaphore_mem>>) src(%dma_wait3A_371 : memref<64x128xf32, #tpu.memory_space<hbm>>) dst(%dma_wait3A_367 : memref<64x128xf32, #tpu.memory_space<vmem>>)
    %dma_wait3A_372 = arith.constant 2 : i32
    %dma_wait3A_373 = arith.constant 0 : i32
    %dma_wait3A_374 = arith.constant 0 : i32
    %dma_wait3A_375 = arith.constant 0 : i32
    %dma_wait3A_376 = tpu.memref_slice %arg9[%dma_wait3A_373, %dma_wait3A_374, %dma_wait3A_375] : memref<2x128x16xf32, #tpu.memory_space<vmem>> -> memref<1x128x16xf32, #tpu.memory_space<vmem>>
    %dma_wait3A_377 = tpu.memref_squeeze %dma_wait3A_376 : memref<1x128x16xf32, #tpu.memory_space<vmem>> -> memref<128x16xf32, #tpu.memory_space<vmem>>
    %dma_wait3A_378 = arith.constant 0 : i32
    %dma_wait3A_379 = arith.constant 0 : i32
    %dma_wait3A_380 = tpu.memref_slice %arg3[%add3A, %dma_wait3A_372, %dma_wait3A_378, %dma_wait3A_379] : memref<32x8x128x16xf32, #tpu.memory_space<hbm>> -> memref<1x1x128x16xf32, #tpu.memory_space<hbm>>
    %dma_wait3A_381 = tpu.memref_squeeze %dma_wait3A_380 : memref<1x1x128x16xf32, #tpu.memory_space<hbm>> -> memref<128x16xf32, #tpu.memory_space<hbm>>
    %dma_wait3A_382 = arith.constant 0 : i32
    %dma_wait3A_383 = arith.constant 0 : i32
    %dma_wait3A_384 = tpu.memref_slice %arg9[%dma_wait3A_373, %dma_wait3A_382, %dma_wait3A_383] : memref<2x128x16xf32, #tpu.memory_space<vmem>> -> memref<1x128x16xf32, #tpu.memory_space<vmem>>
    %dma_wait3A_385 = tpu.memref_squeeze %dma_wait3A_384 : memref<1x128x16xf32, #tpu.memory_space<vmem>> -> memref<128x16xf32, #tpu.memory_space<vmem>>
    %dma_wait3A_386 = arith.constant 0 : i32
    %dma_wait3A_387 = arith.constant 0 : i32
    %dma_wait3A_388 = tpu.memref_slice %arg3[%add3A, %dma_wait3A_372, %dma_wait3A_386, %dma_wait3A_387] : memref<32x8x128x16xf32, #tpu.memory_space<hbm>> -> memref<1x1x128x16xf32, #tpu.memory_space<hbm>>
    %dma_wait3A_389 = tpu.memref_squeeze %dma_wait3A_388 : memref<1x1x128x16xf32, #tpu.memory_space<hbm>> -> memref<128x16xf32, #tpu.memory_space<hbm>>
    tpu.wait_dma2 semaphore(%arg16 : memref<!tpu.dma_semaphore, #tpu.memory_space<semaphore_mem>>) src(%dma_wait3A_389 : memref<128x16xf32, #tpu.memory_space<hbm>>) dst(%dma_wait3A_385 : memref<128x16xf32, #tpu.memory_space<vmem>>)
    %dma_wait3A_390 = arith.constant 0 : i32
    %dma_wait3A_391 = arith.constant 0 : i32
    %dma_wait3A_392 = arith.constant 0 : i32
    %dma_wait3A_393 = tpu.memref_slice %arg11[%dma_wait3A_390, %dma_wait3A_391, %dma_wait3A_392] : memref<2x64x128xf32, #tpu.memory_space<vmem>> -> memref<1x64x128xf32, #tpu.memory_space<vmem>>
    %dma_wait3A_394 = tpu.memref_squeeze %dma_wait3A_393 : memref<1x64x128xf32, #tpu.memory_space<vmem>> -> memref<64x128xf32, #tpu.memory_space<vmem>>
    %dma_wait3A_395 = arith.constant 0 : i32
    %dma_wait3A_396 = arith.constant 0 : i32
    %dma_wait3A_397 = tpu.memref_slice %arg6[%add3A_155, %dma_wait3A_395, %dma_wait3A_396] : memref<256x64x128xf32, #tpu.memory_space<hbm>> -> memref<1x64x128xf32, #tpu.memory_space<hbm>>
    %dma_wait3A_398 = tpu.memref_squeeze %dma_wait3A_397 : memref<1x64x128xf32, #tpu.memory_space<hbm>> -> memref<64x128xf32, #tpu.memory_space<hbm>>
    %dma_wait3A_399 = arith.constant 0 : i32
    %dma_wait3A_400 = arith.constant 0 : i32
    %dma_wait3A_401 = tpu.memref_slice %arg6[%add3A_155, %dma_wait3A_399, %dma_wait3A_400] : memref<256x64x128xf32, #tpu.memory_space<hbm>> -> memref<1x64x128xf32, #tpu.memory_space<hbm>>
    %dma_wait3A_402 = tpu.memref_squeeze %dma_wait3A_401 : memref<1x64x128xf32, #tpu.memory_space<hbm>> -> memref<64x128xf32, #tpu.memory_space<hbm>>
    %dma_wait3A_403 = arith.constant 0 : i32
    %dma_wait3A_404 = arith.constant 0 : i32
    %dma_wait3A_405 = tpu.memref_slice %arg11[%dma_wait3A_390, %dma_wait3A_403, %dma_wait3A_404] : memref<2x64x128xf32, #tpu.memory_space<vmem>> -> memref<1x64x128xf32, #tpu.memory_space<vmem>>
    %dma_wait3A_406 = tpu.memref_squeeze %dma_wait3A_405 : memref<1x64x128xf32, #tpu.memory_space<vmem>> -> memref<64x128xf32, #tpu.memory_space<vmem>>
    tpu.wait_dma2 semaphore(%arg18 : memref<!tpu.dma_semaphore, #tpu.memory_space<semaphore_mem>>) src(%dma_wait3A_406 : memref<64x128xf32, #tpu.memory_space<vmem>>) dst(%dma_wait3A_402 : memref<64x128xf32, #tpu.memory_space<hbm>>)
    %scan3A_407 = arith.constant 0 : i32
    %scan3A_408 = arith.constant 0 : i32
    %scan3A_409 = arith.constant 128 : i32
    %scan3A_410 = arith.addi %scan3A_408, %scan3A_409 : i32
    %scan3A_411 = arith.constant 1 : i32
    scf.for %scan3A_1107 = %scan3A_408 to %scan3A_410 step %scan3A_411  : i32 {
      %get3A = arith.constant 0 : i32
      %get3A_1108 = arith.index_cast %get3A : i32 to index
      %get3A_1109 = arith.index_cast %scan3A_1107 : i32 to index
      %get3A_1110 = arith.constant 0 : index
      %get3A_1111 = tpu.vector_load %arg9[%get3A_1108, %get3A_1109, %get3A_1110] {strides = array<i32>} : memref<2x128x16xf32, #tpu.memory_space<vmem>>, vector<1x1x16xf32>,
      %get3A_1112 = vector.shape_cast %get3A_1111 : vector<1x1x16xf32> to vector<16xf32>
      %shift_right_logical3A = arith.constant 1 : i32
      %shift_right_logical3A_1113 = arith.shrui %scan3A_1107, %shift_right_logical3A : i32
      %and3A = arith.constant 1 : i32
      %and3A_1114 = arith.andi %scan3A_1107, %and3A : i32
      %mul3A_1115 = arith.constant 64 : i32
      %mul3A_1116 = arith.muli %and3A_1114, %mul3A_1115 : i32
      %get3A_1117 = arith.constant 0 : i32
      %get3A_1118 = arith.index_cast %get3A_1117 : i32 to index
      %get3A_1119 = arith.index_cast %scan3A_1107 : i32 to index
      %get3A_1120 = arith.constant 0 : index
      %get3A_1121 = tpu.vector_load %arg8[%get3A_1118, %get3A_1119, %get3A_1120] {strides = array<i32>} : memref<2x128x128xf32, #tpu.memory_space<vmem>>, vector<1x1x16xf32>,
      %get3A_1122 = vector.shape_cast %get3A_1121 : vector<1x1x16xf32> to vector<16xf32>
      %get3A_1123 = arith.constant 0 : i32
      %get3A_1124 = arith.index_cast %get3A_1123 : i32 to index
      %get3A_1125 = arith.index_cast %scan3A_1107 : i32 to index
      %get3A_1126 = arith.constant 64 : index
      %get3A_1127 = tpu.vector_load %arg8[%get3A_1124, %get3A_1125, %get3A_1126] {strides = array<i32>} : memref<2x128x128xf32, #tpu.memory_space<vmem>>, vector<1x1x16xf32>,
      %get3A_1128 = vector.shape_cast %get3A_1127 : vector<1x1x16xf32> to vector<16xf32>
      %sub3A = arith.constant 1.000000e+00 : f32
      %sub3A_1129 = vector.broadcast %sub3A : f32 to vector<16xf32>
      %sub3A_1130 = arith.subf %sub3A_1129, %get3A_1112 : vector<16xf32>
      %mul3A_1131 = arith.mulf %get3A_1122, %sub3A_1130 : vector<16xf32>
      %mul3A_1132 = arith.mulf %get3A_1128, %get3A_1112 : vector<16xf32>
      %add3A_1133 = arith.addf %mul3A_1131, %mul3A_1132 : vector<16xf32>
      %add3A_1134 = arith.constant 0 : i32
      %add3A_1135 = arith.addi %mul3A_1116, %add3A_1134 : i32
      %get3A_1136 = arith.constant 0 : i32
      %get3A_1137 = arith.index_cast %get3A_1136 : i32 to index
      %get3A_1138 = arith.index_cast %shift_right_logical3A_1113 : i32 to index
      %get3A_1139 = arith.index_cast %add3A_1135 : i32 to index
      %get3A_1140 = tpu.vector_load %arg10[%get3A_1137, %get3A_1138, %get3A_1139] {strides = array<i32>} : memref<2x64x128xf32, #tpu.memory_space<vmem>>, vector<1x1x16xf32>,
      %get3A_1141 = vector.shape_cast %get3A_1140 : vector<1x1x16xf32> to vector<16xf32>
      %add3A_1142 = arith.addf %add3A_1133, %get3A_1141 : vector<16xf32>
      %swap3A = arith.constant 0 : i32
      %swap3A_1143 = arith.index_cast %swap3A : i32 to index
      %swap3A_1144 = arith.index_cast %shift_right_logical3A_1113 : i32 to index
      %swap3A_1145 = arith.index_cast %add3A_1135 : i32 to index
      %swap3A_1146 = tpu.vector_load %arg11[%swap3A_1143, %swap3A_1144, %swap3A_1145] {strides = array<i32>} : memref<2x64x128xf32, #tpu.memory_space<vmem>>, vector<1x1x16xf32>,
      %swap3A_1147 = vector.shape_cast %swap3A_1146 : vector<1x1x16xf32> to vector<16xf32>
      %swap3A_1148 = vector.shape_cast %add3A_1142 : vector<16xf32> to vector<1x1x16xf32>
      tpu.vector_store %arg11[%swap3A_1143, %swap3A_1144, %swap3A_1145], %swap3A_1148 {strides = array<i32>} : memref<2x64x128xf32, #tpu.memory_space<vmem>>, vector<1x1x16xf32>,
      %get3A_1149 = arith.constant 0 : i32
      %get3A_1150 = arith.index_cast %get3A_1149 : i32 to index
      %get3A_1151 = arith.index_cast %scan3A_1107 : i32 to index
      %get3A_1152 = arith.constant 16 : index
      %get3A_1153 = tpu.vector_load %arg8[%get3A_1150, %get3A_1151, %get3A_1152] {strides = array<i32>} : memref<2x128x128xf32, #tpu.memory_space<vmem>>, vector<1x1x16xf32>,
      %get3A_1154 = vector.shape_cast %get3A_1153 : vector<1x1x16xf32> to vector<16xf32>
      %get3A_1155 = arith.constant 0 : i32
      %get3A_1156 = arith.index_cast %get3A_1155 : i32 to index
      %get3A_1157 = arith.index_cast %scan3A_1107 : i32 to index
      %get3A_1158 = arith.constant 80 : index
      %get3A_1159 = tpu.vector_load %arg8[%get3A_1156, %get3A_1157, %get3A_1158] {strides = array<i32>} : memref<2x128x128xf32, #tpu.memory_space<vmem>>, vector<1x1x16xf32>,
      %get3A_1160 = vector.shape_cast %get3A_1159 : vector<1x1x16xf32> to vector<16xf32>
      %sub3A_1161 = arith.constant 1.000000e+00 : f32
      %sub3A_1162 = vector.broadcast %sub3A_1161 : f32 to vector<16xf32>
      %sub3A_1163 = arith.subf %sub3A_1162, %get3A_1112 : vector<16xf32>
      %mul3A_1164 = arith.mulf %get3A_1154, %sub3A_1163 : vector<16xf32>
      %mul3A_1165 = arith.mulf %get3A_1160, %get3A_1112 : vector<16xf32>
      %add3A_1166 = arith.addf %mul3A_1164, %mul3A_1165 : vector<16xf32>
      %add3A_1167 = arith.constant 16 : i32
      %add3A_1168 = arith.addi %mul3A_1116, %add3A_1167 : i32
      %get3A_1169 = arith.constant 0 : i32
      %get3A_1170 = arith.index_cast %get3A_1169 : i32 to index
      %get3A_1171 = arith.index_cast %shift_right_logical3A_1113 : i32 to index
      %get3A_1172 = arith.index_cast %add3A_1168 : i32 to index
      %get3A_1173 = tpu.vector_load %arg10[%get3A_1170, %get3A_1171, %get3A_1172] {strides = array<i32>} : memref<2x64x128xf32, #tpu.memory_space<vmem>>, vector<1x1x16xf32>,
      %get3A_1174 = vector.shape_cast %get3A_1173 : vector<1x1x16xf32> to vector<16xf32>
      %add3A_1175 = arith.addf %add3A_1166, %get3A_1174 : vector<16xf32>
      %swap3A_1176 = arith.constant 0 : i32
      %swap3A_1177 = arith.index_cast %swap3A_1176 : i32 to index
      %swap3A_1178 = arith.index_cast %shift_right_logical3A_1113 : i32 to index
      %swap3A_1179 = arith.index_cast %add3A_1168 : i32 to index
      %swap3A_1180 = tpu.vector_load %arg11[%swap3A_1177, %swap3A_1178, %swap3A_1179] {strides = array<i32>} : memref<2x64x128xf32, #tpu.memory_space<vmem>>, vector<1x1x16xf32>,
      %swap3A_1181 = vector.shape_cast %swap3A_1180 : vector<1x1x16xf32> to vector<16xf32>
      %swap3A_1182 = vector.shape_cast %add3A_1175 : vector<16xf32> to vector<1x1x16xf32>
      tpu.vector_store %arg11[%swap3A_1177, %swap3A_1178, %swap3A_1179], %swap3A_1182 {strides = array<i32>} : memref<2x64x128xf32, #tpu.memory_space<vmem>>, vector<1x1x16xf32>,
      %get3A_1183 = arith.constant 0 : i32
      %get3A_1184 = arith.index_cast %get3A_1183 : i32 to index
      %get3A_1185 = arith.index_cast %scan3A_1107 : i32 to index
      %get3A_1186 = arith.constant 32 : index
      %get3A_1187 = tpu.vector_load %arg8[%get3A_1184, %get3A_1185, %get3A_1186] {strides = array<i32>} : memref<2x128x128xf32, #tpu.memory_space<vmem>>, vector<1x1x16xf32>,
      %get3A_1188 = vector.shape_cast %get3A_1187 : vector<1x1x16xf32> to vector<16xf32>
      %get3A_1189 = arith.constant 0 : i32
      %get3A_1190 = arith.index_cast %get3A_1189 : i32 to index
      %get3A_1191 = arith.index_cast %scan3A_1107 : i32 to index
      %get3A_1192 = arith.constant 96 : index
      %get3A_1193 = tpu.vector_load %arg8[%get3A_1190, %get3A_1191, %get3A_1192] {strides = array<i32>} : memref<2x128x128xf32, #tpu.memory_space<vmem>>, vector<1x1x16xf32>,
      %get3A_1194 = vector.shape_cast %get3A_1193 : vector<1x1x16xf32> to vector<16xf32>
      %sub3A_1195 = arith.constant 1.000000e+00 : f32
      %sub3A_1196 = vector.broadcast %sub3A_1195 : f32 to vector<16xf32>
      %sub3A_1197 = arith.subf %sub3A_1196, %get3A_1112 : vector<16xf32>
      %mul3A_1198 = arith.mulf %get3A_1188, %sub3A_1197 : vector<16xf32>
      %mul3A_1199 = arith.mulf %get3A_1194, %get3A_1112 : vector<16xf32>
      %add3A_1200 = arith.addf %mul3A_1198, %mul3A_1199 : vector<16xf32>
      %add3A_1201 = arith.constant 32 : i32
      %add3A_1202 = arith.addi %mul3A_1116, %add3A_1201 : i32
      %get3A_1203 = arith.constant 0 : i32
      %get3A_1204 = arith.index_cast %get3A_1203 : i32 to index
      %get3A_1205 = arith.index_cast %shift_right_logical3A_1113 : i32 to index
      %get3A_1206 = arith.index_cast %add3A_1202 : i32 to index
      %get3A_1207 = tpu.vector_load %arg10[%get3A_1204, %get3A_1205, %get3A_1206] {strides = array<i32>} : memref<2x64x128xf32, #tpu.memory_space<vmem>>, vector<1x1x16xf32>,
      %get3A_1208 = vector.shape_cast %get3A_1207 : vector<1x1x16xf32> to vector<16xf32>
      %add3A_1209 = arith.addf %add3A_1200, %get3A_1208 : vector<16xf32>
      %swap3A_1210 = arith.constant 0 : i32
      %swap3A_1211 = arith.index_cast %swap3A_1210 : i32 to index
      %swap3A_1212 = arith.index_cast %shift_right_logical3A_1113 : i32 to index
      %swap3A_1213 = arith.index_cast %add3A_1202 : i32 to index
      %swap3A_1214 = tpu.vector_load %arg11[%swap3A_1211, %swap3A_1212, %swap3A_1213] {strides = array<i32>} : memref<2x64x128xf32, #tpu.memory_space<vmem>>, vector<1x1x16xf32>,
      %swap3A_1215 = vector.shape_cast %swap3A_1214 : vector<1x1x16xf32> to vector<16xf32>
      %swap3A_1216 = vector.shape_cast %add3A_1209 : vector<16xf32> to vector<1x1x16xf32>
      tpu.vector_store %arg11[%swap3A_1211, %swap3A_1212, %swap3A_1213], %swap3A_1216 {strides = array<i32>} : memref<2x64x128xf32, #tpu.memory_space<vmem>>, vector<1x1x16xf32>,
      %get3A_1217 = arith.constant 0 : i32
      %get3A_1218 = arith.index_cast %get3A_1217 : i32 to index
      %get3A_1219 = arith.index_cast %scan3A_1107 : i32 to index
      %get3A_1220 = arith.constant 48 : index
      %get3A_1221 = tpu.vector_load %arg8[%get3A_1218, %get3A_1219, %get3A_1220] {strides = array<i32>} : memref<2x128x128xf32, #tpu.memory_space<vmem>>, vector<1x1x16xf32>,
      %get3A_1222 = vector.shape_cast %get3A_1221 : vector<1x1x16xf32> to vector<16xf32>
      %get3A_1223 = arith.constant 0 : i32
      %get3A_1224 = arith.index_cast %get3A_1223 : i32 to index
      %get3A_1225 = arith.index_cast %scan3A_1107 : i32 to index
      %get3A_1226 = arith.constant 112 : index
      %get3A_1227 = tpu.vector_load %arg8[%get3A_1224, %get3A_1225, %get3A_1226] {strides = array<i32>} : memref<2x128x128xf32, #tpu.memory_space<vmem>>, vector<1x1x16xf32>,
      %get3A_1228 = vector.shape_cast %get3A_1227 : vector<1x1x16xf32> to vector<16xf32>
      %sub3A_1229 = arith.constant 1.000000e+00 : f32
      %sub3A_1230 = vector.broadcast %sub3A_1229 : f32 to vector<16xf32>
      %sub3A_1231 = arith.subf %sub3A_1230, %get3A_1112 : vector<16xf32>
      %mul3A_1232 = arith.mulf %get3A_1222, %sub3A_1231 : vector<16xf32>
      %mul3A_1233 = arith.mulf %get3A_1228, %get3A_1112 : vector<16xf32>
      %add3A_1234 = arith.addf %mul3A_1232, %mul3A_1233 : vector<16xf32>
      %add3A_1235 = arith.constant 48 : i32
      %add3A_1236 = arith.addi %mul3A_1116, %add3A_1235 : i32
      %get3A_1237 = arith.constant 0 : i32
      %get3A_1238 = arith.index_cast %get3A_1237 : i32 to index
      %get3A_1239 = arith.index_cast %shift_right_logical3A_1113 : i32 to index
      %get3A_1240 = arith.index_cast %add3A_1236 : i32 to index
      %get3A_1241 = tpu.vector_load %arg10[%get3A_1238, %get3A_1239, %get3A_1240] {strides = array<i32>} : memref<2x64x128xf32, #tpu.memory_space<vmem>>, vector<1x1x16xf32>,
      %get3A_1242 = vector.shape_cast %get3A_1241 : vector<1x1x16xf32> to vector<16xf32>
      %add3A_1243 = arith.addf %add3A_1234, %get3A_1242 : vector<16xf32>
      %swap3A_1244 = arith.constant 0 : i32
      %swap3A_1245 = arith.index_cast %swap3A_1244 : i32 to index
      %swap3A_1246 = arith.index_cast %shift_right_logical3A_1113 : i32 to index
      %swap3A_1247 = arith.index_cast %add3A_1236 : i32 to index
      %swap3A_1248 = tpu.vector_load %arg11[%swap3A_1245, %swap3A_1246, %swap3A_1247] {strides = array<i32>} : memref<2x64x128xf32, #tpu.memory_space<vmem>>, vector<1x1x16xf32>,
      %swap3A_1249 = vector.shape_cast %swap3A_1248 : vector<1x1x16xf32> to vector<16xf32>
      %swap3A_1250 = vector.shape_cast %add3A_1243 : vector<16xf32> to vector<1x1x16xf32>
      tpu.vector_store %arg11[%swap3A_1245, %swap3A_1246, %swap3A_1247], %swap3A_1250 {strides = array<i32>} : memref<2x64x128xf32, #tpu.memory_space<vmem>>, vector<1x1x16xf32>,
    }
    %scan3A_412 = arith.constant 128 : i32
    %add3A_413 = arith.constant 2 : i32
    %add3A_414 = arith.addi %mul3A_5, %add3A_413 : i32
    %dma_start3A_415 = arith.constant 0 : i32
    %dma_start3A_416 = arith.constant 0 : i32
    %dma_start3A_417 = arith.constant 0 : i32
    %dma_start3A_418 = tpu.memref_slice %arg11[%dma_start3A_415, %dma_start3A_416, %dma_start3A_417] : memref<2x64x128xf32, #tpu.memory_space<vmem>> -> memref<1x64x128xf32, #tpu.memory_space<vmem>>
    %dma_start3A_419 = tpu.memref_squeeze %dma_start3A_418 : memref<1x64x128xf32, #tpu.memory_space<vmem>> -> memref<64x128xf32, #tpu.memory_space<vmem>>
    %dma_start3A_420 = arith.constant 0 : i32
    %dma_start3A_421 = arith.constant 0 : i32
    %dma_start3A_422 = tpu.memref_slice %arg6[%add3A_414, %dma_start3A_420, %dma_start3A_421] : memref<256x64x128xf32, #tpu.memory_space<hbm>> -> memref<1x64x128xf32, #tpu.memory_space<hbm>>
    %dma_start3A_423 = tpu.memref_squeeze %dma_start3A_422 : memref<1x64x128xf32, #tpu.memory_space<hbm>> -> memref<64x128xf32, #tpu.memory_space<hbm>>
    %dma_start3A_424 = arith.constant 0 : i32
    %dma_start3A_425 = arith.constant 0 : i32
    %dma_start3A_426 = tpu.memref_slice %arg6[%add3A_414, %dma_start3A_424, %dma_start3A_425] : memref<256x64x128xf32, #tpu.memory_space<hbm>> -> memref<1x64x128xf32, #tpu.memory_space<hbm>>
    %dma_start3A_427 = tpu.memref_squeeze %dma_start3A_426 : memref<1x64x128xf32, #tpu.memory_space<hbm>> -> memref<64x128xf32, #tpu.memory_space<hbm>>
    %dma_start3A_428 = arith.constant 0 : i32
    %dma_start3A_429 = arith.constant 0 : i32
    %dma_start3A_430 = tpu.memref_slice %arg11[%dma_start3A_415, %dma_start3A_428, %dma_start3A_429] : memref<2x64x128xf32, #tpu.memory_space<vmem>> -> memref<1x64x128xf32, #tpu.memory_space<vmem>>
    %dma_start3A_431 = tpu.memref_squeeze %dma_start3A_430 : memref<1x64x128xf32, #tpu.memory_space<vmem>> -> memref<64x128xf32, #tpu.memory_space<vmem>>
    tpu.enqueue_dma source(%dma_start3A_431 : memref<64x128xf32, #tpu.memory_space<vmem>>) target(%dma_start3A_427 : memref<64x128xf32, #tpu.memory_space<hbm>>) target_semaphore(%arg18 : memref<!tpu.dma_semaphore, #tpu.memory_space<semaphore_mem>>)
    %dma_start3A_432 = arith.constant 4 : i32
    %dma_start3A_433 = arith.constant 0 : i32
    %dma_start3A_434 = arith.constant 0 : i32
    %dma_start3A_435 = arith.constant 0 : i32
    %dma_start3A_436 = tpu.memref_slice %arg8[%dma_start3A_433, %dma_start3A_434, %dma_start3A_435] : memref<2x128x128xf32, #tpu.memory_space<vmem>> -> memref<1x128x128xf32, #tpu.memory_space<vmem>>
    %dma_start3A_437 = tpu.memref_squeeze %dma_start3A_436 : memref<1x128x128xf32, #tpu.memory_space<vmem>> -> memref<128x128xf32, #tpu.memory_space<vmem>>
    %dma_start3A_438 = arith.constant 0 : i32
    %dma_start3A_439 = tpu.memref_slice %arg7[%dma_start3A_432, %dma_start3A_438] : memref<8x128xi32, #tpu.memory_space<vmem>> -> memref<1x128xi32, #tpu.memory_space<vmem>>
    %dma_start3A_440 = tpu.memref_squeeze %dma_start3A_439 : memref<1x128xi32, #tpu.memory_space<vmem>> -> memref<128xi32, #tpu.memory_space<vmem>>
    %dma_start3A_441 = arith.constant 0 : i32
    %dma_start3A_442 = arith.constant 0 : i32
    %dma_start3A_443 = tpu.memref_slice %arg4[%dma_start3A_441, %dma_start3A_442] : memref<500000x128xf32, #tpu.memory_space<hbm>> -> memref<500000x128xf32, #tpu.memory_space<hbm>>
    tpu.enqueue_indirect_dma source(%dma_start3A_443 : memref<500000x128xf32, #tpu.memory_space<hbm>>) target(%dma_start3A_437 : memref<128x128xf32, #tpu.memory_space<vmem>>) offsets(%dma_start3A_440 : memref<128xi32, #tpu.memory_space<vmem>>) semaphore(%arg12 : memref<!tpu.dma_semaphore, #tpu.memory_space<semaphore_mem>>)
    %add3A_444 = arith.constant 4 : i32
    %add3A_445 = arith.addi %mul3A_3, %add3A_444 : i32
    %dma_start3A_446 = arith.constant 0 : i32
    %dma_start3A_447 = arith.constant 0 : i32
    %dma_start3A_448 = arith.constant 0 : i32
    %dma_start3A_449 = tpu.memref_slice %arg10[%dma_start3A_446, %dma_start3A_447, %dma_start3A_448] : memref<2x64x128xf32, #tpu.memory_space<vmem>> -> memref<1x64x128xf32, #tpu.memory_space<vmem>>
    %dma_start3A_450 = tpu.memref_squeeze %dma_start3A_449 : memref<1x64x128xf32, #tpu.memory_space<vmem>> -> memref<64x128xf32, #tpu.memory_space<vmem>>
    %dma_start3A_451 = arith.constant 0 : i32
    %dma_start3A_452 = arith.constant 0 : i32
    %dma_start3A_453 = tpu.memref_slice %arg5[%add3A_445, %dma_start3A_451, %dma_start3A_452] : memref<64x64x128xf32, #tpu.memory_space<hbm>> -> memref<1x64x128xf32, #tpu.memory_space<hbm>>
    %dma_start3A_454 = tpu.memref_squeeze %dma_start3A_453 : memref<1x64x128xf32, #tpu.memory_space<hbm>> -> memref<64x128xf32, #tpu.memory_space<hbm>>
    %dma_start3A_455 = arith.constant 0 : i32
    %dma_start3A_456 = arith.constant 0 : i32
    %dma_start3A_457 = tpu.memref_slice %arg10[%dma_start3A_446, %dma_start3A_455, %dma_start3A_456] : memref<2x64x128xf32, #tpu.memory_space<vmem>> -> memref<1x64x128xf32, #tpu.memory_space<vmem>>
    %dma_start3A_458 = tpu.memref_squeeze %dma_start3A_457 : memref<1x64x128xf32, #tpu.memory_space<vmem>> -> memref<64x128xf32, #tpu.memory_space<vmem>>
    %dma_start3A_459 = arith.constant 0 : i32
    %dma_start3A_460 = arith.constant 0 : i32
    %dma_start3A_461 = tpu.memref_slice %arg5[%add3A_445, %dma_start3A_459, %dma_start3A_460] : memref<64x64x128xf32, #tpu.memory_space<hbm>> -> memref<1x64x128xf32, #tpu.memory_space<hbm>>
    %dma_start3A_462 = tpu.memref_squeeze %dma_start3A_461 : memref<1x64x128xf32, #tpu.memory_space<hbm>> -> memref<64x128xf32, #tpu.memory_space<hbm>>
    tpu.enqueue_dma source(%dma_start3A_462 : memref<64x128xf32, #tpu.memory_space<hbm>>) target(%dma_start3A_458 : memref<64x128xf32, #tpu.memory_space<vmem>>) target_semaphore(%arg14 : memref<!tpu.dma_semaphore, #tpu.memory_space<semaphore_mem>>)
    %dma_start3A_463 = arith.constant 4 : i32
    %dma_start3A_464 = arith.constant 0 : i32
    %dma_start3A_465 = arith.constant 0 : i32
    %dma_start3A_466 = arith.constant 0 : i32
    %dma_start3A_467 = tpu.memref_slice %arg9[%dma_start3A_464, %dma_start3A_465, %dma_start3A_466] : memref<2x128x16xf32, #tpu.memory_space<vmem>> -> memref<1x128x16xf32, #tpu.memory_space<vmem>>
    %dma_start3A_468 = tpu.memref_squeeze %dma_start3A_467 : memref<1x128x16xf32, #tpu.memory_space<vmem>> -> memref<128x16xf32, #tpu.memory_space<vmem>>
    %dma_start3A_469 = arith.constant 0 : i32
    %dma_start3A_470 = arith.constant 0 : i32
    %dma_start3A_471 = tpu.memref_slice %arg3[%add3A, %dma_start3A_463, %dma_start3A_469, %dma_start3A_470] : memref<32x8x128x16xf32, #tpu.memory_space<hbm>> -> memref<1x1x128x16xf32, #tpu.memory_space<hbm>>
    %dma_start3A_472 = tpu.memref_squeeze %dma_start3A_471 : memref<1x1x128x16xf32, #tpu.memory_space<hbm>> -> memref<128x16xf32, #tpu.memory_space<hbm>>
    %dma_start3A_473 = arith.constant 0 : i32
    %dma_start3A_474 = arith.constant 0 : i32
    %dma_start3A_475 = tpu.memref_slice %arg9[%dma_start3A_464, %dma_start3A_473, %dma_start3A_474] : memref<2x128x16xf32, #tpu.memory_space<vmem>> -> memref<1x128x16xf32, #tpu.memory_space<vmem>>
    %dma_start3A_476 = tpu.memref_squeeze %dma_start3A_475 : memref<1x128x16xf32, #tpu.memory_space<vmem>> -> memref<128x16xf32, #tpu.memory_space<vmem>>
    %dma_start3A_477 = arith.constant 0 : i32
    %dma_start3A_478 = arith.constant 0 : i32
    %dma_start3A_479 = tpu.memref_slice %arg3[%add3A, %dma_start3A_463, %dma_start3A_477, %dma_start3A_478] : memref<32x8x128x16xf32, #tpu.memory_space<hbm>> -> memref<1x1x128x16xf32, #tpu.memory_space<hbm>>
    %dma_start3A_480 = tpu.memref_squeeze %dma_start3A_479 : memref<1x1x128x16xf32, #tpu.memory_space<hbm>> -> memref<128x16xf32, #tpu.memory_space<hbm>>
    tpu.enqueue_dma source(%dma_start3A_480 : memref<128x16xf32, #tpu.memory_space<hbm>>) target(%dma_start3A_476 : memref<128x16xf32, #tpu.memory_space<vmem>>) target_semaphore(%arg16 : memref<!tpu.dma_semaphore, #tpu.memory_space<semaphore_mem>>)
    %dma_wait3A_481 = arith.constant 3 : i32
    %dma_wait3A_482 = arith.constant 1 : i32
    %dma_wait3A_483 = arith.constant 0 : i32
    %dma_wait3A_484 = arith.constant 0 : i32
    %dma_wait3A_485 = tpu.memref_slice %arg8[%dma_wait3A_482, %dma_wait3A_483, %dma_wait3A_484] : memref<2x128x128xf32, #tpu.memory_space<vmem>> -> memref<1x128x128xf32, #tpu.memory_space<vmem>>
    %dma_wait3A_486 = tpu.memref_squeeze %dma_wait3A_485 : memref<1x128x128xf32, #tpu.memory_space<vmem>> -> memref<128x128xf32, #tpu.memory_space<vmem>>
    %dma_wait3A_487 = arith.constant 0 : i32
    %dma_wait3A_488 = tpu.memref_slice %arg7[%dma_wait3A_481, %dma_wait3A_487] : memref<8x128xi32, #tpu.memory_space<vmem>> -> memref<1x128xi32, #tpu.memory_space<vmem>>
    %dma_wait3A_489 = tpu.memref_squeeze %dma_wait3A_488 : memref<1x128xi32, #tpu.memory_space<vmem>> -> memref<128xi32, #tpu.memory_space<vmem>>
    %dma_wait3A_490 = arith.constant 0 : i32
    %dma_wait3A_491 = arith.constant 0 : i32
    %dma_wait3A_492 = tpu.memref_slice %arg4[%dma_wait3A_490, %dma_wait3A_491] : memref<500000x128xf32, #tpu.memory_space<hbm>> -> memref<500000x128xf32, #tpu.memory_space<hbm>>
    tpu.wait_indirect_dma semaphore(%arg13 : memref<!tpu.dma_semaphore, #tpu.memory_space<semaphore_mem>>) src(%dma_wait3A_492 : memref<500000x128xf32, #tpu.memory_space<hbm>>) dst(%dma_wait3A_486 : memref<128x128xf32, #tpu.memory_space<vmem>>)
    %dma_wait3A_493 = arith.constant 1 : i32
    %dma_wait3A_494 = arith.constant 0 : i32
    %dma_wait3A_495 = arith.constant 0 : i32
    %dma_wait3A_496 = tpu.memref_slice %arg10[%dma_wait3A_493, %dma_wait3A_494, %dma_wait3A_495] : memref<2x64x128xf32, #tpu.memory_space<vmem>> -> memref<1x64x128xf32, #tpu.memory_space<vmem>>
    %dma_wait3A_497 = tpu.memref_squeeze %dma_wait3A_496 : memref<1x64x128xf32, #tpu.memory_space<vmem>> -> memref<64x128xf32, #tpu.memory_space<vmem>>
    %dma_wait3A_498 = arith.constant 0 : i32
    %dma_wait3A_499 = arith.constant 0 : i32
    %dma_wait3A_500 = tpu.memref_slice %arg5[%add3A_307, %dma_wait3A_498, %dma_wait3A_499] : memref<64x64x128xf32, #tpu.memory_space<hbm>> -> memref<1x64x128xf32, #tpu.memory_space<hbm>>
    %dma_wait3A_501 = tpu.memref_squeeze %dma_wait3A_500 : memref<1x64x128xf32, #tpu.memory_space<hbm>> -> memref<64x128xf32, #tpu.memory_space<hbm>>
    %dma_wait3A_502 = arith.constant 0 : i32
    %dma_wait3A_503 = arith.constant 0 : i32
    %dma_wait3A_504 = tpu.memref_slice %arg10[%dma_wait3A_493, %dma_wait3A_502, %dma_wait3A_503] : memref<2x64x128xf32, #tpu.memory_space<vmem>> -> memref<1x64x128xf32, #tpu.memory_space<vmem>>
    %dma_wait3A_505 = tpu.memref_squeeze %dma_wait3A_504 : memref<1x64x128xf32, #tpu.memory_space<vmem>> -> memref<64x128xf32, #tpu.memory_space<vmem>>
    %dma_wait3A_506 = arith.constant 0 : i32
    %dma_wait3A_507 = arith.constant 0 : i32
    %dma_wait3A_508 = tpu.memref_slice %arg5[%add3A_307, %dma_wait3A_506, %dma_wait3A_507] : memref<64x64x128xf32, #tpu.memory_space<hbm>> -> memref<1x64x128xf32, #tpu.memory_space<hbm>>
    %dma_wait3A_509 = tpu.memref_squeeze %dma_wait3A_508 : memref<1x64x128xf32, #tpu.memory_space<hbm>> -> memref<64x128xf32, #tpu.memory_space<hbm>>
    tpu.wait_dma2 semaphore(%arg15 : memref<!tpu.dma_semaphore, #tpu.memory_space<semaphore_mem>>) src(%dma_wait3A_509 : memref<64x128xf32, #tpu.memory_space<hbm>>) dst(%dma_wait3A_505 : memref<64x128xf32, #tpu.memory_space<vmem>>)
    %dma_wait3A_510 = arith.constant 3 : i32
    %dma_wait3A_511 = arith.constant 1 : i32
    %dma_wait3A_512 = arith.constant 0 : i32
    %dma_wait3A_513 = arith.constant 0 : i32
    %dma_wait3A_514 = tpu.memref_slice %arg9[%dma_wait3A_511, %dma_wait3A_512, %dma_wait3A_513] : memref<2x128x16xf32, #tpu.memory_space<vmem>> -> memref<1x128x16xf32, #tpu.memory_space<vmem>>
    %dma_wait3A_515 = tpu.memref_squeeze %dma_wait3A_514 : memref<1x128x16xf32, #tpu.memory_space<vmem>> -> memref<128x16xf32, #tpu.memory_space<vmem>>
    %dma_wait3A_516 = arith.constant 0 : i32
    %dma_wait3A_517 = arith.constant 0 : i32
    %dma_wait3A_518 = tpu.memref_slice %arg3[%add3A, %dma_wait3A_510, %dma_wait3A_516, %dma_wait3A_517] : memref<32x8x128x16xf32, #tpu.memory_space<hbm>> -> memref<1x1x128x16xf32, #tpu.memory_space<hbm>>
    %dma_wait3A_519 = tpu.memref_squeeze %dma_wait3A_518 : memref<1x1x128x16xf32, #tpu.memory_space<hbm>> -> memref<128x16xf32, #tpu.memory_space<hbm>>
    %dma_wait3A_520 = arith.constant 0 : i32
    %dma_wait3A_521 = arith.constant 0 : i32
    %dma_wait3A_522 = tpu.memref_slice %arg9[%dma_wait3A_511, %dma_wait3A_520, %dma_wait3A_521] : memref<2x128x16xf32, #tpu.memory_space<vmem>> -> memref<1x128x16xf32, #tpu.memory_space<vmem>>
    %dma_wait3A_523 = tpu.memref_squeeze %dma_wait3A_522 : memref<1x128x16xf32, #tpu.memory_space<vmem>> -> memref<128x16xf32, #tpu.memory_space<vmem>>
    %dma_wait3A_524 = arith.constant 0 : i32
    %dma_wait3A_525 = arith.constant 0 : i32
    %dma_wait3A_526 = tpu.memref_slice %arg3[%add3A, %dma_wait3A_510, %dma_wait3A_524, %dma_wait3A_525] : memref<32x8x128x16xf32, #tpu.memory_space<hbm>> -> memref<1x1x128x16xf32, #tpu.memory_space<hbm>>
    %dma_wait3A_527 = tpu.memref_squeeze %dma_wait3A_526 : memref<1x1x128x16xf32, #tpu.memory_space<hbm>> -> memref<128x16xf32, #tpu.memory_space<hbm>>
    tpu.wait_dma2 semaphore(%arg17 : memref<!tpu.dma_semaphore, #tpu.memory_space<semaphore_mem>>) src(%dma_wait3A_527 : memref<128x16xf32, #tpu.memory_space<hbm>>) dst(%dma_wait3A_523 : memref<128x16xf32, #tpu.memory_space<vmem>>)
    %dma_wait3A_528 = arith.constant 1 : i32
    %dma_wait3A_529 = arith.constant 0 : i32
    %dma_wait3A_530 = arith.constant 0 : i32
    %dma_wait3A_531 = tpu.memref_slice %arg11[%dma_wait3A_528, %dma_wait3A_529, %dma_wait3A_530] : memref<2x64x128xf32, #tpu.memory_space<vmem>> -> memref<1x64x128xf32, #tpu.memory_space<vmem>>
    %dma_wait3A_532 = tpu.memref_squeeze %dma_wait3A_531 : memref<1x64x128xf32, #tpu.memory_space<vmem>> -> memref<64x128xf32, #tpu.memory_space<vmem>>
    %dma_wait3A_533 = arith.constant 0 : i32
    %dma_wait3A_534 = arith.constant 0 : i32
    %dma_wait3A_535 = tpu.memref_slice %arg6[%add3A_276, %dma_wait3A_533, %dma_wait3A_534] : memref<256x64x128xf32, #tpu.memory_space<hbm>> -> memref<1x64x128xf32, #tpu.memory_space<hbm>>
    %dma_wait3A_536 = tpu.memref_squeeze %dma_wait3A_535 : memref<1x64x128xf32, #tpu.memory_space<hbm>> -> memref<64x128xf32, #tpu.memory_space<hbm>>
    %dma_wait3A_537 = arith.constant 0 : i32
    %dma_wait3A_538 = arith.constant 0 : i32
    %dma_wait3A_539 = tpu.memref_slice %arg6[%add3A_276, %dma_wait3A_537, %dma_wait3A_538] : memref<256x64x128xf32, #tpu.memory_space<hbm>> -> memref<1x64x128xf32, #tpu.memory_space<hbm>>
    %dma_wait3A_540 = tpu.memref_squeeze %dma_wait3A_539 : memref<1x64x128xf32, #tpu.memory_space<hbm>> -> memref<64x128xf32, #tpu.memory_space<hbm>>
    %dma_wait3A_541 = arith.constant 0 : i32
    %dma_wait3A_542 = arith.constant 0 : i32
    %dma_wait3A_543 = tpu.memref_slice %arg11[%dma_wait3A_528, %dma_wait3A_541, %dma_wait3A_542] : memref<2x64x128xf32, #tpu.memory_space<vmem>> -> memref<1x64x128xf32, #tpu.memory_space<vmem>>
    %dma_wait3A_544 = tpu.memref_squeeze %dma_wait3A_543 : memref<1x64x128xf32, #tpu.memory_space<vmem>> -> memref<64x128xf32, #tpu.memory_space<vmem>>
    tpu.wait_dma2 semaphore(%arg19 : memref<!tpu.dma_semaphore, #tpu.memory_space<semaphore_mem>>) src(%dma_wait3A_544 : memref<64x128xf32, #tpu.memory_space<vmem>>) dst(%dma_wait3A_540 : memref<64x128xf32, #tpu.memory_space<hbm>>)
    %scan3A_545 = arith.constant 0 : i32
    %scan3A_546 = arith.constant 0 : i32
    %scan3A_547 = arith.constant 128 : i32
    %scan3A_548 = arith.addi %scan3A_546, %scan3A_547 : i32
    %scan3A_549 = arith.constant 1 : i32
    scf.for %scan3A_1107 = %scan3A_546 to %scan3A_548 step %scan3A_549  : i32 {
      %get3A = arith.constant 1 : i32
      %get3A_1108 = arith.index_cast %get3A : i32 to index
      %get3A_1109 = arith.index_cast %scan3A_1107 : i32 to index
      %get3A_1110 = arith.constant 0 : index
      %get3A_1111 = tpu.vector_load %arg9[%get3A_1108, %get3A_1109, %get3A_1110] {strides = array<i32>} : memref<2x128x16xf32, #tpu.memory_space<vmem>>, vector<1x1x16xf32>,
      %get3A_1112 = vector.shape_cast %get3A_1111 : vector<1x1x16xf32> to vector<16xf32>
      %shift_right_logical3A = arith.constant 1 : i32
      %shift_right_logical3A_1113 = arith.shrui %scan3A_1107, %shift_right_logical3A : i32
      %and3A = arith.constant 1 : i32
      %and3A_1114 = arith.andi %scan3A_1107, %and3A : i32
      %mul3A_1115 = arith.constant 64 : i32
      %mul3A_1116 = arith.muli %and3A_1114, %mul3A_1115 : i32
      %get3A_1117 = arith.constant 1 : i32
      %get3A_1118 = arith.index_cast %get3A_1117 : i32 to index
      %get3A_1119 = arith.index_cast %scan3A_1107 : i32 to index
      %get3A_1120 = arith.constant 0 : index
      %get3A_1121 = tpu.vector_load %arg8[%get3A_1118, %get3A_1119, %get3A_1120] {strides = array<i32>} : memref<2x128x128xf32, #tpu.memory_space<vmem>>, vector<1x1x16xf32>,
      %get3A_1122 = vector.shape_cast %get3A_1121 : vector<1x1x16xf32> to vector<16xf32>
      %get3A_1123 = arith.constant 1 : i32
      %get3A_1124 = arith.index_cast %get3A_1123 : i32 to index
      %get3A_1125 = arith.index_cast %scan3A_1107 : i32 to index
      %get3A_1126 = arith.constant 64 : index
      %get3A_1127 = tpu.vector_load %arg8[%get3A_1124, %get3A_1125, %get3A_1126] {strides = array<i32>} : memref<2x128x128xf32, #tpu.memory_space<vmem>>, vector<1x1x16xf32>,
      %get3A_1128 = vector.shape_cast %get3A_1127 : vector<1x1x16xf32> to vector<16xf32>
      %sub3A = arith.constant 1.000000e+00 : f32
      %sub3A_1129 = vector.broadcast %sub3A : f32 to vector<16xf32>
      %sub3A_1130 = arith.subf %sub3A_1129, %get3A_1112 : vector<16xf32>
      %mul3A_1131 = arith.mulf %get3A_1122, %sub3A_1130 : vector<16xf32>
      %mul3A_1132 = arith.mulf %get3A_1128, %get3A_1112 : vector<16xf32>
      %add3A_1133 = arith.addf %mul3A_1131, %mul3A_1132 : vector<16xf32>
      %add3A_1134 = arith.constant 0 : i32
      %add3A_1135 = arith.addi %mul3A_1116, %add3A_1134 : i32
      %get3A_1136 = arith.constant 1 : i32
      %get3A_1137 = arith.index_cast %get3A_1136 : i32 to index
      %get3A_1138 = arith.index_cast %shift_right_logical3A_1113 : i32 to index
      %get3A_1139 = arith.index_cast %add3A_1135 : i32 to index
      %get3A_1140 = tpu.vector_load %arg10[%get3A_1137, %get3A_1138, %get3A_1139] {strides = array<i32>} : memref<2x64x128xf32, #tpu.memory_space<vmem>>, vector<1x1x16xf32>,
      %get3A_1141 = vector.shape_cast %get3A_1140 : vector<1x1x16xf32> to vector<16xf32>
      %add3A_1142 = arith.addf %add3A_1133, %get3A_1141 : vector<16xf32>
      %swap3A = arith.constant 1 : i32
      %swap3A_1143 = arith.index_cast %swap3A : i32 to index
      %swap3A_1144 = arith.index_cast %shift_right_logical3A_1113 : i32 to index
      %swap3A_1145 = arith.index_cast %add3A_1135 : i32 to index
      %swap3A_1146 = tpu.vector_load %arg11[%swap3A_1143, %swap3A_1144, %swap3A_1145] {strides = array<i32>} : memref<2x64x128xf32, #tpu.memory_space<vmem>>, vector<1x1x16xf32>,
      %swap3A_1147 = vector.shape_cast %swap3A_1146 : vector<1x1x16xf32> to vector<16xf32>
      %swap3A_1148 = vector.shape_cast %add3A_1142 : vector<16xf32> to vector<1x1x16xf32>
      tpu.vector_store %arg11[%swap3A_1143, %swap3A_1144, %swap3A_1145], %swap3A_1148 {strides = array<i32>} : memref<2x64x128xf32, #tpu.memory_space<vmem>>, vector<1x1x16xf32>,
      %get3A_1149 = arith.constant 1 : i32
      %get3A_1150 = arith.index_cast %get3A_1149 : i32 to index
      %get3A_1151 = arith.index_cast %scan3A_1107 : i32 to index
      %get3A_1152 = arith.constant 16 : index
      %get3A_1153 = tpu.vector_load %arg8[%get3A_1150, %get3A_1151, %get3A_1152] {strides = array<i32>} : memref<2x128x128xf32, #tpu.memory_space<vmem>>, vector<1x1x16xf32>,
      %get3A_1154 = vector.shape_cast %get3A_1153 : vector<1x1x16xf32> to vector<16xf32>
      %get3A_1155 = arith.constant 1 : i32
      %get3A_1156 = arith.index_cast %get3A_1155 : i32 to index
      %get3A_1157 = arith.index_cast %scan3A_1107 : i32 to index
      %get3A_1158 = arith.constant 80 : index
      %get3A_1159 = tpu.vector_load %arg8[%get3A_1156, %get3A_1157, %get3A_1158] {strides = array<i32>} : memref<2x128x128xf32, #tpu.memory_space<vmem>>, vector<1x1x16xf32>,
      %get3A_1160 = vector.shape_cast %get3A_1159 : vector<1x1x16xf32> to vector<16xf32>
      %sub3A_1161 = arith.constant 1.000000e+00 : f32
      %sub3A_1162 = vector.broadcast %sub3A_1161 : f32 to vector<16xf32>
      %sub3A_1163 = arith.subf %sub3A_1162, %get3A_1112 : vector<16xf32>
      %mul3A_1164 = arith.mulf %get3A_1154, %sub3A_1163 : vector<16xf32>
      %mul3A_1165 = arith.mulf %get3A_1160, %get3A_1112 : vector<16xf32>
      %add3A_1166 = arith.addf %mul3A_1164, %mul3A_1165 : vector<16xf32>
      %add3A_1167 = arith.constant 16 : i32
      %add3A_1168 = arith.addi %mul3A_1116, %add3A_1167 : i32
      %get3A_1169 = arith.constant 1 : i32
      %get3A_1170 = arith.index_cast %get3A_1169 : i32 to index
      %get3A_1171 = arith.index_cast %shift_right_logical3A_1113 : i32 to index
      %get3A_1172 = arith.index_cast %add3A_1168 : i32 to index
      %get3A_1173 = tpu.vector_load %arg10[%get3A_1170, %get3A_1171, %get3A_1172] {strides = array<i32>} : memref<2x64x128xf32, #tpu.memory_space<vmem>>, vector<1x1x16xf32>,
      %get3A_1174 = vector.shape_cast %get3A_1173 : vector<1x1x16xf32> to vector<16xf32>
      %add3A_1175 = arith.addf %add3A_1166, %get3A_1174 : vector<16xf32>
      %swap3A_1176 = arith.constant 1 : i32
      %swap3A_1177 = arith.index_cast %swap3A_1176 : i32 to index
      %swap3A_1178 = arith.index_cast %shift_right_logical3A_1113 : i32 to index
      %swap3A_1179 = arith.index_cast %add3A_1168 : i32 to index
      %swap3A_1180 = tpu.vector_load %arg11[%swap3A_1177, %swap3A_1178, %swap3A_1179] {strides = array<i32>} : memref<2x64x128xf32, #tpu.memory_space<vmem>>, vector<1x1x16xf32>,
      %swap3A_1181 = vector.shape_cast %swap3A_1180 : vector<1x1x16xf32> to vector<16xf32>
      %swap3A_1182 = vector.shape_cast %add3A_1175 : vector<16xf32> to vector<1x1x16xf32>
      tpu.vector_store %arg11[%swap3A_1177, %swap3A_1178, %swap3A_1179], %swap3A_1182 {strides = array<i32>} : memref<2x64x128xf32, #tpu.memory_space<vmem>>, vector<1x1x16xf32>,
      %get3A_1183 = arith.constant 1 : i32
      %get3A_1184 = arith.index_cast %get3A_1183 : i32 to index
      %get3A_1185 = arith.index_cast %scan3A_1107 : i32 to index
      %get3A_1186 = arith.constant 32 : index
      %get3A_1187 = tpu.vector_load %arg8[%get3A_1184, %get3A_1185, %get3A_1186] {strides = array<i32>} : memref<2x128x128xf32, #tpu.memory_space<vmem>>, vector<1x1x16xf32>,
      %get3A_1188 = vector.shape_cast %get3A_1187 : vector<1x1x16xf32> to vector<16xf32>
      %get3A_1189 = arith.constant 1 : i32
      %get3A_1190 = arith.index_cast %get3A_1189 : i32 to index
      %get3A_1191 = arith.index_cast %scan3A_1107 : i32 to index
      %get3A_1192 = arith.constant 96 : index
      %get3A_1193 = tpu.vector_load %arg8[%get3A_1190, %get3A_1191, %get3A_1192] {strides = array<i32>} : memref<2x128x128xf32, #tpu.memory_space<vmem>>, vector<1x1x16xf32>,
      %get3A_1194 = vector.shape_cast %get3A_1193 : vector<1x1x16xf32> to vector<16xf32>
      %sub3A_1195 = arith.constant 1.000000e+00 : f32
      %sub3A_1196 = vector.broadcast %sub3A_1195 : f32 to vector<16xf32>
      %sub3A_1197 = arith.subf %sub3A_1196, %get3A_1112 : vector<16xf32>
      %mul3A_1198 = arith.mulf %get3A_1188, %sub3A_1197 : vector<16xf32>
      %mul3A_1199 = arith.mulf %get3A_1194, %get3A_1112 : vector<16xf32>
      %add3A_1200 = arith.addf %mul3A_1198, %mul3A_1199 : vector<16xf32>
      %add3A_1201 = arith.constant 32 : i32
      %add3A_1202 = arith.addi %mul3A_1116, %add3A_1201 : i32
      %get3A_1203 = arith.constant 1 : i32
      %get3A_1204 = arith.index_cast %get3A_1203 : i32 to index
      %get3A_1205 = arith.index_cast %shift_right_logical3A_1113 : i32 to index
      %get3A_1206 = arith.index_cast %add3A_1202 : i32 to index
      %get3A_1207 = tpu.vector_load %arg10[%get3A_1204, %get3A_1205, %get3A_1206] {strides = array<i32>} : memref<2x64x128xf32, #tpu.memory_space<vmem>>, vector<1x1x16xf32>,
      %get3A_1208 = vector.shape_cast %get3A_1207 : vector<1x1x16xf32> to vector<16xf32>
      %add3A_1209 = arith.addf %add3A_1200, %get3A_1208 : vector<16xf32>
      %swap3A_1210 = arith.constant 1 : i32
      %swap3A_1211 = arith.index_cast %swap3A_1210 : i32 to index
      %swap3A_1212 = arith.index_cast %shift_right_logical3A_1113 : i32 to index
      %swap3A_1213 = arith.index_cast %add3A_1202 : i32 to index
      %swap3A_1214 = tpu.vector_load %arg11[%swap3A_1211, %swap3A_1212, %swap3A_1213] {strides = array<i32>} : memref<2x64x128xf32, #tpu.memory_space<vmem>>, vector<1x1x16xf32>,
      %swap3A_1215 = vector.shape_cast %swap3A_1214 : vector<1x1x16xf32> to vector<16xf32>
      %swap3A_1216 = vector.shape_cast %add3A_1209 : vector<16xf32> to vector<1x1x16xf32>
      tpu.vector_store %arg11[%swap3A_1211, %swap3A_1212, %swap3A_1213], %swap3A_1216 {strides = array<i32>} : memref<2x64x128xf32, #tpu.memory_space<vmem>>, vector<1x1x16xf32>,
      %get3A_1217 = arith.constant 1 : i32
      %get3A_1218 = arith.index_cast %get3A_1217 : i32 to index
      %get3A_1219 = arith.index_cast %scan3A_1107 : i32 to index
      %get3A_1220 = arith.constant 48 : index
      %get3A_1221 = tpu.vector_load %arg8[%get3A_1218, %get3A_1219, %get3A_1220] {strides = array<i32>} : memref<2x128x128xf32, #tpu.memory_space<vmem>>, vector<1x1x16xf32>,
      %get3A_1222 = vector.shape_cast %get3A_1221 : vector<1x1x16xf32> to vector<16xf32>
      %get3A_1223 = arith.constant 1 : i32
      %get3A_1224 = arith.index_cast %get3A_1223 : i32 to index
      %get3A_1225 = arith.index_cast %scan3A_1107 : i32 to index
      %get3A_1226 = arith.constant 112 : index
      %get3A_1227 = tpu.vector_load %arg8[%get3A_1224, %get3A_1225, %get3A_1226] {strides = array<i32>} : memref<2x128x128xf32, #tpu.memory_space<vmem>>, vector<1x1x16xf32>,
      %get3A_1228 = vector.shape_cast %get3A_1227 : vector<1x1x16xf32> to vector<16xf32>
      %sub3A_1229 = arith.constant 1.000000e+00 : f32
      %sub3A_1230 = vector.broadcast %sub3A_1229 : f32 to vector<16xf32>
      %sub3A_1231 = arith.subf %sub3A_1230, %get3A_1112 : vector<16xf32>
      %mul3A_1232 = arith.mulf %get3A_1222, %sub3A_1231 : vector<16xf32>
      %mul3A_1233 = arith.mulf %get3A_1228, %get3A_1112 : vector<16xf32>
      %add3A_1234 = arith.addf %mul3A_1232, %mul3A_1233 : vector<16xf32>
      %add3A_1235 = arith.constant 48 : i32
      %add3A_1236 = arith.addi %mul3A_1116, %add3A_1235 : i32
      %get3A_1237 = arith.constant 1 : i32
      %get3A_1238 = arith.index_cast %get3A_1237 : i32 to index
      %get3A_1239 = arith.index_cast %shift_right_logical3A_1113 : i32 to index
      %get3A_1240 = arith.index_cast %add3A_1236 : i32 to index
      %get3A_1241 = tpu.vector_load %arg10[%get3A_1238, %get3A_1239, %get3A_1240] {strides = array<i32>} : memref<2x64x128xf32, #tpu.memory_space<vmem>>, vector<1x1x16xf32>,
      %get3A_1242 = vector.shape_cast %get3A_1241 : vector<1x1x16xf32> to vector<16xf32>
      %add3A_1243 = arith.addf %add3A_1234, %get3A_1242 : vector<16xf32>
      %swap3A_1244 = arith.constant 1 : i32
      %swap3A_1245 = arith.index_cast %swap3A_1244 : i32 to index
      %swap3A_1246 = arith.index_cast %shift_right_logical3A_1113 : i32 to index
      %swap3A_1247 = arith.index_cast %add3A_1236 : i32 to index
      %swap3A_1248 = tpu.vector_load %arg11[%swap3A_1245, %swap3A_1246, %swap3A_1247] {strides = array<i32>} : memref<2x64x128xf32, #tpu.memory_space<vmem>>, vector<1x1x16xf32>,
      %swap3A_1249 = vector.shape_cast %swap3A_1248 : vector<1x1x16xf32> to vector<16xf32>
      %swap3A_1250 = vector.shape_cast %add3A_1243 : vector<16xf32> to vector<1x1x16xf32>
      tpu.vector_store %arg11[%swap3A_1245, %swap3A_1246, %swap3A_1247], %swap3A_1250 {strides = array<i32>} : memref<2x64x128xf32, #tpu.memory_space<vmem>>, vector<1x1x16xf32>,
    }
    %scan3A_550 = arith.constant 128 : i32
    %add3A_551 = arith.constant 3 : i32
    %add3A_552 = arith.addi %mul3A_5, %add3A_551 : i32
    %dma_start3A_553 = arith.constant 1 : i32
    %dma_start3A_554 = arith.constant 0 : i32
    %dma_start3A_555 = arith.constant 0 : i32
    %dma_start3A_556 = tpu.memref_slice %arg11[%dma_start3A_553, %dma_start3A_554, %dma_start3A_555] : memref<2x64x128xf32, #tpu.memory_space<vmem>> -> memref<1x64x128xf32, #tpu.memory_space<vmem>>
    %dma_start3A_557 = tpu.memref_squeeze %dma_start3A_556 : memref<1x64x128xf32, #tpu.memory_space<vmem>> -> memref<64x128xf32, #tpu.memory_space<vmem>>
    %dma_start3A_558 = arith.constant 0 : i32
    %dma_start3A_559 = arith.constant 0 : i32
    %dma_start3A_560 = tpu.memref_slice %arg6[%add3A_552, %dma_start3A_558, %dma_start3A_559] : memref<256x64x128xf32, #tpu.memory_space<hbm>> -> memref<1x64x128xf32, #tpu.memory_space<hbm>>
    %dma_start3A_561 = tpu.memref_squeeze %dma_start3A_560 : memref<1x64x128xf32, #tpu.memory_space<hbm>> -> memref<64x128xf32, #tpu.memory_space<hbm>>
    %dma_start3A_562 = arith.constant 0 : i32
    %dma_start3A_563 = arith.constant 0 : i32
    %dma_start3A_564 = tpu.memref_slice %arg6[%add3A_552, %dma_start3A_562, %dma_start3A_563] : memref<256x64x128xf32, #tpu.memory_space<hbm>> -> memref<1x64x128xf32, #tpu.memory_space<hbm>>
    %dma_start3A_565 = tpu.memref_squeeze %dma_start3A_564 : memref<1x64x128xf32, #tpu.memory_space<hbm>> -> memref<64x128xf32, #tpu.memory_space<hbm>>
    %dma_start3A_566 = arith.constant 0 : i32
    %dma_start3A_567 = arith.constant 0 : i32
    %dma_start3A_568 = tpu.memref_slice %arg11[%dma_start3A_553, %dma_start3A_566, %dma_start3A_567] : memref<2x64x128xf32, #tpu.memory_space<vmem>> -> memref<1x64x128xf32, #tpu.memory_space<vmem>>
    %dma_start3A_569 = tpu.memref_squeeze %dma_start3A_568 : memref<1x64x128xf32, #tpu.memory_space<vmem>> -> memref<64x128xf32, #tpu.memory_space<vmem>>
    tpu.enqueue_dma source(%dma_start3A_569 : memref<64x128xf32, #tpu.memory_space<vmem>>) target(%dma_start3A_565 : memref<64x128xf32, #tpu.memory_space<hbm>>) target_semaphore(%arg19 : memref<!tpu.dma_semaphore, #tpu.memory_space<semaphore_mem>>)
    %dma_start3A_570 = arith.constant 5 : i32
    %dma_start3A_571 = arith.constant 1 : i32
    %dma_start3A_572 = arith.constant 0 : i32
    %dma_start3A_573 = arith.constant 0 : i32
    %dma_start3A_574 = tpu.memref_slice %arg8[%dma_start3A_571, %dma_start3A_572, %dma_start3A_573] : memref<2x128x128xf32, #tpu.memory_space<vmem>> -> memref<1x128x128xf32, #tpu.memory_space<vmem>>
    %dma_start3A_575 = tpu.memref_squeeze %dma_start3A_574 : memref<1x128x128xf32, #tpu.memory_space<vmem>> -> memref<128x128xf32, #tpu.memory_space<vmem>>
    %dma_start3A_576 = arith.constant 0 : i32
    %dma_start3A_577 = tpu.memref_slice %arg7[%dma_start3A_570, %dma_start3A_576] : memref<8x128xi32, #tpu.memory_space<vmem>> -> memref<1x128xi32, #tpu.memory_space<vmem>>
    %dma_start3A_578 = tpu.memref_squeeze %dma_start3A_577 : memref<1x128xi32, #tpu.memory_space<vmem>> -> memref<128xi32, #tpu.memory_space<vmem>>
    %dma_start3A_579 = arith.constant 0 : i32
    %dma_start3A_580 = arith.constant 0 : i32
    %dma_start3A_581 = tpu.memref_slice %arg4[%dma_start3A_579, %dma_start3A_580] : memref<500000x128xf32, #tpu.memory_space<hbm>> -> memref<500000x128xf32, #tpu.memory_space<hbm>>
    tpu.enqueue_indirect_dma source(%dma_start3A_581 : memref<500000x128xf32, #tpu.memory_space<hbm>>) target(%dma_start3A_575 : memref<128x128xf32, #tpu.memory_space<vmem>>) offsets(%dma_start3A_578 : memref<128xi32, #tpu.memory_space<vmem>>) semaphore(%arg13 : memref<!tpu.dma_semaphore, #tpu.memory_space<semaphore_mem>>)
    %add3A_582 = arith.constant 5 : i32
    %add3A_583 = arith.addi %mul3A_3, %add3A_582 : i32
    %dma_start3A_584 = arith.constant 1 : i32
    %dma_start3A_585 = arith.constant 0 : i32
    %dma_start3A_586 = arith.constant 0 : i32
    %dma_start3A_587 = tpu.memref_slice %arg10[%dma_start3A_584, %dma_start3A_585, %dma_start3A_586] : memref<2x64x128xf32, #tpu.memory_space<vmem>> -> memref<1x64x128xf32, #tpu.memory_space<vmem>>
    %dma_start3A_588 = tpu.memref_squeeze %dma_start3A_587 : memref<1x64x128xf32, #tpu.memory_space<vmem>> -> memref<64x128xf32, #tpu.memory_space<vmem>>
    %dma_start3A_589 = arith.constant 0 : i32
    %dma_start3A_590 = arith.constant 0 : i32
    %dma_start3A_591 = tpu.memref_slice %arg5[%add3A_583, %dma_start3A_589, %dma_start3A_590] : memref<64x64x128xf32, #tpu.memory_space<hbm>> -> memref<1x64x128xf32, #tpu.memory_space<hbm>>
    %dma_start3A_592 = tpu.memref_squeeze %dma_start3A_591 : memref<1x64x128xf32, #tpu.memory_space<hbm>> -> memref<64x128xf32, #tpu.memory_space<hbm>>
    %dma_start3A_593 = arith.constant 0 : i32
    %dma_start3A_594 = arith.constant 0 : i32
    %dma_start3A_595 = tpu.memref_slice %arg10[%dma_start3A_584, %dma_start3A_593, %dma_start3A_594] : memref<2x64x128xf32, #tpu.memory_space<vmem>> -> memref<1x64x128xf32, #tpu.memory_space<vmem>>
    %dma_start3A_596 = tpu.memref_squeeze %dma_start3A_595 : memref<1x64x128xf32, #tpu.memory_space<vmem>> -> memref<64x128xf32, #tpu.memory_space<vmem>>
    %dma_start3A_597 = arith.constant 0 : i32
    %dma_start3A_598 = arith.constant 0 : i32
    %dma_start3A_599 = tpu.memref_slice %arg5[%add3A_583, %dma_start3A_597, %dma_start3A_598] : memref<64x64x128xf32, #tpu.memory_space<hbm>> -> memref<1x64x128xf32, #tpu.memory_space<hbm>>
    %dma_start3A_600 = tpu.memref_squeeze %dma_start3A_599 : memref<1x64x128xf32, #tpu.memory_space<hbm>> -> memref<64x128xf32, #tpu.memory_space<hbm>>
    tpu.enqueue_dma source(%dma_start3A_600 : memref<64x128xf32, #tpu.memory_space<hbm>>) target(%dma_start3A_596 : memref<64x128xf32, #tpu.memory_space<vmem>>) target_semaphore(%arg15 : memref<!tpu.dma_semaphore, #tpu.memory_space<semaphore_mem>>)
    %dma_start3A_601 = arith.constant 5 : i32
    %dma_start3A_602 = arith.constant 1 : i32
    %dma_start3A_603 = arith.constant 0 : i32
    %dma_start3A_604 = arith.constant 0 : i32
    %dma_start3A_605 = tpu.memref_slice %arg9[%dma_start3A_602, %dma_start3A_603, %dma_start3A_604] : memref<2x128x16xf32, #tpu.memory_space<vmem>> -> memref<1x128x16xf32, #tpu.memory_space<vmem>>
    %dma_start3A_606 = tpu.memref_squeeze %dma_start3A_605 : memref<1x128x16xf32, #tpu.memory_space<vmem>> -> memref<128x16xf32, #tpu.memory_space<vmem>>
    %dma_start3A_607 = arith.constant 0 : i32
    %dma_start3A_608 = arith.constant 0 : i32
    %dma_start3A_609 = tpu.memref_slice %arg3[%add3A, %dma_start3A_601, %dma_start3A_607, %dma_start3A_608] : memref<32x8x128x16xf32, #tpu.memory_space<hbm>> -> memref<1x1x128x16xf32, #tpu.memory_space<hbm>>
    %dma_start3A_610 = tpu.memref_squeeze %dma_start3A_609 : memref<1x1x128x16xf32, #tpu.memory_space<hbm>> -> memref<128x16xf32, #tpu.memory_space<hbm>>
    %dma_start3A_611 = arith.constant 0 : i32
    %dma_start3A_612 = arith.constant 0 : i32
    %dma_start3A_613 = tpu.memref_slice %arg9[%dma_start3A_602, %dma_start3A_611, %dma_start3A_612] : memref<2x128x16xf32, #tpu.memory_space<vmem>> -> memref<1x128x16xf32, #tpu.memory_space<vmem>>
    %dma_start3A_614 = tpu.memref_squeeze %dma_start3A_613 : memref<1x128x16xf32, #tpu.memory_space<vmem>> -> memref<128x16xf32, #tpu.memory_space<vmem>>
    %dma_start3A_615 = arith.constant 0 : i32
    %dma_start3A_616 = arith.constant 0 : i32
    %dma_start3A_617 = tpu.memref_slice %arg3[%add3A, %dma_start3A_601, %dma_start3A_615, %dma_start3A_616] : memref<32x8x128x16xf32, #tpu.memory_space<hbm>> -> memref<1x1x128x16xf32, #tpu.memory_space<hbm>>
    %dma_start3A_618 = tpu.memref_squeeze %dma_start3A_617 : memref<1x1x128x16xf32, #tpu.memory_space<hbm>> -> memref<128x16xf32, #tpu.memory_space<hbm>>
    tpu.enqueue_dma source(%dma_start3A_618 : memref<128x16xf32, #tpu.memory_space<hbm>>) target(%dma_start3A_614 : memref<128x16xf32, #tpu.memory_space<vmem>>) target_semaphore(%arg17 : memref<!tpu.dma_semaphore, #tpu.memory_space<semaphore_mem>>)
    %dma_wait3A_619 = arith.constant 4 : i32
    %dma_wait3A_620 = arith.constant 0 : i32
    %dma_wait3A_621 = arith.constant 0 : i32
    %dma_wait3A_622 = arith.constant 0 : i32
    %dma_wait3A_623 = tpu.memref_slice %arg8[%dma_wait3A_620, %dma_wait3A_621, %dma_wait3A_622] : memref<2x128x128xf32, #tpu.memory_space<vmem>> -> memref<1x128x128xf32, #tpu.memory_space<vmem>>
    %dma_wait3A_624 = tpu.memref_squeeze %dma_wait3A_623 : memref<1x128x128xf32, #tpu.memory_space<vmem>> -> memref<128x128xf32, #tpu.memory_space<vmem>>
    %dma_wait3A_625 = arith.constant 0 : i32
    %dma_wait3A_626 = tpu.memref_slice %arg7[%dma_wait3A_619, %dma_wait3A_625] : memref<8x128xi32, #tpu.memory_space<vmem>> -> memref<1x128xi32, #tpu.memory_space<vmem>>
    %dma_wait3A_627 = tpu.memref_squeeze %dma_wait3A_626 : memref<1x128xi32, #tpu.memory_space<vmem>> -> memref<128xi32, #tpu.memory_space<vmem>>
    %dma_wait3A_628 = arith.constant 0 : i32
    %dma_wait3A_629 = arith.constant 0 : i32
    %dma_wait3A_630 = tpu.memref_slice %arg4[%dma_wait3A_628, %dma_wait3A_629] : memref<500000x128xf32, #tpu.memory_space<hbm>> -> memref<500000x128xf32, #tpu.memory_space<hbm>>
    tpu.wait_indirect_dma semaphore(%arg12 : memref<!tpu.dma_semaphore, #tpu.memory_space<semaphore_mem>>) src(%dma_wait3A_630 : memref<500000x128xf32, #tpu.memory_space<hbm>>) dst(%dma_wait3A_624 : memref<128x128xf32, #tpu.memory_space<vmem>>)
    %dma_wait3A_631 = arith.constant 0 : i32
    %dma_wait3A_632 = arith.constant 0 : i32
    %dma_wait3A_633 = arith.constant 0 : i32
    %dma_wait3A_634 = tpu.memref_slice %arg10[%dma_wait3A_631, %dma_wait3A_632, %dma_wait3A_633] : memref<2x64x128xf32, #tpu.memory_space<vmem>> -> memref<1x64x128xf32, #tpu.memory_space<vmem>>
    %dma_wait3A_635 = tpu.memref_squeeze %dma_wait3A_634 : memref<1x64x128xf32, #tpu.memory_space<vmem>> -> memref<64x128xf32, #tpu.memory_space<vmem>>
    %dma_wait3A_636 = arith.constant 0 : i32
    %dma_wait3A_637 = arith.constant 0 : i32
    %dma_wait3A_638 = tpu.memref_slice %arg5[%add3A_445, %dma_wait3A_636, %dma_wait3A_637] : memref<64x64x128xf32, #tpu.memory_space<hbm>> -> memref<1x64x128xf32, #tpu.memory_space<hbm>>
    %dma_wait3A_639 = tpu.memref_squeeze %dma_wait3A_638 : memref<1x64x128xf32, #tpu.memory_space<hbm>> -> memref<64x128xf32, #tpu.memory_space<hbm>>
    %dma_wait3A_640 = arith.constant 0 : i32
    %dma_wait3A_641 = arith.constant 0 : i32
    %dma_wait3A_642 = tpu.memref_slice %arg10[%dma_wait3A_631, %dma_wait3A_640, %dma_wait3A_641] : memref<2x64x128xf32, #tpu.memory_space<vmem>> -> memref<1x64x128xf32, #tpu.memory_space<vmem>>
    %dma_wait3A_643 = tpu.memref_squeeze %dma_wait3A_642 : memref<1x64x128xf32, #tpu.memory_space<vmem>> -> memref<64x128xf32, #tpu.memory_space<vmem>>
    %dma_wait3A_644 = arith.constant 0 : i32
    %dma_wait3A_645 = arith.constant 0 : i32
    %dma_wait3A_646 = tpu.memref_slice %arg5[%add3A_445, %dma_wait3A_644, %dma_wait3A_645] : memref<64x64x128xf32, #tpu.memory_space<hbm>> -> memref<1x64x128xf32, #tpu.memory_space<hbm>>
    %dma_wait3A_647 = tpu.memref_squeeze %dma_wait3A_646 : memref<1x64x128xf32, #tpu.memory_space<hbm>> -> memref<64x128xf32, #tpu.memory_space<hbm>>
    tpu.wait_dma2 semaphore(%arg14 : memref<!tpu.dma_semaphore, #tpu.memory_space<semaphore_mem>>) src(%dma_wait3A_647 : memref<64x128xf32, #tpu.memory_space<hbm>>) dst(%dma_wait3A_643 : memref<64x128xf32, #tpu.memory_space<vmem>>)
    %dma_wait3A_648 = arith.constant 4 : i32
    %dma_wait3A_649 = arith.constant 0 : i32
    %dma_wait3A_650 = arith.constant 0 : i32
    %dma_wait3A_651 = arith.constant 0 : i32
    %dma_wait3A_652 = tpu.memref_slice %arg9[%dma_wait3A_649, %dma_wait3A_650, %dma_wait3A_651] : memref<2x128x16xf32, #tpu.memory_space<vmem>> -> memref<1x128x16xf32, #tpu.memory_space<vmem>>
    %dma_wait3A_653 = tpu.memref_squeeze %dma_wait3A_652 : memref<1x128x16xf32, #tpu.memory_space<vmem>> -> memref<128x16xf32, #tpu.memory_space<vmem>>
    %dma_wait3A_654 = arith.constant 0 : i32
    %dma_wait3A_655 = arith.constant 0 : i32
    %dma_wait3A_656 = tpu.memref_slice %arg3[%add3A, %dma_wait3A_648, %dma_wait3A_654, %dma_wait3A_655] : memref<32x8x128x16xf32, #tpu.memory_space<hbm>> -> memref<1x1x128x16xf32, #tpu.memory_space<hbm>>
    %dma_wait3A_657 = tpu.memref_squeeze %dma_wait3A_656 : memref<1x1x128x16xf32, #tpu.memory_space<hbm>> -> memref<128x16xf32, #tpu.memory_space<hbm>>
    %dma_wait3A_658 = arith.constant 0 : i32
    %dma_wait3A_659 = arith.constant 0 : i32
    %dma_wait3A_660 = tpu.memref_slice %arg9[%dma_wait3A_649, %dma_wait3A_658, %dma_wait3A_659] : memref<2x128x16xf32, #tpu.memory_space<vmem>> -> memref<1x128x16xf32, #tpu.memory_space<vmem>>
    %dma_wait3A_661 = tpu.memref_squeeze %dma_wait3A_660 : memref<1x128x16xf32, #tpu.memory_space<vmem>> -> memref<128x16xf32, #tpu.memory_space<vmem>>
    %dma_wait3A_662 = arith.constant 0 : i32
    %dma_wait3A_663 = arith.constant 0 : i32
    %dma_wait3A_664 = tpu.memref_slice %arg3[%add3A, %dma_wait3A_648, %dma_wait3A_662, %dma_wait3A_663] : memref<32x8x128x16xf32, #tpu.memory_space<hbm>> -> memref<1x1x128x16xf32, #tpu.memory_space<hbm>>
    %dma_wait3A_665 = tpu.memref_squeeze %dma_wait3A_664 : memref<1x1x128x16xf32, #tpu.memory_space<hbm>> -> memref<128x16xf32, #tpu.memory_space<hbm>>
    tpu.wait_dma2 semaphore(%arg16 : memref<!tpu.dma_semaphore, #tpu.memory_space<semaphore_mem>>) src(%dma_wait3A_665 : memref<128x16xf32, #tpu.memory_space<hbm>>) dst(%dma_wait3A_661 : memref<128x16xf32, #tpu.memory_space<vmem>>)
    %dma_wait3A_666 = arith.constant 0 : i32
    %dma_wait3A_667 = arith.constant 0 : i32
    %dma_wait3A_668 = arith.constant 0 : i32
    %dma_wait3A_669 = tpu.memref_slice %arg11[%dma_wait3A_666, %dma_wait3A_667, %dma_wait3A_668] : memref<2x64x128xf32, #tpu.memory_space<vmem>> -> memref<1x64x128xf32, #tpu.memory_space<vmem>>
    %dma_wait3A_670 = tpu.memref_squeeze %dma_wait3A_669 : memref<1x64x128xf32, #tpu.memory_space<vmem>> -> memref<64x128xf32, #tpu.memory_space<vmem>>
    %dma_wait3A_671 = arith.constant 0 : i32
    %dma_wait3A_672 = arith.constant 0 : i32
    %dma_wait3A_673 = tpu.memref_slice %arg6[%add3A_414, %dma_wait3A_671, %dma_wait3A_672] : memref<256x64x128xf32, #tpu.memory_space<hbm>> -> memref<1x64x128xf32, #tpu.memory_space<hbm>>
    %dma_wait3A_674 = tpu.memref_squeeze %dma_wait3A_673 : memref<1x64x128xf32, #tpu.memory_space<hbm>> -> memref<64x128xf32, #tpu.memory_space<hbm>>
    %dma_wait3A_675 = arith.constant 0 : i32
    %dma_wait3A_676 = arith.constant 0 : i32
    %dma_wait3A_677 = tpu.memref_slice %arg6[%add3A_414, %dma_wait3A_675, %dma_wait3A_676] : memref<256x64x128xf32, #tpu.memory_space<hbm>> -> memref<1x64x128xf32, #tpu.memory_space<hbm>>
    %dma_wait3A_678 = tpu.memref_squeeze %dma_wait3A_677 : memref<1x64x128xf32, #tpu.memory_space<hbm>> -> memref<64x128xf32, #tpu.memory_space<hbm>>
    %dma_wait3A_679 = arith.constant 0 : i32
    %dma_wait3A_680 = arith.constant 0 : i32
    %dma_wait3A_681 = tpu.memref_slice %arg11[%dma_wait3A_666, %dma_wait3A_679, %dma_wait3A_680] : memref<2x64x128xf32, #tpu.memory_space<vmem>> -> memref<1x64x128xf32, #tpu.memory_space<vmem>>
    %dma_wait3A_682 = tpu.memref_squeeze %dma_wait3A_681 : memref<1x64x128xf32, #tpu.memory_space<vmem>> -> memref<64x128xf32, #tpu.memory_space<vmem>>
    tpu.wait_dma2 semaphore(%arg18 : memref<!tpu.dma_semaphore, #tpu.memory_space<semaphore_mem>>) src(%dma_wait3A_682 : memref<64x128xf32, #tpu.memory_space<vmem>>) dst(%dma_wait3A_678 : memref<64x128xf32, #tpu.memory_space<hbm>>)
    %scan3A_683 = arith.constant 0 : i32
    %scan3A_684 = arith.constant 0 : i32
    %scan3A_685 = arith.constant 128 : i32
    %scan3A_686 = arith.addi %scan3A_684, %scan3A_685 : i32
    %scan3A_687 = arith.constant 1 : i32
    scf.for %scan3A_1107 = %scan3A_684 to %scan3A_686 step %scan3A_687  : i32 {
      %get3A = arith.constant 0 : i32
      %get3A_1108 = arith.index_cast %get3A : i32 to index
      %get3A_1109 = arith.index_cast %scan3A_1107 : i32 to index
      %get3A_1110 = arith.constant 0 : index
      %get3A_1111 = tpu.vector_load %arg9[%get3A_1108, %get3A_1109, %get3A_1110] {strides = array<i32>} : memref<2x128x16xf32, #tpu.memory_space<vmem>>, vector<1x1x16xf32>,
      %get3A_1112 = vector.shape_cast %get3A_1111 : vector<1x1x16xf32> to vector<16xf32>
      %shift_right_logical3A = arith.constant 1 : i32
      %shift_right_logical3A_1113 = arith.shrui %scan3A_1107, %shift_right_logical3A : i32
      %and3A = arith.constant 1 : i32
      %and3A_1114 = arith.andi %scan3A_1107, %and3A : i32
      %mul3A_1115 = arith.constant 64 : i32
      %mul3A_1116 = arith.muli %and3A_1114, %mul3A_1115 : i32
      %get3A_1117 = arith.constant 0 : i32
      %get3A_1118 = arith.index_cast %get3A_1117 : i32 to index
      %get3A_1119 = arith.index_cast %scan3A_1107 : i32 to index
      %get3A_1120 = arith.constant 0 : index
      %get3A_1121 = tpu.vector_load %arg8[%get3A_1118, %get3A_1119, %get3A_1120] {strides = array<i32>} : memref<2x128x128xf32, #tpu.memory_space<vmem>>, vector<1x1x16xf32>,
      %get3A_1122 = vector.shape_cast %get3A_1121 : vector<1x1x16xf32> to vector<16xf32>
      %get3A_1123 = arith.constant 0 : i32
      %get3A_1124 = arith.index_cast %get3A_1123 : i32 to index
      %get3A_1125 = arith.index_cast %scan3A_1107 : i32 to index
      %get3A_1126 = arith.constant 64 : index
      %get3A_1127 = tpu.vector_load %arg8[%get3A_1124, %get3A_1125, %get3A_1126] {strides = array<i32>} : memref<2x128x128xf32, #tpu.memory_space<vmem>>, vector<1x1x16xf32>,
      %get3A_1128 = vector.shape_cast %get3A_1127 : vector<1x1x16xf32> to vector<16xf32>
      %sub3A = arith.constant 1.000000e+00 : f32
      %sub3A_1129 = vector.broadcast %sub3A : f32 to vector<16xf32>
      %sub3A_1130 = arith.subf %sub3A_1129, %get3A_1112 : vector<16xf32>
      %mul3A_1131 = arith.mulf %get3A_1122, %sub3A_1130 : vector<16xf32>
      %mul3A_1132 = arith.mulf %get3A_1128, %get3A_1112 : vector<16xf32>
      %add3A_1133 = arith.addf %mul3A_1131, %mul3A_1132 : vector<16xf32>
      %add3A_1134 = arith.constant 0 : i32
      %add3A_1135 = arith.addi %mul3A_1116, %add3A_1134 : i32
      %get3A_1136 = arith.constant 0 : i32
      %get3A_1137 = arith.index_cast %get3A_1136 : i32 to index
      %get3A_1138 = arith.index_cast %shift_right_logical3A_1113 : i32 to index
      %get3A_1139 = arith.index_cast %add3A_1135 : i32 to index
      %get3A_1140 = tpu.vector_load %arg10[%get3A_1137, %get3A_1138, %get3A_1139] {strides = array<i32>} : memref<2x64x128xf32, #tpu.memory_space<vmem>>, vector<1x1x16xf32>,
      %get3A_1141 = vector.shape_cast %get3A_1140 : vector<1x1x16xf32> to vector<16xf32>
      %add3A_1142 = arith.addf %add3A_1133, %get3A_1141 : vector<16xf32>
      %swap3A = arith.constant 0 : i32
      %swap3A_1143 = arith.index_cast %swap3A : i32 to index
      %swap3A_1144 = arith.index_cast %shift_right_logical3A_1113 : i32 to index
      %swap3A_1145 = arith.index_cast %add3A_1135 : i32 to index
      %swap3A_1146 = tpu.vector_load %arg11[%swap3A_1143, %swap3A_1144, %swap3A_1145] {strides = array<i32>} : memref<2x64x128xf32, #tpu.memory_space<vmem>>, vector<1x1x16xf32>,
      %swap3A_1147 = vector.shape_cast %swap3A_1146 : vector<1x1x16xf32> to vector<16xf32>
      %swap3A_1148 = vector.shape_cast %add3A_1142 : vector<16xf32> to vector<1x1x16xf32>
      tpu.vector_store %arg11[%swap3A_1143, %swap3A_1144, %swap3A_1145], %swap3A_1148 {strides = array<i32>} : memref<2x64x128xf32, #tpu.memory_space<vmem>>, vector<1x1x16xf32>,
      %get3A_1149 = arith.constant 0 : i32
      %get3A_1150 = arith.index_cast %get3A_1149 : i32 to index
      %get3A_1151 = arith.index_cast %scan3A_1107 : i32 to index
      %get3A_1152 = arith.constant 16 : index
      %get3A_1153 = tpu.vector_load %arg8[%get3A_1150, %get3A_1151, %get3A_1152] {strides = array<i32>} : memref<2x128x128xf32, #tpu.memory_space<vmem>>, vector<1x1x16xf32>,
      %get3A_1154 = vector.shape_cast %get3A_1153 : vector<1x1x16xf32> to vector<16xf32>
      %get3A_1155 = arith.constant 0 : i32
      %get3A_1156 = arith.index_cast %get3A_1155 : i32 to index
      %get3A_1157 = arith.index_cast %scan3A_1107 : i32 to index
      %get3A_1158 = arith.constant 80 : index
      %get3A_1159 = tpu.vector_load %arg8[%get3A_1156, %get3A_1157, %get3A_1158] {strides = array<i32>} : memref<2x128x128xf32, #tpu.memory_space<vmem>>, vector<1x1x16xf32>,
      %get3A_1160 = vector.shape_cast %get3A_1159 : vector<1x1x16xf32> to vector<16xf32>
      %sub3A_1161 = arith.constant 1.000000e+00 : f32
      %sub3A_1162 = vector.broadcast %sub3A_1161 : f32 to vector<16xf32>
      %sub3A_1163 = arith.subf %sub3A_1162, %get3A_1112 : vector<16xf32>
      %mul3A_1164 = arith.mulf %get3A_1154, %sub3A_1163 : vector<16xf32>
      %mul3A_1165 = arith.mulf %get3A_1160, %get3A_1112 : vector<16xf32>
      %add3A_1166 = arith.addf %mul3A_1164, %mul3A_1165 : vector<16xf32>
      %add3A_1167 = arith.constant 16 : i32
      %add3A_1168 = arith.addi %mul3A_1116, %add3A_1167 : i32
      %get3A_1169 = arith.constant 0 : i32
      %get3A_1170 = arith.index_cast %get3A_1169 : i32 to index
      %get3A_1171 = arith.index_cast %shift_right_logical3A_1113 : i32 to index
      %get3A_1172 = arith.index_cast %add3A_1168 : i32 to index
      %get3A_1173 = tpu.vector_load %arg10[%get3A_1170, %get3A_1171, %get3A_1172] {strides = array<i32>} : memref<2x64x128xf32, #tpu.memory_space<vmem>>, vector<1x1x16xf32>,
      %get3A_1174 = vector.shape_cast %get3A_1173 : vector<1x1x16xf32> to vector<16xf32>
      %add3A_1175 = arith.addf %add3A_1166, %get3A_1174 : vector<16xf32>
      %swap3A_1176 = arith.constant 0 : i32
      %swap3A_1177 = arith.index_cast %swap3A_1176 : i32 to index
      %swap3A_1178 = arith.index_cast %shift_right_logical3A_1113 : i32 to index
      %swap3A_1179 = arith.index_cast %add3A_1168 : i32 to index
      %swap3A_1180 = tpu.vector_load %arg11[%swap3A_1177, %swap3A_1178, %swap3A_1179] {strides = array<i32>} : memref<2x64x128xf32, #tpu.memory_space<vmem>>, vector<1x1x16xf32>,
      %swap3A_1181 = vector.shape_cast %swap3A_1180 : vector<1x1x16xf32> to vector<16xf32>
      %swap3A_1182 = vector.shape_cast %add3A_1175 : vector<16xf32> to vector<1x1x16xf32>
      tpu.vector_store %arg11[%swap3A_1177, %swap3A_1178, %swap3A_1179], %swap3A_1182 {strides = array<i32>} : memref<2x64x128xf32, #tpu.memory_space<vmem>>, vector<1x1x16xf32>,
      %get3A_1183 = arith.constant 0 : i32
      %get3A_1184 = arith.index_cast %get3A_1183 : i32 to index
      %get3A_1185 = arith.index_cast %scan3A_1107 : i32 to index
      %get3A_1186 = arith.constant 32 : index
      %get3A_1187 = tpu.vector_load %arg8[%get3A_1184, %get3A_1185, %get3A_1186] {strides = array<i32>} : memref<2x128x128xf32, #tpu.memory_space<vmem>>, vector<1x1x16xf32>,
      %get3A_1188 = vector.shape_cast %get3A_1187 : vector<1x1x16xf32> to vector<16xf32>
      %get3A_1189 = arith.constant 0 : i32
      %get3A_1190 = arith.index_cast %get3A_1189 : i32 to index
      %get3A_1191 = arith.index_cast %scan3A_1107 : i32 to index
      %get3A_1192 = arith.constant 96 : index
      %get3A_1193 = tpu.vector_load %arg8[%get3A_1190, %get3A_1191, %get3A_1192] {strides = array<i32>} : memref<2x128x128xf32, #tpu.memory_space<vmem>>, vector<1x1x16xf32>,
      %get3A_1194 = vector.shape_cast %get3A_1193 : vector<1x1x16xf32> to vector<16xf32>
      %sub3A_1195 = arith.constant 1.000000e+00 : f32
      %sub3A_1196 = vector.broadcast %sub3A_1195 : f32 to vector<16xf32>
      %sub3A_1197 = arith.subf %sub3A_1196, %get3A_1112 : vector<16xf32>
      %mul3A_1198 = arith.mulf %get3A_1188, %sub3A_1197 : vector<16xf32>
      %mul3A_1199 = arith.mulf %get3A_1194, %get3A_1112 : vector<16xf32>
      %add3A_1200 = arith.addf %mul3A_1198, %mul3A_1199 : vector<16xf32>
      %add3A_1201 = arith.constant 32 : i32
      %add3A_1202 = arith.addi %mul3A_1116, %add3A_1201 : i32
      %get3A_1203 = arith.constant 0 : i32
      %get3A_1204 = arith.index_cast %get3A_1203 : i32 to index
      %get3A_1205 = arith.index_cast %shift_right_logical3A_1113 : i32 to index
      %get3A_1206 = arith.index_cast %add3A_1202 : i32 to index
      %get3A_1207 = tpu.vector_load %arg10[%get3A_1204, %get3A_1205, %get3A_1206] {strides = array<i32>} : memref<2x64x128xf32, #tpu.memory_space<vmem>>, vector<1x1x16xf32>,
      %get3A_1208 = vector.shape_cast %get3A_1207 : vector<1x1x16xf32> to vector<16xf32>
      %add3A_1209 = arith.addf %add3A_1200, %get3A_1208 : vector<16xf32>
      %swap3A_1210 = arith.constant 0 : i32
      %swap3A_1211 = arith.index_cast %swap3A_1210 : i32 to index
      %swap3A_1212 = arith.index_cast %shift_right_logical3A_1113 : i32 to index
      %swap3A_1213 = arith.index_cast %add3A_1202 : i32 to index
      %swap3A_1214 = tpu.vector_load %arg11[%swap3A_1211, %swap3A_1212, %swap3A_1213] {strides = array<i32>} : memref<2x64x128xf32, #tpu.memory_space<vmem>>, vector<1x1x16xf32>,
      %swap3A_1215 = vector.shape_cast %swap3A_1214 : vector<1x1x16xf32> to vector<16xf32>
      %swap3A_1216 = vector.shape_cast %add3A_1209 : vector<16xf32> to vector<1x1x16xf32>
      tpu.vector_store %arg11[%swap3A_1211, %swap3A_1212, %swap3A_1213], %swap3A_1216 {strides = array<i32>} : memref<2x64x128xf32, #tpu.memory_space<vmem>>, vector<1x1x16xf32>,
      %get3A_1217 = arith.constant 0 : i32
      %get3A_1218 = arith.index_cast %get3A_1217 : i32 to index
      %get3A_1219 = arith.index_cast %scan3A_1107 : i32 to index
      %get3A_1220 = arith.constant 48 : index
      %get3A_1221 = tpu.vector_load %arg8[%get3A_1218, %get3A_1219, %get3A_1220] {strides = array<i32>} : memref<2x128x128xf32, #tpu.memory_space<vmem>>, vector<1x1x16xf32>,
      %get3A_1222 = vector.shape_cast %get3A_1221 : vector<1x1x16xf32> to vector<16xf32>
      %get3A_1223 = arith.constant 0 : i32
      %get3A_1224 = arith.index_cast %get3A_1223 : i32 to index
      %get3A_1225 = arith.index_cast %scan3A_1107 : i32 to index
      %get3A_1226 = arith.constant 112 : index
      %get3A_1227 = tpu.vector_load %arg8[%get3A_1224, %get3A_1225, %get3A_1226] {strides = array<i32>} : memref<2x128x128xf32, #tpu.memory_space<vmem>>, vector<1x1x16xf32>,
      %get3A_1228 = vector.shape_cast %get3A_1227 : vector<1x1x16xf32> to vector<16xf32>
      %sub3A_1229 = arith.constant 1.000000e+00 : f32
      %sub3A_1230 = vector.broadcast %sub3A_1229 : f32 to vector<16xf32>
      %sub3A_1231 = arith.subf %sub3A_1230, %get3A_1112 : vector<16xf32>
      %mul3A_1232 = arith.mulf %get3A_1222, %sub3A_1231 : vector<16xf32>
      %mul3A_1233 = arith.mulf %get3A_1228, %get3A_1112 : vector<16xf32>
      %add3A_1234 = arith.addf %mul3A_1232, %mul3A_1233 : vector<16xf32>
      %add3A_1235 = arith.constant 48 : i32
      %add3A_1236 = arith.addi %mul3A_1116, %add3A_1235 : i32
      %get3A_1237 = arith.constant 0 : i32
      %get3A_1238 = arith.index_cast %get3A_1237 : i32 to index
      %get3A_1239 = arith.index_cast %shift_right_logical3A_1113 : i32 to index
      %get3A_1240 = arith.index_cast %add3A_1236 : i32 to index
      %get3A_1241 = tpu.vector_load %arg10[%get3A_1238, %get3A_1239, %get3A_1240] {strides = array<i32>} : memref<2x64x128xf32, #tpu.memory_space<vmem>>, vector<1x1x16xf32>,
      %get3A_1242 = vector.shape_cast %get3A_1241 : vector<1x1x16xf32> to vector<16xf32>
      %add3A_1243 = arith.addf %add3A_1234, %get3A_1242 : vector<16xf32>
      %swap3A_1244 = arith.constant 0 : i32
      %swap3A_1245 = arith.index_cast %swap3A_1244 : i32 to index
      %swap3A_1246 = arith.index_cast %shift_right_logical3A_1113 : i32 to index
      %swap3A_1247 = arith.index_cast %add3A_1236 : i32 to index
      %swap3A_1248 = tpu.vector_load %arg11[%swap3A_1245, %swap3A_1246, %swap3A_1247] {strides = array<i32>} : memref<2x64x128xf32, #tpu.memory_space<vmem>>, vector<1x1x16xf32>,
      %swap3A_1249 = vector.shape_cast %swap3A_1248 : vector<1x1x16xf32> to vector<16xf32>
      %swap3A_1250 = vector.shape_cast %add3A_1243 : vector<16xf32> to vector<1x1x16xf32>
      tpu.vector_store %arg11[%swap3A_1245, %swap3A_1246, %swap3A_1247], %swap3A_1250 {strides = array<i32>} : memref<2x64x128xf32, #tpu.memory_space<vmem>>, vector<1x1x16xf32>,
    }
    %scan3A_688 = arith.constant 128 : i32
    %add3A_689 = arith.constant 4 : i32
    %add3A_690 = arith.addi %mul3A_5, %add3A_689 : i32
    %dma_start3A_691 = arith.constant 0 : i32
    %dma_start3A_692 = arith.constant 0 : i32
    %dma_start3A_693 = arith.constant 0 : i32
    %dma_start3A_694 = tpu.memref_slice %arg11[%dma_start3A_691, %dma_start3A_692, %dma_start3A_693] : memref<2x64x128xf32, #tpu.memory_space<vmem>> -> memref<1x64x128xf32, #tpu.memory_space<vmem>>
    %dma_start3A_695 = tpu.memref_squeeze %dma_start3A_694 : memref<1x64x128xf32, #tpu.memory_space<vmem>> -> memref<64x128xf32, #tpu.memory_space<vmem>>
    %dma_start3A_696 = arith.constant 0 : i32
    %dma_start3A_697 = arith.constant 0 : i32
    %dma_start3A_698 = tpu.memref_slice %arg6[%add3A_690, %dma_start3A_696, %dma_start3A_697] : memref<256x64x128xf32, #tpu.memory_space<hbm>> -> memref<1x64x128xf32, #tpu.memory_space<hbm>>
    %dma_start3A_699 = tpu.memref_squeeze %dma_start3A_698 : memref<1x64x128xf32, #tpu.memory_space<hbm>> -> memref<64x128xf32, #tpu.memory_space<hbm>>
    %dma_start3A_700 = arith.constant 0 : i32
    %dma_start3A_701 = arith.constant 0 : i32
    %dma_start3A_702 = tpu.memref_slice %arg6[%add3A_690, %dma_start3A_700, %dma_start3A_701] : memref<256x64x128xf32, #tpu.memory_space<hbm>> -> memref<1x64x128xf32, #tpu.memory_space<hbm>>
    %dma_start3A_703 = tpu.memref_squeeze %dma_start3A_702 : memref<1x64x128xf32, #tpu.memory_space<hbm>> -> memref<64x128xf32, #tpu.memory_space<hbm>>
    %dma_start3A_704 = arith.constant 0 : i32
    %dma_start3A_705 = arith.constant 0 : i32
    %dma_start3A_706 = tpu.memref_slice %arg11[%dma_start3A_691, %dma_start3A_704, %dma_start3A_705] : memref<2x64x128xf32, #tpu.memory_space<vmem>> -> memref<1x64x128xf32, #tpu.memory_space<vmem>>
    %dma_start3A_707 = tpu.memref_squeeze %dma_start3A_706 : memref<1x64x128xf32, #tpu.memory_space<vmem>> -> memref<64x128xf32, #tpu.memory_space<vmem>>
    tpu.enqueue_dma source(%dma_start3A_707 : memref<64x128xf32, #tpu.memory_space<vmem>>) target(%dma_start3A_703 : memref<64x128xf32, #tpu.memory_space<hbm>>) target_semaphore(%arg18 : memref<!tpu.dma_semaphore, #tpu.memory_space<semaphore_mem>>)
    %dma_start3A_708 = arith.constant 6 : i32
    %dma_start3A_709 = arith.constant 0 : i32
    %dma_start3A_710 = arith.constant 0 : i32
    %dma_start3A_711 = arith.constant 0 : i32
    %dma_start3A_712 = tpu.memref_slice %arg8[%dma_start3A_709, %dma_start3A_710, %dma_start3A_711] : memref<2x128x128xf32, #tpu.memory_space<vmem>> -> memref<1x128x128xf32, #tpu.memory_space<vmem>>
    %dma_start3A_713 = tpu.memref_squeeze %dma_start3A_712 : memref<1x128x128xf32, #tpu.memory_space<vmem>> -> memref<128x128xf32, #tpu.memory_space<vmem>>
    %dma_start3A_714 = arith.constant 0 : i32
    %dma_start3A_715 = tpu.memref_slice %arg7[%dma_start3A_708, %dma_start3A_714] : memref<8x128xi32, #tpu.memory_space<vmem>> -> memref<1x128xi32, #tpu.memory_space<vmem>>
    %dma_start3A_716 = tpu.memref_squeeze %dma_start3A_715 : memref<1x128xi32, #tpu.memory_space<vmem>> -> memref<128xi32, #tpu.memory_space<vmem>>
    %dma_start3A_717 = arith.constant 0 : i32
    %dma_start3A_718 = arith.constant 0 : i32
    %dma_start3A_719 = tpu.memref_slice %arg4[%dma_start3A_717, %dma_start3A_718] : memref<500000x128xf32, #tpu.memory_space<hbm>> -> memref<500000x128xf32, #tpu.memory_space<hbm>>
    tpu.enqueue_indirect_dma source(%dma_start3A_719 : memref<500000x128xf32, #tpu.memory_space<hbm>>) target(%dma_start3A_713 : memref<128x128xf32, #tpu.memory_space<vmem>>) offsets(%dma_start3A_716 : memref<128xi32, #tpu.memory_space<vmem>>) semaphore(%arg12 : memref<!tpu.dma_semaphore, #tpu.memory_space<semaphore_mem>>)
    %add3A_720 = arith.constant 6 : i32
    %add3A_721 = arith.addi %mul3A_3, %add3A_720 : i32
    %dma_start3A_722 = arith.constant 0 : i32
    %dma_start3A_723 = arith.constant 0 : i32
    %dma_start3A_724 = arith.constant 0 : i32
    %dma_start3A_725 = tpu.memref_slice %arg10[%dma_start3A_722, %dma_start3A_723, %dma_start3A_724] : memref<2x64x128xf32, #tpu.memory_space<vmem>> -> memref<1x64x128xf32, #tpu.memory_space<vmem>>
    %dma_start3A_726 = tpu.memref_squeeze %dma_start3A_725 : memref<1x64x128xf32, #tpu.memory_space<vmem>> -> memref<64x128xf32, #tpu.memory_space<vmem>>
    %dma_start3A_727 = arith.constant 0 : i32
    %dma_start3A_728 = arith.constant 0 : i32
    %dma_start3A_729 = tpu.memref_slice %arg5[%add3A_721, %dma_start3A_727, %dma_start3A_728] : memref<64x64x128xf32, #tpu.memory_space<hbm>> -> memref<1x64x128xf32, #tpu.memory_space<hbm>>
    %dma_start3A_730 = tpu.memref_squeeze %dma_start3A_729 : memref<1x64x128xf32, #tpu.memory_space<hbm>> -> memref<64x128xf32, #tpu.memory_space<hbm>>
    %dma_start3A_731 = arith.constant 0 : i32
    %dma_start3A_732 = arith.constant 0 : i32
    %dma_start3A_733 = tpu.memref_slice %arg10[%dma_start3A_722, %dma_start3A_731, %dma_start3A_732] : memref<2x64x128xf32, #tpu.memory_space<vmem>> -> memref<1x64x128xf32, #tpu.memory_space<vmem>>
    %dma_start3A_734 = tpu.memref_squeeze %dma_start3A_733 : memref<1x64x128xf32, #tpu.memory_space<vmem>> -> memref<64x128xf32, #tpu.memory_space<vmem>>
    %dma_start3A_735 = arith.constant 0 : i32
    %dma_start3A_736 = arith.constant 0 : i32
    %dma_start3A_737 = tpu.memref_slice %arg5[%add3A_721, %dma_start3A_735, %dma_start3A_736] : memref<64x64x128xf32, #tpu.memory_space<hbm>> -> memref<1x64x128xf32, #tpu.memory_space<hbm>>
    %dma_start3A_738 = tpu.memref_squeeze %dma_start3A_737 : memref<1x64x128xf32, #tpu.memory_space<hbm>> -> memref<64x128xf32, #tpu.memory_space<hbm>>
    tpu.enqueue_dma source(%dma_start3A_738 : memref<64x128xf32, #tpu.memory_space<hbm>>) target(%dma_start3A_734 : memref<64x128xf32, #tpu.memory_space<vmem>>) target_semaphore(%arg14 : memref<!tpu.dma_semaphore, #tpu.memory_space<semaphore_mem>>)
    %dma_start3A_739 = arith.constant 6 : i32
    %dma_start3A_740 = arith.constant 0 : i32
    %dma_start3A_741 = arith.constant 0 : i32
    %dma_start3A_742 = arith.constant 0 : i32
    %dma_start3A_743 = tpu.memref_slice %arg9[%dma_start3A_740, %dma_start3A_741, %dma_start3A_742] : memref<2x128x16xf32, #tpu.memory_space<vmem>> -> memref<1x128x16xf32, #tpu.memory_space<vmem>>
    %dma_start3A_744 = tpu.memref_squeeze %dma_start3A_743 : memref<1x128x16xf32, #tpu.memory_space<vmem>> -> memref<128x16xf32, #tpu.memory_space<vmem>>
    %dma_start3A_745 = arith.constant 0 : i32
    %dma_start3A_746 = arith.constant 0 : i32
    %dma_start3A_747 = tpu.memref_slice %arg3[%add3A, %dma_start3A_739, %dma_start3A_745, %dma_start3A_746] : memref<32x8x128x16xf32, #tpu.memory_space<hbm>> -> memref<1x1x128x16xf32, #tpu.memory_space<hbm>>
    %dma_start3A_748 = tpu.memref_squeeze %dma_start3A_747 : memref<1x1x128x16xf32, #tpu.memory_space<hbm>> -> memref<128x16xf32, #tpu.memory_space<hbm>>
    %dma_start3A_749 = arith.constant 0 : i32
    %dma_start3A_750 = arith.constant 0 : i32
    %dma_start3A_751 = tpu.memref_slice %arg9[%dma_start3A_740, %dma_start3A_749, %dma_start3A_750] : memref<2x128x16xf32, #tpu.memory_space<vmem>> -> memref<1x128x16xf32, #tpu.memory_space<vmem>>
    %dma_start3A_752 = tpu.memref_squeeze %dma_start3A_751 : memref<1x128x16xf32, #tpu.memory_space<vmem>> -> memref<128x16xf32, #tpu.memory_space<vmem>>
    %dma_start3A_753 = arith.constant 0 : i32
    %dma_start3A_754 = arith.constant 0 : i32
    %dma_start3A_755 = tpu.memref_slice %arg3[%add3A, %dma_start3A_739, %dma_start3A_753, %dma_start3A_754] : memref<32x8x128x16xf32, #tpu.memory_space<hbm>> -> memref<1x1x128x16xf32, #tpu.memory_space<hbm>>
    %dma_start3A_756 = tpu.memref_squeeze %dma_start3A_755 : memref<1x1x128x16xf32, #tpu.memory_space<hbm>> -> memref<128x16xf32, #tpu.memory_space<hbm>>
    tpu.enqueue_dma source(%dma_start3A_756 : memref<128x16xf32, #tpu.memory_space<hbm>>) target(%dma_start3A_752 : memref<128x16xf32, #tpu.memory_space<vmem>>) target_semaphore(%arg16 : memref<!tpu.dma_semaphore, #tpu.memory_space<semaphore_mem>>)
    %dma_wait3A_757 = arith.constant 5 : i32
    %dma_wait3A_758 = arith.constant 1 : i32
    %dma_wait3A_759 = arith.constant 0 : i32
    %dma_wait3A_760 = arith.constant 0 : i32
    %dma_wait3A_761 = tpu.memref_slice %arg8[%dma_wait3A_758, %dma_wait3A_759, %dma_wait3A_760] : memref<2x128x128xf32, #tpu.memory_space<vmem>> -> memref<1x128x128xf32, #tpu.memory_space<vmem>>
    %dma_wait3A_762 = tpu.memref_squeeze %dma_wait3A_761 : memref<1x128x128xf32, #tpu.memory_space<vmem>> -> memref<128x128xf32, #tpu.memory_space<vmem>>
    %dma_wait3A_763 = arith.constant 0 : i32
    %dma_wait3A_764 = tpu.memref_slice %arg7[%dma_wait3A_757, %dma_wait3A_763] : memref<8x128xi32, #tpu.memory_space<vmem>> -> memref<1x128xi32, #tpu.memory_space<vmem>>
    %dma_wait3A_765 = tpu.memref_squeeze %dma_wait3A_764 : memref<1x128xi32, #tpu.memory_space<vmem>> -> memref<128xi32, #tpu.memory_space<vmem>>
    %dma_wait3A_766 = arith.constant 0 : i32
    %dma_wait3A_767 = arith.constant 0 : i32
    %dma_wait3A_768 = tpu.memref_slice %arg4[%dma_wait3A_766, %dma_wait3A_767] : memref<500000x128xf32, #tpu.memory_space<hbm>> -> memref<500000x128xf32, #tpu.memory_space<hbm>>
    tpu.wait_indirect_dma semaphore(%arg13 : memref<!tpu.dma_semaphore, #tpu.memory_space<semaphore_mem>>) src(%dma_wait3A_768 : memref<500000x128xf32, #tpu.memory_space<hbm>>) dst(%dma_wait3A_762 : memref<128x128xf32, #tpu.memory_space<vmem>>)
    %dma_wait3A_769 = arith.constant 1 : i32
    %dma_wait3A_770 = arith.constant 0 : i32
    %dma_wait3A_771 = arith.constant 0 : i32
    %dma_wait3A_772 = tpu.memref_slice %arg10[%dma_wait3A_769, %dma_wait3A_770, %dma_wait3A_771] : memref<2x64x128xf32, #tpu.memory_space<vmem>> -> memref<1x64x128xf32, #tpu.memory_space<vmem>>
    %dma_wait3A_773 = tpu.memref_squeeze %dma_wait3A_772 : memref<1x64x128xf32, #tpu.memory_space<vmem>> -> memref<64x128xf32, #tpu.memory_space<vmem>>
    %dma_wait3A_774 = arith.constant 0 : i32
    %dma_wait3A_775 = arith.constant 0 : i32
    %dma_wait3A_776 = tpu.memref_slice %arg5[%add3A_583, %dma_wait3A_774, %dma_wait3A_775] : memref<64x64x128xf32, #tpu.memory_space<hbm>> -> memref<1x64x128xf32, #tpu.memory_space<hbm>>
    %dma_wait3A_777 = tpu.memref_squeeze %dma_wait3A_776 : memref<1x64x128xf32, #tpu.memory_space<hbm>> -> memref<64x128xf32, #tpu.memory_space<hbm>>
    %dma_wait3A_778 = arith.constant 0 : i32
    %dma_wait3A_779 = arith.constant 0 : i32
    %dma_wait3A_780 = tpu.memref_slice %arg10[%dma_wait3A_769, %dma_wait3A_778, %dma_wait3A_779] : memref<2x64x128xf32, #tpu.memory_space<vmem>> -> memref<1x64x128xf32, #tpu.memory_space<vmem>>
    %dma_wait3A_781 = tpu.memref_squeeze %dma_wait3A_780 : memref<1x64x128xf32, #tpu.memory_space<vmem>> -> memref<64x128xf32, #tpu.memory_space<vmem>>
    %dma_wait3A_782 = arith.constant 0 : i32
    %dma_wait3A_783 = arith.constant 0 : i32
    %dma_wait3A_784 = tpu.memref_slice %arg5[%add3A_583, %dma_wait3A_782, %dma_wait3A_783] : memref<64x64x128xf32, #tpu.memory_space<hbm>> -> memref<1x64x128xf32, #tpu.memory_space<hbm>>
    %dma_wait3A_785 = tpu.memref_squeeze %dma_wait3A_784 : memref<1x64x128xf32, #tpu.memory_space<hbm>> -> memref<64x128xf32, #tpu.memory_space<hbm>>
    tpu.wait_dma2 semaphore(%arg15 : memref<!tpu.dma_semaphore, #tpu.memory_space<semaphore_mem>>) src(%dma_wait3A_785 : memref<64x128xf32, #tpu.memory_space<hbm>>) dst(%dma_wait3A_781 : memref<64x128xf32, #tpu.memory_space<vmem>>)
    %dma_wait3A_786 = arith.constant 5 : i32
    %dma_wait3A_787 = arith.constant 1 : i32
    %dma_wait3A_788 = arith.constant 0 : i32
    %dma_wait3A_789 = arith.constant 0 : i32
    %dma_wait3A_790 = tpu.memref_slice %arg9[%dma_wait3A_787, %dma_wait3A_788, %dma_wait3A_789] : memref<2x128x16xf32, #tpu.memory_space<vmem>> -> memref<1x128x16xf32, #tpu.memory_space<vmem>>
    %dma_wait3A_791 = tpu.memref_squeeze %dma_wait3A_790 : memref<1x128x16xf32, #tpu.memory_space<vmem>> -> memref<128x16xf32, #tpu.memory_space<vmem>>
    %dma_wait3A_792 = arith.constant 0 : i32
    %dma_wait3A_793 = arith.constant 0 : i32
    %dma_wait3A_794 = tpu.memref_slice %arg3[%add3A, %dma_wait3A_786, %dma_wait3A_792, %dma_wait3A_793] : memref<32x8x128x16xf32, #tpu.memory_space<hbm>> -> memref<1x1x128x16xf32, #tpu.memory_space<hbm>>
    %dma_wait3A_795 = tpu.memref_squeeze %dma_wait3A_794 : memref<1x1x128x16xf32, #tpu.memory_space<hbm>> -> memref<128x16xf32, #tpu.memory_space<hbm>>
    %dma_wait3A_796 = arith.constant 0 : i32
    %dma_wait3A_797 = arith.constant 0 : i32
    %dma_wait3A_798 = tpu.memref_slice %arg9[%dma_wait3A_787, %dma_wait3A_796, %dma_wait3A_797] : memref<2x128x16xf32, #tpu.memory_space<vmem>> -> memref<1x128x16xf32, #tpu.memory_space<vmem>>
    %dma_wait3A_799 = tpu.memref_squeeze %dma_wait3A_798 : memref<1x128x16xf32, #tpu.memory_space<vmem>> -> memref<128x16xf32, #tpu.memory_space<vmem>>
    %dma_wait3A_800 = arith.constant 0 : i32
    %dma_wait3A_801 = arith.constant 0 : i32
    %dma_wait3A_802 = tpu.memref_slice %arg3[%add3A, %dma_wait3A_786, %dma_wait3A_800, %dma_wait3A_801] : memref<32x8x128x16xf32, #tpu.memory_space<hbm>> -> memref<1x1x128x16xf32, #tpu.memory_space<hbm>>
    %dma_wait3A_803 = tpu.memref_squeeze %dma_wait3A_802 : memref<1x1x128x16xf32, #tpu.memory_space<hbm>> -> memref<128x16xf32, #tpu.memory_space<hbm>>
    tpu.wait_dma2 semaphore(%arg17 : memref<!tpu.dma_semaphore, #tpu.memory_space<semaphore_mem>>) src(%dma_wait3A_803 : memref<128x16xf32, #tpu.memory_space<hbm>>) dst(%dma_wait3A_799 : memref<128x16xf32, #tpu.memory_space<vmem>>)
    %dma_wait3A_804 = arith.constant 1 : i32
    %dma_wait3A_805 = arith.constant 0 : i32
    %dma_wait3A_806 = arith.constant 0 : i32
    %dma_wait3A_807 = tpu.memref_slice %arg11[%dma_wait3A_804, %dma_wait3A_805, %dma_wait3A_806] : memref<2x64x128xf32, #tpu.memory_space<vmem>> -> memref<1x64x128xf32, #tpu.memory_space<vmem>>
    %dma_wait3A_808 = tpu.memref_squeeze %dma_wait3A_807 : memref<1x64x128xf32, #tpu.memory_space<vmem>> -> memref<64x128xf32, #tpu.memory_space<vmem>>
    %dma_wait3A_809 = arith.constant 0 : i32
    %dma_wait3A_810 = arith.constant 0 : i32
    %dma_wait3A_811 = tpu.memref_slice %arg6[%add3A_552, %dma_wait3A_809, %dma_wait3A_810] : memref<256x64x128xf32, #tpu.memory_space<hbm>> -> memref<1x64x128xf32, #tpu.memory_space<hbm>>
    %dma_wait3A_812 = tpu.memref_squeeze %dma_wait3A_811 : memref<1x64x128xf32, #tpu.memory_space<hbm>> -> memref<64x128xf32, #tpu.memory_space<hbm>>
    %dma_wait3A_813 = arith.constant 0 : i32
    %dma_wait3A_814 = arith.constant 0 : i32
    %dma_wait3A_815 = tpu.memref_slice %arg6[%add3A_552, %dma_wait3A_813, %dma_wait3A_814] : memref<256x64x128xf32, #tpu.memory_space<hbm>> -> memref<1x64x128xf32, #tpu.memory_space<hbm>>
    %dma_wait3A_816 = tpu.memref_squeeze %dma_wait3A_815 : memref<1x64x128xf32, #tpu.memory_space<hbm>> -> memref<64x128xf32, #tpu.memory_space<hbm>>
    %dma_wait3A_817 = arith.constant 0 : i32
    %dma_wait3A_818 = arith.constant 0 : i32
    %dma_wait3A_819 = tpu.memref_slice %arg11[%dma_wait3A_804, %dma_wait3A_817, %dma_wait3A_818] : memref<2x64x128xf32, #tpu.memory_space<vmem>> -> memref<1x64x128xf32, #tpu.memory_space<vmem>>
    %dma_wait3A_820 = tpu.memref_squeeze %dma_wait3A_819 : memref<1x64x128xf32, #tpu.memory_space<vmem>> -> memref<64x128xf32, #tpu.memory_space<vmem>>
    tpu.wait_dma2 semaphore(%arg19 : memref<!tpu.dma_semaphore, #tpu.memory_space<semaphore_mem>>) src(%dma_wait3A_820 : memref<64x128xf32, #tpu.memory_space<vmem>>) dst(%dma_wait3A_816 : memref<64x128xf32, #tpu.memory_space<hbm>>)
    %scan3A_821 = arith.constant 0 : i32
    %scan3A_822 = arith.constant 0 : i32
    %scan3A_823 = arith.constant 128 : i32
    %scan3A_824 = arith.addi %scan3A_822, %scan3A_823 : i32
    %scan3A_825 = arith.constant 1 : i32
    scf.for %scan3A_1107 = %scan3A_822 to %scan3A_824 step %scan3A_825  : i32 {
      %get3A = arith.constant 1 : i32
      %get3A_1108 = arith.index_cast %get3A : i32 to index
      %get3A_1109 = arith.index_cast %scan3A_1107 : i32 to index
      %get3A_1110 = arith.constant 0 : index
      %get3A_1111 = tpu.vector_load %arg9[%get3A_1108, %get3A_1109, %get3A_1110] {strides = array<i32>} : memref<2x128x16xf32, #tpu.memory_space<vmem>>, vector<1x1x16xf32>,
      %get3A_1112 = vector.shape_cast %get3A_1111 : vector<1x1x16xf32> to vector<16xf32>
      %shift_right_logical3A = arith.constant 1 : i32
      %shift_right_logical3A_1113 = arith.shrui %scan3A_1107, %shift_right_logical3A : i32
      %and3A = arith.constant 1 : i32
      %and3A_1114 = arith.andi %scan3A_1107, %and3A : i32
      %mul3A_1115 = arith.constant 64 : i32
      %mul3A_1116 = arith.muli %and3A_1114, %mul3A_1115 : i32
      %get3A_1117 = arith.constant 1 : i32
      %get3A_1118 = arith.index_cast %get3A_1117 : i32 to index
      %get3A_1119 = arith.index_cast %scan3A_1107 : i32 to index
      %get3A_1120 = arith.constant 0 : index
      %get3A_1121 = tpu.vector_load %arg8[%get3A_1118, %get3A_1119, %get3A_1120] {strides = array<i32>} : memref<2x128x128xf32, #tpu.memory_space<vmem>>, vector<1x1x16xf32>,
      %get3A_1122 = vector.shape_cast %get3A_1121 : vector<1x1x16xf32> to vector<16xf32>
      %get3A_1123 = arith.constant 1 : i32
      %get3A_1124 = arith.index_cast %get3A_1123 : i32 to index
      %get3A_1125 = arith.index_cast %scan3A_1107 : i32 to index
      %get3A_1126 = arith.constant 64 : index
      %get3A_1127 = tpu.vector_load %arg8[%get3A_1124, %get3A_1125, %get3A_1126] {strides = array<i32>} : memref<2x128x128xf32, #tpu.memory_space<vmem>>, vector<1x1x16xf32>,
      %get3A_1128 = vector.shape_cast %get3A_1127 : vector<1x1x16xf32> to vector<16xf32>
      %sub3A = arith.constant 1.000000e+00 : f32
      %sub3A_1129 = vector.broadcast %sub3A : f32 to vector<16xf32>
      %sub3A_1130 = arith.subf %sub3A_1129, %get3A_1112 : vector<16xf32>
      %mul3A_1131 = arith.mulf %get3A_1122, %sub3A_1130 : vector<16xf32>
      %mul3A_1132 = arith.mulf %get3A_1128, %get3A_1112 : vector<16xf32>
      %add3A_1133 = arith.addf %mul3A_1131, %mul3A_1132 : vector<16xf32>
      %add3A_1134 = arith.constant 0 : i32
      %add3A_1135 = arith.addi %mul3A_1116, %add3A_1134 : i32
      %get3A_1136 = arith.constant 1 : i32
      %get3A_1137 = arith.index_cast %get3A_1136 : i32 to index
      %get3A_1138 = arith.index_cast %shift_right_logical3A_1113 : i32 to index
      %get3A_1139 = arith.index_cast %add3A_1135 : i32 to index
      %get3A_1140 = tpu.vector_load %arg10[%get3A_1137, %get3A_1138, %get3A_1139] {strides = array<i32>} : memref<2x64x128xf32, #tpu.memory_space<vmem>>, vector<1x1x16xf32>,
      %get3A_1141 = vector.shape_cast %get3A_1140 : vector<1x1x16xf32> to vector<16xf32>
      %add3A_1142 = arith.addf %add3A_1133, %get3A_1141 : vector<16xf32>
      %swap3A = arith.constant 1 : i32
      %swap3A_1143 = arith.index_cast %swap3A : i32 to index
      %swap3A_1144 = arith.index_cast %shift_right_logical3A_1113 : i32 to index
      %swap3A_1145 = arith.index_cast %add3A_1135 : i32 to index
      %swap3A_1146 = tpu.vector_load %arg11[%swap3A_1143, %swap3A_1144, %swap3A_1145] {strides = array<i32>} : memref<2x64x128xf32, #tpu.memory_space<vmem>>, vector<1x1x16xf32>,
      %swap3A_1147 = vector.shape_cast %swap3A_1146 : vector<1x1x16xf32> to vector<16xf32>
      %swap3A_1148 = vector.shape_cast %add3A_1142 : vector<16xf32> to vector<1x1x16xf32>
      tpu.vector_store %arg11[%swap3A_1143, %swap3A_1144, %swap3A_1145], %swap3A_1148 {strides = array<i32>} : memref<2x64x128xf32, #tpu.memory_space<vmem>>, vector<1x1x16xf32>,
      %get3A_1149 = arith.constant 1 : i32
      %get3A_1150 = arith.index_cast %get3A_1149 : i32 to index
      %get3A_1151 = arith.index_cast %scan3A_1107 : i32 to index
      %get3A_1152 = arith.constant 16 : index
      %get3A_1153 = tpu.vector_load %arg8[%get3A_1150, %get3A_1151, %get3A_1152] {strides = array<i32>} : memref<2x128x128xf32, #tpu.memory_space<vmem>>, vector<1x1x16xf32>,
      %get3A_1154 = vector.shape_cast %get3A_1153 : vector<1x1x16xf32> to vector<16xf32>
      %get3A_1155 = arith.constant 1 : i32
      %get3A_1156 = arith.index_cast %get3A_1155 : i32 to index
      %get3A_1157 = arith.index_cast %scan3A_1107 : i32 to index
      %get3A_1158 = arith.constant 80 : index
      %get3A_1159 = tpu.vector_load %arg8[%get3A_1156, %get3A_1157, %get3A_1158] {strides = array<i32>} : memref<2x128x128xf32, #tpu.memory_space<vmem>>, vector<1x1x16xf32>,
      %get3A_1160 = vector.shape_cast %get3A_1159 : vector<1x1x16xf32> to vector<16xf32>
      %sub3A_1161 = arith.constant 1.000000e+00 : f32
      %sub3A_1162 = vector.broadcast %sub3A_1161 : f32 to vector<16xf32>
      %sub3A_1163 = arith.subf %sub3A_1162, %get3A_1112 : vector<16xf32>
      %mul3A_1164 = arith.mulf %get3A_1154, %sub3A_1163 : vector<16xf32>
      %mul3A_1165 = arith.mulf %get3A_1160, %get3A_1112 : vector<16xf32>
      %add3A_1166 = arith.addf %mul3A_1164, %mul3A_1165 : vector<16xf32>
      %add3A_1167 = arith.constant 16 : i32
      %add3A_1168 = arith.addi %mul3A_1116, %add3A_1167 : i32
      %get3A_1169 = arith.constant 1 : i32
      %get3A_1170 = arith.index_cast %get3A_1169 : i32 to index
      %get3A_1171 = arith.index_cast %shift_right_logical3A_1113 : i32 to index
      %get3A_1172 = arith.index_cast %add3A_1168 : i32 to index
      %get3A_1173 = tpu.vector_load %arg10[%get3A_1170, %get3A_1171, %get3A_1172] {strides = array<i32>} : memref<2x64x128xf32, #tpu.memory_space<vmem>>, vector<1x1x16xf32>,
      %get3A_1174 = vector.shape_cast %get3A_1173 : vector<1x1x16xf32> to vector<16xf32>
      %add3A_1175 = arith.addf %add3A_1166, %get3A_1174 : vector<16xf32>
      %swap3A_1176 = arith.constant 1 : i32
      %swap3A_1177 = arith.index_cast %swap3A_1176 : i32 to index
      %swap3A_1178 = arith.index_cast %shift_right_logical3A_1113 : i32 to index
      %swap3A_1179 = arith.index_cast %add3A_1168 : i32 to index
      %swap3A_1180 = tpu.vector_load %arg11[%swap3A_1177, %swap3A_1178, %swap3A_1179] {strides = array<i32>} : memref<2x64x128xf32, #tpu.memory_space<vmem>>, vector<1x1x16xf32>,
      %swap3A_1181 = vector.shape_cast %swap3A_1180 : vector<1x1x16xf32> to vector<16xf32>
      %swap3A_1182 = vector.shape_cast %add3A_1175 : vector<16xf32> to vector<1x1x16xf32>
      tpu.vector_store %arg11[%swap3A_1177, %swap3A_1178, %swap3A_1179], %swap3A_1182 {strides = array<i32>} : memref<2x64x128xf32, #tpu.memory_space<vmem>>, vector<1x1x16xf32>,
      %get3A_1183 = arith.constant 1 : i32
      %get3A_1184 = arith.index_cast %get3A_1183 : i32 to index
      %get3A_1185 = arith.index_cast %scan3A_1107 : i32 to index
      %get3A_1186 = arith.constant 32 : index
      %get3A_1187 = tpu.vector_load %arg8[%get3A_1184, %get3A_1185, %get3A_1186] {strides = array<i32>} : memref<2x128x128xf32, #tpu.memory_space<vmem>>, vector<1x1x16xf32>,
      %get3A_1188 = vector.shape_cast %get3A_1187 : vector<1x1x16xf32> to vector<16xf32>
      %get3A_1189 = arith.constant 1 : i32
      %get3A_1190 = arith.index_cast %get3A_1189 : i32 to index
      %get3A_1191 = arith.index_cast %scan3A_1107 : i32 to index
      %get3A_1192 = arith.constant 96 : index
      %get3A_1193 = tpu.vector_load %arg8[%get3A_1190, %get3A_1191, %get3A_1192] {strides = array<i32>} : memref<2x128x128xf32, #tpu.memory_space<vmem>>, vector<1x1x16xf32>,
      %get3A_1194 = vector.shape_cast %get3A_1193 : vector<1x1x16xf32> to vector<16xf32>
      %sub3A_1195 = arith.constant 1.000000e+00 : f32
      %sub3A_1196 = vector.broadcast %sub3A_1195 : f32 to vector<16xf32>
      %sub3A_1197 = arith.subf %sub3A_1196, %get3A_1112 : vector<16xf32>
      %mul3A_1198 = arith.mulf %get3A_1188, %sub3A_1197 : vector<16xf32>
      %mul3A_1199 = arith.mulf %get3A_1194, %get3A_1112 : vector<16xf32>
      %add3A_1200 = arith.addf %mul3A_1198, %mul3A_1199 : vector<16xf32>
      %add3A_1201 = arith.constant 32 : i32
      %add3A_1202 = arith.addi %mul3A_1116, %add3A_1201 : i32
      %get3A_1203 = arith.constant 1 : i32
      %get3A_1204 = arith.index_cast %get3A_1203 : i32 to index
      %get3A_1205 = arith.index_cast %shift_right_logical3A_1113 : i32 to index
      %get3A_1206 = arith.index_cast %add3A_1202 : i32 to index
      %get3A_1207 = tpu.vector_load %arg10[%get3A_1204, %get3A_1205, %get3A_1206] {strides = array<i32>} : memref<2x64x128xf32, #tpu.memory_space<vmem>>, vector<1x1x16xf32>,
      %get3A_1208 = vector.shape_cast %get3A_1207 : vector<1x1x16xf32> to vector<16xf32>
      %add3A_1209 = arith.addf %add3A_1200, %get3A_1208 : vector<16xf32>
      %swap3A_1210 = arith.constant 1 : i32
      %swap3A_1211 = arith.index_cast %swap3A_1210 : i32 to index
      %swap3A_1212 = arith.index_cast %shift_right_logical3A_1113 : i32 to index
      %swap3A_1213 = arith.index_cast %add3A_1202 : i32 to index
      %swap3A_1214 = tpu.vector_load %arg11[%swap3A_1211, %swap3A_1212, %swap3A_1213] {strides = array<i32>} : memref<2x64x128xf32, #tpu.memory_space<vmem>>, vector<1x1x16xf32>,
      %swap3A_1215 = vector.shape_cast %swap3A_1214 : vector<1x1x16xf32> to vector<16xf32>
      %swap3A_1216 = vector.shape_cast %add3A_1209 : vector<16xf32> to vector<1x1x16xf32>
      tpu.vector_store %arg11[%swap3A_1211, %swap3A_1212, %swap3A_1213], %swap3A_1216 {strides = array<i32>} : memref<2x64x128xf32, #tpu.memory_space<vmem>>, vector<1x1x16xf32>,
      %get3A_1217 = arith.constant 1 : i32
      %get3A_1218 = arith.index_cast %get3A_1217 : i32 to index
      %get3A_1219 = arith.index_cast %scan3A_1107 : i32 to index
      %get3A_1220 = arith.constant 48 : index
      %get3A_1221 = tpu.vector_load %arg8[%get3A_1218, %get3A_1219, %get3A_1220] {strides = array<i32>} : memref<2x128x128xf32, #tpu.memory_space<vmem>>, vector<1x1x16xf32>,
      %get3A_1222 = vector.shape_cast %get3A_1221 : vector<1x1x16xf32> to vector<16xf32>
      %get3A_1223 = arith.constant 1 : i32
      %get3A_1224 = arith.index_cast %get3A_1223 : i32 to index
      %get3A_1225 = arith.index_cast %scan3A_1107 : i32 to index
      %get3A_1226 = arith.constant 112 : index
      %get3A_1227 = tpu.vector_load %arg8[%get3A_1224, %get3A_1225, %get3A_1226] {strides = array<i32>} : memref<2x128x128xf32, #tpu.memory_space<vmem>>, vector<1x1x16xf32>,
      %get3A_1228 = vector.shape_cast %get3A_1227 : vector<1x1x16xf32> to vector<16xf32>
      %sub3A_1229 = arith.constant 1.000000e+00 : f32
      %sub3A_1230 = vector.broadcast %sub3A_1229 : f32 to vector<16xf32>
      %sub3A_1231 = arith.subf %sub3A_1230, %get3A_1112 : vector<16xf32>
      %mul3A_1232 = arith.mulf %get3A_1222, %sub3A_1231 : vector<16xf32>
      %mul3A_1233 = arith.mulf %get3A_1228, %get3A_1112 : vector<16xf32>
      %add3A_1234 = arith.addf %mul3A_1232, %mul3A_1233 : vector<16xf32>
      %add3A_1235 = arith.constant 48 : i32
      %add3A_1236 = arith.addi %mul3A_1116, %add3A_1235 : i32
      %get3A_1237 = arith.constant 1 : i32
      %get3A_1238 = arith.index_cast %get3A_1237 : i32 to index
      %get3A_1239 = arith.index_cast %shift_right_logical3A_1113 : i32 to index
      %get3A_1240 = arith.index_cast %add3A_1236 : i32 to index
      %get3A_1241 = tpu.vector_load %arg10[%get3A_1238, %get3A_1239, %get3A_1240] {strides = array<i32>} : memref<2x64x128xf32, #tpu.memory_space<vmem>>, vector<1x1x16xf32>,
      %get3A_1242 = vector.shape_cast %get3A_1241 : vector<1x1x16xf32> to vector<16xf32>
      %add3A_1243 = arith.addf %add3A_1234, %get3A_1242 : vector<16xf32>
      %swap3A_1244 = arith.constant 1 : i32
      %swap3A_1245 = arith.index_cast %swap3A_1244 : i32 to index
      %swap3A_1246 = arith.index_cast %shift_right_logical3A_1113 : i32 to index
      %swap3A_1247 = arith.index_cast %add3A_1236 : i32 to index
      %swap3A_1248 = tpu.vector_load %arg11[%swap3A_1245, %swap3A_1246, %swap3A_1247] {strides = array<i32>} : memref<2x64x128xf32, #tpu.memory_space<vmem>>, vector<1x1x16xf32>,
      %swap3A_1249 = vector.shape_cast %swap3A_1248 : vector<1x1x16xf32> to vector<16xf32>
      %swap3A_1250 = vector.shape_cast %add3A_1243 : vector<16xf32> to vector<1x1x16xf32>
      tpu.vector_store %arg11[%swap3A_1245, %swap3A_1246, %swap3A_1247], %swap3A_1250 {strides = array<i32>} : memref<2x64x128xf32, #tpu.memory_space<vmem>>, vector<1x1x16xf32>,
    }
    %scan3A_826 = arith.constant 128 : i32
    %add3A_827 = arith.constant 5 : i32
    %add3A_828 = arith.addi %mul3A_5, %add3A_827 : i32
    %dma_start3A_829 = arith.constant 1 : i32
    %dma_start3A_830 = arith.constant 0 : i32
    %dma_start3A_831 = arith.constant 0 : i32
    %dma_start3A_832 = tpu.memref_slice %arg11[%dma_start3A_829, %dma_start3A_830, %dma_start3A_831] : memref<2x64x128xf32, #tpu.memory_space<vmem>> -> memref<1x64x128xf32, #tpu.memory_space<vmem>>
    %dma_start3A_833 = tpu.memref_squeeze %dma_start3A_832 : memref<1x64x128xf32, #tpu.memory_space<vmem>> -> memref<64x128xf32, #tpu.memory_space<vmem>>
    %dma_start3A_834 = arith.constant 0 : i32
    %dma_start3A_835 = arith.constant 0 : i32
    %dma_start3A_836 = tpu.memref_slice %arg6[%add3A_828, %dma_start3A_834, %dma_start3A_835] : memref<256x64x128xf32, #tpu.memory_space<hbm>> -> memref<1x64x128xf32, #tpu.memory_space<hbm>>
    %dma_start3A_837 = tpu.memref_squeeze %dma_start3A_836 : memref<1x64x128xf32, #tpu.memory_space<hbm>> -> memref<64x128xf32, #tpu.memory_space<hbm>>
    %dma_start3A_838 = arith.constant 0 : i32
    %dma_start3A_839 = arith.constant 0 : i32
    %dma_start3A_840 = tpu.memref_slice %arg6[%add3A_828, %dma_start3A_838, %dma_start3A_839] : memref<256x64x128xf32, #tpu.memory_space<hbm>> -> memref<1x64x128xf32, #tpu.memory_space<hbm>>
    %dma_start3A_841 = tpu.memref_squeeze %dma_start3A_840 : memref<1x64x128xf32, #tpu.memory_space<hbm>> -> memref<64x128xf32, #tpu.memory_space<hbm>>
    %dma_start3A_842 = arith.constant 0 : i32
    %dma_start3A_843 = arith.constant 0 : i32
    %dma_start3A_844 = tpu.memref_slice %arg11[%dma_start3A_829, %dma_start3A_842, %dma_start3A_843] : memref<2x64x128xf32, #tpu.memory_space<vmem>> -> memref<1x64x128xf32, #tpu.memory_space<vmem>>
    %dma_start3A_845 = tpu.memref_squeeze %dma_start3A_844 : memref<1x64x128xf32, #tpu.memory_space<vmem>> -> memref<64x128xf32, #tpu.memory_space<vmem>>
    tpu.enqueue_dma source(%dma_start3A_845 : memref<64x128xf32, #tpu.memory_space<vmem>>) target(%dma_start3A_841 : memref<64x128xf32, #tpu.memory_space<hbm>>) target_semaphore(%arg19 : memref<!tpu.dma_semaphore, #tpu.memory_space<semaphore_mem>>)
    %dma_start3A_846 = arith.constant 7 : i32
    %dma_start3A_847 = arith.constant 1 : i32
    %dma_start3A_848 = arith.constant 0 : i32
    %dma_start3A_849 = arith.constant 0 : i32
    %dma_start3A_850 = tpu.memref_slice %arg8[%dma_start3A_847, %dma_start3A_848, %dma_start3A_849] : memref<2x128x128xf32, #tpu.memory_space<vmem>> -> memref<1x128x128xf32, #tpu.memory_space<vmem>>
    %dma_start3A_851 = tpu.memref_squeeze %dma_start3A_850 : memref<1x128x128xf32, #tpu.memory_space<vmem>> -> memref<128x128xf32, #tpu.memory_space<vmem>>
    %dma_start3A_852 = arith.constant 0 : i32
    %dma_start3A_853 = tpu.memref_slice %arg7[%dma_start3A_846, %dma_start3A_852] : memref<8x128xi32, #tpu.memory_space<vmem>> -> memref<1x128xi32, #tpu.memory_space<vmem>>
    %dma_start3A_854 = tpu.memref_squeeze %dma_start3A_853 : memref<1x128xi32, #tpu.memory_space<vmem>> -> memref<128xi32, #tpu.memory_space<vmem>>
    %dma_start3A_855 = arith.constant 0 : i32
    %dma_start3A_856 = arith.constant 0 : i32
    %dma_start3A_857 = tpu.memref_slice %arg4[%dma_start3A_855, %dma_start3A_856] : memref<500000x128xf32, #tpu.memory_space<hbm>> -> memref<500000x128xf32, #tpu.memory_space<hbm>>
    tpu.enqueue_indirect_dma source(%dma_start3A_857 : memref<500000x128xf32, #tpu.memory_space<hbm>>) target(%dma_start3A_851 : memref<128x128xf32, #tpu.memory_space<vmem>>) offsets(%dma_start3A_854 : memref<128xi32, #tpu.memory_space<vmem>>) semaphore(%arg13 : memref<!tpu.dma_semaphore, #tpu.memory_space<semaphore_mem>>)
    %add3A_858 = arith.constant 7 : i32
    %add3A_859 = arith.addi %mul3A_3, %add3A_858 : i32
    %dma_start3A_860 = arith.constant 1 : i32
    %dma_start3A_861 = arith.constant 0 : i32
    %dma_start3A_862 = arith.constant 0 : i32
    %dma_start3A_863 = tpu.memref_slice %arg10[%dma_start3A_860, %dma_start3A_861, %dma_start3A_862] : memref<2x64x128xf32, #tpu.memory_space<vmem>> -> memref<1x64x128xf32, #tpu.memory_space<vmem>>
    %dma_start3A_864 = tpu.memref_squeeze %dma_start3A_863 : memref<1x64x128xf32, #tpu.memory_space<vmem>> -> memref<64x128xf32, #tpu.memory_space<vmem>>
    %dma_start3A_865 = arith.constant 0 : i32
    %dma_start3A_866 = arith.constant 0 : i32
    %dma_start3A_867 = tpu.memref_slice %arg5[%add3A_859, %dma_start3A_865, %dma_start3A_866] : memref<64x64x128xf32, #tpu.memory_space<hbm>> -> memref<1x64x128xf32, #tpu.memory_space<hbm>>
    %dma_start3A_868 = tpu.memref_squeeze %dma_start3A_867 : memref<1x64x128xf32, #tpu.memory_space<hbm>> -> memref<64x128xf32, #tpu.memory_space<hbm>>
    %dma_start3A_869 = arith.constant 0 : i32
    %dma_start3A_870 = arith.constant 0 : i32
    %dma_start3A_871 = tpu.memref_slice %arg10[%dma_start3A_860, %dma_start3A_869, %dma_start3A_870] : memref<2x64x128xf32, #tpu.memory_space<vmem>> -> memref<1x64x128xf32, #tpu.memory_space<vmem>>
    %dma_start3A_872 = tpu.memref_squeeze %dma_start3A_871 : memref<1x64x128xf32, #tpu.memory_space<vmem>> -> memref<64x128xf32, #tpu.memory_space<vmem>>
    %dma_start3A_873 = arith.constant 0 : i32
    %dma_start3A_874 = arith.constant 0 : i32
    %dma_start3A_875 = tpu.memref_slice %arg5[%add3A_859, %dma_start3A_873, %dma_start3A_874] : memref<64x64x128xf32, #tpu.memory_space<hbm>> -> memref<1x64x128xf32, #tpu.memory_space<hbm>>
    %dma_start3A_876 = tpu.memref_squeeze %dma_start3A_875 : memref<1x64x128xf32, #tpu.memory_space<hbm>> -> memref<64x128xf32, #tpu.memory_space<hbm>>
    tpu.enqueue_dma source(%dma_start3A_876 : memref<64x128xf32, #tpu.memory_space<hbm>>) target(%dma_start3A_872 : memref<64x128xf32, #tpu.memory_space<vmem>>) target_semaphore(%arg15 : memref<!tpu.dma_semaphore, #tpu.memory_space<semaphore_mem>>)
    %dma_start3A_877 = arith.constant 7 : i32
    %dma_start3A_878 = arith.constant 1 : i32
    %dma_start3A_879 = arith.constant 0 : i32
    %dma_start3A_880 = arith.constant 0 : i32
    %dma_start3A_881 = tpu.memref_slice %arg9[%dma_start3A_878, %dma_start3A_879, %dma_start3A_880] : memref<2x128x16xf32, #tpu.memory_space<vmem>> -> memref<1x128x16xf32, #tpu.memory_space<vmem>>
    %dma_start3A_882 = tpu.memref_squeeze %dma_start3A_881 : memref<1x128x16xf32, #tpu.memory_space<vmem>> -> memref<128x16xf32, #tpu.memory_space<vmem>>
    %dma_start3A_883 = arith.constant 0 : i32
    %dma_start3A_884 = arith.constant 0 : i32
    %dma_start3A_885 = tpu.memref_slice %arg3[%add3A, %dma_start3A_877, %dma_start3A_883, %dma_start3A_884] : memref<32x8x128x16xf32, #tpu.memory_space<hbm>> -> memref<1x1x128x16xf32, #tpu.memory_space<hbm>>
    %dma_start3A_886 = tpu.memref_squeeze %dma_start3A_885 : memref<1x1x128x16xf32, #tpu.memory_space<hbm>> -> memref<128x16xf32, #tpu.memory_space<hbm>>
    %dma_start3A_887 = arith.constant 0 : i32
    %dma_start3A_888 = arith.constant 0 : i32
    %dma_start3A_889 = tpu.memref_slice %arg9[%dma_start3A_878, %dma_start3A_887, %dma_start3A_888] : memref<2x128x16xf32, #tpu.memory_space<vmem>> -> memref<1x128x16xf32, #tpu.memory_space<vmem>>
    %dma_start3A_890 = tpu.memref_squeeze %dma_start3A_889 : memref<1x128x16xf32, #tpu.memory_space<vmem>> -> memref<128x16xf32, #tpu.memory_space<vmem>>
    %dma_start3A_891 = arith.constant 0 : i32
    %dma_start3A_892 = arith.constant 0 : i32
    %dma_start3A_893 = tpu.memref_slice %arg3[%add3A, %dma_start3A_877, %dma_start3A_891, %dma_start3A_892] : memref<32x8x128x16xf32, #tpu.memory_space<hbm>> -> memref<1x1x128x16xf32, #tpu.memory_space<hbm>>
    %dma_start3A_894 = tpu.memref_squeeze %dma_start3A_893 : memref<1x1x128x16xf32, #tpu.memory_space<hbm>> -> memref<128x16xf32, #tpu.memory_space<hbm>>
    tpu.enqueue_dma source(%dma_start3A_894 : memref<128x16xf32, #tpu.memory_space<hbm>>) target(%dma_start3A_890 : memref<128x16xf32, #tpu.memory_space<vmem>>) target_semaphore(%arg17 : memref<!tpu.dma_semaphore, #tpu.memory_space<semaphore_mem>>)
    %dma_wait3A_895 = arith.constant 6 : i32
    %dma_wait3A_896 = arith.constant 0 : i32
    %dma_wait3A_897 = arith.constant 0 : i32
    %dma_wait3A_898 = arith.constant 0 : i32
    %dma_wait3A_899 = tpu.memref_slice %arg8[%dma_wait3A_896, %dma_wait3A_897, %dma_wait3A_898] : memref<2x128x128xf32, #tpu.memory_space<vmem>> -> memref<1x128x128xf32, #tpu.memory_space<vmem>>
    %dma_wait3A_900 = tpu.memref_squeeze %dma_wait3A_899 : memref<1x128x128xf32, #tpu.memory_space<vmem>> -> memref<128x128xf32, #tpu.memory_space<vmem>>
    %dma_wait3A_901 = arith.constant 0 : i32
    %dma_wait3A_902 = tpu.memref_slice %arg7[%dma_wait3A_895, %dma_wait3A_901] : memref<8x128xi32, #tpu.memory_space<vmem>> -> memref<1x128xi32, #tpu.memory_space<vmem>>
    %dma_wait3A_903 = tpu.memref_squeeze %dma_wait3A_902 : memref<1x128xi32, #tpu.memory_space<vmem>> -> memref<128xi32, #tpu.memory_space<vmem>>
    %dma_wait3A_904 = arith.constant 0 : i32
    %dma_wait3A_905 = arith.constant 0 : i32
    %dma_wait3A_906 = tpu.memref_slice %arg4[%dma_wait3A_904, %dma_wait3A_905] : memref<500000x128xf32, #tpu.memory_space<hbm>> -> memref<500000x128xf32, #tpu.memory_space<hbm>>
    tpu.wait_indirect_dma semaphore(%arg12 : memref<!tpu.dma_semaphore, #tpu.memory_space<semaphore_mem>>) src(%dma_wait3A_906 : memref<500000x128xf32, #tpu.memory_space<hbm>>) dst(%dma_wait3A_900 : memref<128x128xf32, #tpu.memory_space<vmem>>)
    %dma_wait3A_907 = arith.constant 0 : i32
    %dma_wait3A_908 = arith.constant 0 : i32
    %dma_wait3A_909 = arith.constant 0 : i32
    %dma_wait3A_910 = tpu.memref_slice %arg10[%dma_wait3A_907, %dma_wait3A_908, %dma_wait3A_909] : memref<2x64x128xf32, #tpu.memory_space<vmem>> -> memref<1x64x128xf32, #tpu.memory_space<vmem>>
    %dma_wait3A_911 = tpu.memref_squeeze %dma_wait3A_910 : memref<1x64x128xf32, #tpu.memory_space<vmem>> -> memref<64x128xf32, #tpu.memory_space<vmem>>
    %dma_wait3A_912 = arith.constant 0 : i32
    %dma_wait3A_913 = arith.constant 0 : i32
    %dma_wait3A_914 = tpu.memref_slice %arg5[%add3A_721, %dma_wait3A_912, %dma_wait3A_913] : memref<64x64x128xf32, #tpu.memory_space<hbm>> -> memref<1x64x128xf32, #tpu.memory_space<hbm>>
    %dma_wait3A_915 = tpu.memref_squeeze %dma_wait3A_914 : memref<1x64x128xf32, #tpu.memory_space<hbm>> -> memref<64x128xf32, #tpu.memory_space<hbm>>
    %dma_wait3A_916 = arith.constant 0 : i32
    %dma_wait3A_917 = arith.constant 0 : i32
    %dma_wait3A_918 = tpu.memref_slice %arg10[%dma_wait3A_907, %dma_wait3A_916, %dma_wait3A_917] : memref<2x64x128xf32, #tpu.memory_space<vmem>> -> memref<1x64x128xf32, #tpu.memory_space<vmem>>
    %dma_wait3A_919 = tpu.memref_squeeze %dma_wait3A_918 : memref<1x64x128xf32, #tpu.memory_space<vmem>> -> memref<64x128xf32, #tpu.memory_space<vmem>>
    %dma_wait3A_920 = arith.constant 0 : i32
    %dma_wait3A_921 = arith.constant 0 : i32
    %dma_wait3A_922 = tpu.memref_slice %arg5[%add3A_721, %dma_wait3A_920, %dma_wait3A_921] : memref<64x64x128xf32, #tpu.memory_space<hbm>> -> memref<1x64x128xf32, #tpu.memory_space<hbm>>
    %dma_wait3A_923 = tpu.memref_squeeze %dma_wait3A_922 : memref<1x64x128xf32, #tpu.memory_space<hbm>> -> memref<64x128xf32, #tpu.memory_space<hbm>>
    tpu.wait_dma2 semaphore(%arg14 : memref<!tpu.dma_semaphore, #tpu.memory_space<semaphore_mem>>) src(%dma_wait3A_923 : memref<64x128xf32, #tpu.memory_space<hbm>>) dst(%dma_wait3A_919 : memref<64x128xf32, #tpu.memory_space<vmem>>)
    %dma_wait3A_924 = arith.constant 6 : i32
    %dma_wait3A_925 = arith.constant 0 : i32
    %dma_wait3A_926 = arith.constant 0 : i32
    %dma_wait3A_927 = arith.constant 0 : i32
    %dma_wait3A_928 = tpu.memref_slice %arg9[%dma_wait3A_925, %dma_wait3A_926, %dma_wait3A_927] : memref<2x128x16xf32, #tpu.memory_space<vmem>> -> memref<1x128x16xf32, #tpu.memory_space<vmem>>
    %dma_wait3A_929 = tpu.memref_squeeze %dma_wait3A_928 : memref<1x128x16xf32, #tpu.memory_space<vmem>> -> memref<128x16xf32, #tpu.memory_space<vmem>>
    %dma_wait3A_930 = arith.constant 0 : i32
    %dma_wait3A_931 = arith.constant 0 : i32
    %dma_wait3A_932 = tpu.memref_slice %arg3[%add3A, %dma_wait3A_924, %dma_wait3A_930, %dma_wait3A_931] : memref<32x8x128x16xf32, #tpu.memory_space<hbm>> -> memref<1x1x128x16xf32, #tpu.memory_space<hbm>>
    %dma_wait3A_933 = tpu.memref_squeeze %dma_wait3A_932 : memref<1x1x128x16xf32, #tpu.memory_space<hbm>> -> memref<128x16xf32, #tpu.memory_space<hbm>>
    %dma_wait3A_934 = arith.constant 0 : i32
    %dma_wait3A_935 = arith.constant 0 : i32
    %dma_wait3A_936 = tpu.memref_slice %arg9[%dma_wait3A_925, %dma_wait3A_934, %dma_wait3A_935] : memref<2x128x16xf32, #tpu.memory_space<vmem>> -> memref<1x128x16xf32, #tpu.memory_space<vmem>>
    %dma_wait3A_937 = tpu.memref_squeeze %dma_wait3A_936 : memref<1x128x16xf32, #tpu.memory_space<vmem>> -> memref<128x16xf32, #tpu.memory_space<vmem>>
    %dma_wait3A_938 = arith.constant 0 : i32
    %dma_wait3A_939 = arith.constant 0 : i32
    %dma_wait3A_940 = tpu.memref_slice %arg3[%add3A, %dma_wait3A_924, %dma_wait3A_938, %dma_wait3A_939] : memref<32x8x128x16xf32, #tpu.memory_space<hbm>> -> memref<1x1x128x16xf32, #tpu.memory_space<hbm>>
    %dma_wait3A_941 = tpu.memref_squeeze %dma_wait3A_940 : memref<1x1x128x16xf32, #tpu.memory_space<hbm>> -> memref<128x16xf32, #tpu.memory_space<hbm>>
    tpu.wait_dma2 semaphore(%arg16 : memref<!tpu.dma_semaphore, #tpu.memory_space<semaphore_mem>>) src(%dma_wait3A_941 : memref<128x16xf32, #tpu.memory_space<hbm>>) dst(%dma_wait3A_937 : memref<128x16xf32, #tpu.memory_space<vmem>>)
    %dma_wait3A_942 = arith.constant 0 : i32
    %dma_wait3A_943 = arith.constant 0 : i32
    %dma_wait3A_944 = arith.constant 0 : i32
    %dma_wait3A_945 = tpu.memref_slice %arg11[%dma_wait3A_942, %dma_wait3A_943, %dma_wait3A_944] : memref<2x64x128xf32, #tpu.memory_space<vmem>> -> memref<1x64x128xf32, #tpu.memory_space<vmem>>
    %dma_wait3A_946 = tpu.memref_squeeze %dma_wait3A_945 : memref<1x64x128xf32, #tpu.memory_space<vmem>> -> memref<64x128xf32, #tpu.memory_space<vmem>>
    %dma_wait3A_947 = arith.constant 0 : i32
    %dma_wait3A_948 = arith.constant 0 : i32
    %dma_wait3A_949 = tpu.memref_slice %arg6[%add3A_690, %dma_wait3A_947, %dma_wait3A_948] : memref<256x64x128xf32, #tpu.memory_space<hbm>> -> memref<1x64x128xf32, #tpu.memory_space<hbm>>
    %dma_wait3A_950 = tpu.memref_squeeze %dma_wait3A_949 : memref<1x64x128xf32, #tpu.memory_space<hbm>> -> memref<64x128xf32, #tpu.memory_space<hbm>>
    %dma_wait3A_951 = arith.constant 0 : i32
    %dma_wait3A_952 = arith.constant 0 : i32
    %dma_wait3A_953 = tpu.memref_slice %arg6[%add3A_690, %dma_wait3A_951, %dma_wait3A_952] : memref<256x64x128xf32, #tpu.memory_space<hbm>> -> memref<1x64x128xf32, #tpu.memory_space<hbm>>
    %dma_wait3A_954 = tpu.memref_squeeze %dma_wait3A_953 : memref<1x64x128xf32, #tpu.memory_space<hbm>> -> memref<64x128xf32, #tpu.memory_space<hbm>>
    %dma_wait3A_955 = arith.constant 0 : i32
    %dma_wait3A_956 = arith.constant 0 : i32
    %dma_wait3A_957 = tpu.memref_slice %arg11[%dma_wait3A_942, %dma_wait3A_955, %dma_wait3A_956] : memref<2x64x128xf32, #tpu.memory_space<vmem>> -> memref<1x64x128xf32, #tpu.memory_space<vmem>>
    %dma_wait3A_958 = tpu.memref_squeeze %dma_wait3A_957 : memref<1x64x128xf32, #tpu.memory_space<vmem>> -> memref<64x128xf32, #tpu.memory_space<vmem>>
    tpu.wait_dma2 semaphore(%arg18 : memref<!tpu.dma_semaphore, #tpu.memory_space<semaphore_mem>>) src(%dma_wait3A_958 : memref<64x128xf32, #tpu.memory_space<vmem>>) dst(%dma_wait3A_954 : memref<64x128xf32, #tpu.memory_space<hbm>>)
    %scan3A_959 = arith.constant 0 : i32
    %scan3A_960 = arith.constant 0 : i32
    %scan3A_961 = arith.constant 128 : i32
    %scan3A_962 = arith.addi %scan3A_960, %scan3A_961 : i32
    %scan3A_963 = arith.constant 1 : i32
    scf.for %scan3A_1107 = %scan3A_960 to %scan3A_962 step %scan3A_963  : i32 {
      %get3A = arith.constant 0 : i32
      %get3A_1108 = arith.index_cast %get3A : i32 to index
      %get3A_1109 = arith.index_cast %scan3A_1107 : i32 to index
      %get3A_1110 = arith.constant 0 : index
      %get3A_1111 = tpu.vector_load %arg9[%get3A_1108, %get3A_1109, %get3A_1110] {strides = array<i32>} : memref<2x128x16xf32, #tpu.memory_space<vmem>>, vector<1x1x16xf32>,
      %get3A_1112 = vector.shape_cast %get3A_1111 : vector<1x1x16xf32> to vector<16xf32>
      %shift_right_logical3A = arith.constant 1 : i32
      %shift_right_logical3A_1113 = arith.shrui %scan3A_1107, %shift_right_logical3A : i32
      %and3A = arith.constant 1 : i32
      %and3A_1114 = arith.andi %scan3A_1107, %and3A : i32
      %mul3A_1115 = arith.constant 64 : i32
      %mul3A_1116 = arith.muli %and3A_1114, %mul3A_1115 : i32
      %get3A_1117 = arith.constant 0 : i32
      %get3A_1118 = arith.index_cast %get3A_1117 : i32 to index
      %get3A_1119 = arith.index_cast %scan3A_1107 : i32 to index
      %get3A_1120 = arith.constant 0 : index
      %get3A_1121 = tpu.vector_load %arg8[%get3A_1118, %get3A_1119, %get3A_1120] {strides = array<i32>} : memref<2x128x128xf32, #tpu.memory_space<vmem>>, vector<1x1x16xf32>,
      %get3A_1122 = vector.shape_cast %get3A_1121 : vector<1x1x16xf32> to vector<16xf32>
      %get3A_1123 = arith.constant 0 : i32
      %get3A_1124 = arith.index_cast %get3A_1123 : i32 to index
      %get3A_1125 = arith.index_cast %scan3A_1107 : i32 to index
      %get3A_1126 = arith.constant 64 : index
      %get3A_1127 = tpu.vector_load %arg8[%get3A_1124, %get3A_1125, %get3A_1126] {strides = array<i32>} : memref<2x128x128xf32, #tpu.memory_space<vmem>>, vector<1x1x16xf32>,
      %get3A_1128 = vector.shape_cast %get3A_1127 : vector<1x1x16xf32> to vector<16xf32>
      %sub3A = arith.constant 1.000000e+00 : f32
      %sub3A_1129 = vector.broadcast %sub3A : f32 to vector<16xf32>
      %sub3A_1130 = arith.subf %sub3A_1129, %get3A_1112 : vector<16xf32>
      %mul3A_1131 = arith.mulf %get3A_1122, %sub3A_1130 : vector<16xf32>
      %mul3A_1132 = arith.mulf %get3A_1128, %get3A_1112 : vector<16xf32>
      %add3A_1133 = arith.addf %mul3A_1131, %mul3A_1132 : vector<16xf32>
      %add3A_1134 = arith.constant 0 : i32
      %add3A_1135 = arith.addi %mul3A_1116, %add3A_1134 : i32
      %get3A_1136 = arith.constant 0 : i32
      %get3A_1137 = arith.index_cast %get3A_1136 : i32 to index
      %get3A_1138 = arith.index_cast %shift_right_logical3A_1113 : i32 to index
      %get3A_1139 = arith.index_cast %add3A_1135 : i32 to index
      %get3A_1140 = tpu.vector_load %arg10[%get3A_1137, %get3A_1138, %get3A_1139] {strides = array<i32>} : memref<2x64x128xf32, #tpu.memory_space<vmem>>, vector<1x1x16xf32>,
      %get3A_1141 = vector.shape_cast %get3A_1140 : vector<1x1x16xf32> to vector<16xf32>
      %add3A_1142 = arith.addf %add3A_1133, %get3A_1141 : vector<16xf32>
      %swap3A = arith.constant 0 : i32
      %swap3A_1143 = arith.index_cast %swap3A : i32 to index
      %swap3A_1144 = arith.index_cast %shift_right_logical3A_1113 : i32 to index
      %swap3A_1145 = arith.index_cast %add3A_1135 : i32 to index
      %swap3A_1146 = tpu.vector_load %arg11[%swap3A_1143, %swap3A_1144, %swap3A_1145] {strides = array<i32>} : memref<2x64x128xf32, #tpu.memory_space<vmem>>, vector<1x1x16xf32>,
      %swap3A_1147 = vector.shape_cast %swap3A_1146 : vector<1x1x16xf32> to vector<16xf32>
      %swap3A_1148 = vector.shape_cast %add3A_1142 : vector<16xf32> to vector<1x1x16xf32>
      tpu.vector_store %arg11[%swap3A_1143, %swap3A_1144, %swap3A_1145], %swap3A_1148 {strides = array<i32>} : memref<2x64x128xf32, #tpu.memory_space<vmem>>, vector<1x1x16xf32>,
      %get3A_1149 = arith.constant 0 : i32
      %get3A_1150 = arith.index_cast %get3A_1149 : i32 to index
      %get3A_1151 = arith.index_cast %scan3A_1107 : i32 to index
      %get3A_1152 = arith.constant 16 : index
      %get3A_1153 = tpu.vector_load %arg8[%get3A_1150, %get3A_1151, %get3A_1152] {strides = array<i32>} : memref<2x128x128xf32, #tpu.memory_space<vmem>>, vector<1x1x16xf32>,
      %get3A_1154 = vector.shape_cast %get3A_1153 : vector<1x1x16xf32> to vector<16xf32>
      %get3A_1155 = arith.constant 0 : i32
      %get3A_1156 = arith.index_cast %get3A_1155 : i32 to index
      %get3A_1157 = arith.index_cast %scan3A_1107 : i32 to index
      %get3A_1158 = arith.constant 80 : index
      %get3A_1159 = tpu.vector_load %arg8[%get3A_1156, %get3A_1157, %get3A_1158] {strides = array<i32>} : memref<2x128x128xf32, #tpu.memory_space<vmem>>, vector<1x1x16xf32>,
      %get3A_1160 = vector.shape_cast %get3A_1159 : vector<1x1x16xf32> to vector<16xf32>
      %sub3A_1161 = arith.constant 1.000000e+00 : f32
      %sub3A_1162 = vector.broadcast %sub3A_1161 : f32 to vector<16xf32>
      %sub3A_1163 = arith.subf %sub3A_1162, %get3A_1112 : vector<16xf32>
      %mul3A_1164 = arith.mulf %get3A_1154, %sub3A_1163 : vector<16xf32>
      %mul3A_1165 = arith.mulf %get3A_1160, %get3A_1112 : vector<16xf32>
      %add3A_1166 = arith.addf %mul3A_1164, %mul3A_1165 : vector<16xf32>
      %add3A_1167 = arith.constant 16 : i32
      %add3A_1168 = arith.addi %mul3A_1116, %add3A_1167 : i32
      %get3A_1169 = arith.constant 0 : i32
      %get3A_1170 = arith.index_cast %get3A_1169 : i32 to index
      %get3A_1171 = arith.index_cast %shift_right_logical3A_1113 : i32 to index
      %get3A_1172 = arith.index_cast %add3A_1168 : i32 to index
      %get3A_1173 = tpu.vector_load %arg10[%get3A_1170, %get3A_1171, %get3A_1172] {strides = array<i32>} : memref<2x64x128xf32, #tpu.memory_space<vmem>>, vector<1x1x16xf32>,
      %get3A_1174 = vector.shape_cast %get3A_1173 : vector<1x1x16xf32> to vector<16xf32>
      %add3A_1175 = arith.addf %add3A_1166, %get3A_1174 : vector<16xf32>
      %swap3A_1176 = arith.constant 0 : i32
      %swap3A_1177 = arith.index_cast %swap3A_1176 : i32 to index
      %swap3A_1178 = arith.index_cast %shift_right_logical3A_1113 : i32 to index
      %swap3A_1179 = arith.index_cast %add3A_1168 : i32 to index
      %swap3A_1180 = tpu.vector_load %arg11[%swap3A_1177, %swap3A_1178, %swap3A_1179] {strides = array<i32>} : memref<2x64x128xf32, #tpu.memory_space<vmem>>, vector<1x1x16xf32>,
      %swap3A_1181 = vector.shape_cast %swap3A_1180 : vector<1x1x16xf32> to vector<16xf32>
      %swap3A_1182 = vector.shape_cast %add3A_1175 : vector<16xf32> to vector<1x1x16xf32>
      tpu.vector_store %arg11[%swap3A_1177, %swap3A_1178, %swap3A_1179], %swap3A_1182 {strides = array<i32>} : memref<2x64x128xf32, #tpu.memory_space<vmem>>, vector<1x1x16xf32>,
      %get3A_1183 = arith.constant 0 : i32
      %get3A_1184 = arith.index_cast %get3A_1183 : i32 to index
      %get3A_1185 = arith.index_cast %scan3A_1107 : i32 to index
      %get3A_1186 = arith.constant 32 : index
      %get3A_1187 = tpu.vector_load %arg8[%get3A_1184, %get3A_1185, %get3A_1186] {strides = array<i32>} : memref<2x128x128xf32, #tpu.memory_space<vmem>>, vector<1x1x16xf32>,
      %get3A_1188 = vector.shape_cast %get3A_1187 : vector<1x1x16xf32> to vector<16xf32>
      %get3A_1189 = arith.constant 0 : i32
      %get3A_1190 = arith.index_cast %get3A_1189 : i32 to index
      %get3A_1191 = arith.index_cast %scan3A_1107 : i32 to index
      %get3A_1192 = arith.constant 96 : index
      %get3A_1193 = tpu.vector_load %arg8[%get3A_1190, %get3A_1191, %get3A_1192] {strides = array<i32>} : memref<2x128x128xf32, #tpu.memory_space<vmem>>, vector<1x1x16xf32>,
      %get3A_1194 = vector.shape_cast %get3A_1193 : vector<1x1x16xf32> to vector<16xf32>
      %sub3A_1195 = arith.constant 1.000000e+00 : f32
      %sub3A_1196 = vector.broadcast %sub3A_1195 : f32 to vector<16xf32>
      %sub3A_1197 = arith.subf %sub3A_1196, %get3A_1112 : vector<16xf32>
      %mul3A_1198 = arith.mulf %get3A_1188, %sub3A_1197 : vector<16xf32>
      %mul3A_1199 = arith.mulf %get3A_1194, %get3A_1112 : vector<16xf32>
      %add3A_1200 = arith.addf %mul3A_1198, %mul3A_1199 : vector<16xf32>
      %add3A_1201 = arith.constant 32 : i32
      %add3A_1202 = arith.addi %mul3A_1116, %add3A_1201 : i32
      %get3A_1203 = arith.constant 0 : i32
      %get3A_1204 = arith.index_cast %get3A_1203 : i32 to index
      %get3A_1205 = arith.index_cast %shift_right_logical3A_1113 : i32 to index
      %get3A_1206 = arith.index_cast %add3A_1202 : i32 to index
      %get3A_1207 = tpu.vector_load %arg10[%get3A_1204, %get3A_1205, %get3A_1206] {strides = array<i32>} : memref<2x64x128xf32, #tpu.memory_space<vmem>>, vector<1x1x16xf32>,
      %get3A_1208 = vector.shape_cast %get3A_1207 : vector<1x1x16xf32> to vector<16xf32>
      %add3A_1209 = arith.addf %add3A_1200, %get3A_1208 : vector<16xf32>
      %swap3A_1210 = arith.constant 0 : i32
      %swap3A_1211 = arith.index_cast %swap3A_1210 : i32 to index
      %swap3A_1212 = arith.index_cast %shift_right_logical3A_1113 : i32 to index
      %swap3A_1213 = arith.index_cast %add3A_1202 : i32 to index
      %swap3A_1214 = tpu.vector_load %arg11[%swap3A_1211, %swap3A_1212, %swap3A_1213] {strides = array<i32>} : memref<2x64x128xf32, #tpu.memory_space<vmem>>, vector<1x1x16xf32>,
      %swap3A_1215 = vector.shape_cast %swap3A_1214 : vector<1x1x16xf32> to vector<16xf32>
      %swap3A_1216 = vector.shape_cast %add3A_1209 : vector<16xf32> to vector<1x1x16xf32>
      tpu.vector_store %arg11[%swap3A_1211, %swap3A_1212, %swap3A_1213], %swap3A_1216 {strides = array<i32>} : memref<2x64x128xf32, #tpu.memory_space<vmem>>, vector<1x1x16xf32>,
      %get3A_1217 = arith.constant 0 : i32
      %get3A_1218 = arith.index_cast %get3A_1217 : i32 to index
      %get3A_1219 = arith.index_cast %scan3A_1107 : i32 to index
      %get3A_1220 = arith.constant 48 : index
      %get3A_1221 = tpu.vector_load %arg8[%get3A_1218, %get3A_1219, %get3A_1220] {strides = array<i32>} : memref<2x128x128xf32, #tpu.memory_space<vmem>>, vector<1x1x16xf32>,
      %get3A_1222 = vector.shape_cast %get3A_1221 : vector<1x1x16xf32> to vector<16xf32>
      %get3A_1223 = arith.constant 0 : i32
      %get3A_1224 = arith.index_cast %get3A_1223 : i32 to index
      %get3A_1225 = arith.index_cast %scan3A_1107 : i32 to index
      %get3A_1226 = arith.constant 112 : index
      %get3A_1227 = tpu.vector_load %arg8[%get3A_1224, %get3A_1225, %get3A_1226] {strides = array<i32>} : memref<2x128x128xf32, #tpu.memory_space<vmem>>, vector<1x1x16xf32>,
      %get3A_1228 = vector.shape_cast %get3A_1227 : vector<1x1x16xf32> to vector<16xf32>
      %sub3A_1229 = arith.constant 1.000000e+00 : f32
      %sub3A_1230 = vector.broadcast %sub3A_1229 : f32 to vector<16xf32>
      %sub3A_1231 = arith.subf %sub3A_1230, %get3A_1112 : vector<16xf32>
      %mul3A_1232 = arith.mulf %get3A_1222, %sub3A_1231 : vector<16xf32>
      %mul3A_1233 = arith.mulf %get3A_1228, %get3A_1112 : vector<16xf32>
      %add3A_1234 = arith.addf %mul3A_1232, %mul3A_1233 : vector<16xf32>
      %add3A_1235 = arith.constant 48 : i32
      %add3A_1236 = arith.addi %mul3A_1116, %add3A_1235 : i32
      %get3A_1237 = arith.constant 0 : i32
      %get3A_1238 = arith.index_cast %get3A_1237 : i32 to index
      %get3A_1239 = arith.index_cast %shift_right_logical3A_1113 : i32 to index
      %get3A_1240 = arith.index_cast %add3A_1236 : i32 to index
      %get3A_1241 = tpu.vector_load %arg10[%get3A_1238, %get3A_1239, %get3A_1240] {strides = array<i32>} : memref<2x64x128xf32, #tpu.memory_space<vmem>>, vector<1x1x16xf32>,
      %get3A_1242 = vector.shape_cast %get3A_1241 : vector<1x1x16xf32> to vector<16xf32>
      %add3A_1243 = arith.addf %add3A_1234, %get3A_1242 : vector<16xf32>
      %swap3A_1244 = arith.constant 0 : i32
      %swap3A_1245 = arith.index_cast %swap3A_1244 : i32 to index
      %swap3A_1246 = arith.index_cast %shift_right_logical3A_1113 : i32 to index
      %swap3A_1247 = arith.index_cast %add3A_1236 : i32 to index
      %swap3A_1248 = tpu.vector_load %arg11[%swap3A_1245, %swap3A_1246, %swap3A_1247] {strides = array<i32>} : memref<2x64x128xf32, #tpu.memory_space<vmem>>, vector<1x1x16xf32>,
      %swap3A_1249 = vector.shape_cast %swap3A_1248 : vector<1x1x16xf32> to vector<16xf32>
      %swap3A_1250 = vector.shape_cast %add3A_1243 : vector<16xf32> to vector<1x1x16xf32>
      tpu.vector_store %arg11[%swap3A_1245, %swap3A_1246, %swap3A_1247], %swap3A_1250 {strides = array<i32>} : memref<2x64x128xf32, #tpu.memory_space<vmem>>, vector<1x1x16xf32>,
    }
    %scan3A_964 = arith.constant 128 : i32
    %add3A_965 = arith.constant 6 : i32
    %add3A_966 = arith.addi %mul3A_5, %add3A_965 : i32
    %dma_start3A_967 = arith.constant 0 : i32
    %dma_start3A_968 = arith.constant 0 : i32
    %dma_start3A_969 = arith.constant 0 : i32
    %dma_start3A_970 = tpu.memref_slice %arg11[%dma_start3A_967, %dma_start3A_968, %dma_start3A_969] : memref<2x64x128xf32, #tpu.memory_space<vmem>> -> memref<1x64x128xf32, #tpu.memory_space<vmem>>
    %dma_start3A_971 = tpu.memref_squeeze %dma_start3A_970 : memref<1x64x128xf32, #tpu.memory_space<vmem>> -> memref<64x128xf32, #tpu.memory_space<vmem>>
    %dma_start3A_972 = arith.constant 0 : i32
    %dma_start3A_973 = arith.constant 0 : i32
    %dma_start3A_974 = tpu.memref_slice %arg6[%add3A_966, %dma_start3A_972, %dma_start3A_973] : memref<256x64x128xf32, #tpu.memory_space<hbm>> -> memref<1x64x128xf32, #tpu.memory_space<hbm>>
    %dma_start3A_975 = tpu.memref_squeeze %dma_start3A_974 : memref<1x64x128xf32, #tpu.memory_space<hbm>> -> memref<64x128xf32, #tpu.memory_space<hbm>>
    %dma_start3A_976 = arith.constant 0 : i32
    %dma_start3A_977 = arith.constant 0 : i32
    %dma_start3A_978 = tpu.memref_slice %arg6[%add3A_966, %dma_start3A_976, %dma_start3A_977] : memref<256x64x128xf32, #tpu.memory_space<hbm>> -> memref<1x64x128xf32, #tpu.memory_space<hbm>>
    %dma_start3A_979 = tpu.memref_squeeze %dma_start3A_978 : memref<1x64x128xf32, #tpu.memory_space<hbm>> -> memref<64x128xf32, #tpu.memory_space<hbm>>
    %dma_start3A_980 = arith.constant 0 : i32
    %dma_start3A_981 = arith.constant 0 : i32
    %dma_start3A_982 = tpu.memref_slice %arg11[%dma_start3A_967, %dma_start3A_980, %dma_start3A_981] : memref<2x64x128xf32, #tpu.memory_space<vmem>> -> memref<1x64x128xf32, #tpu.memory_space<vmem>>
    %dma_start3A_983 = tpu.memref_squeeze %dma_start3A_982 : memref<1x64x128xf32, #tpu.memory_space<vmem>> -> memref<64x128xf32, #tpu.memory_space<vmem>>
    tpu.enqueue_dma source(%dma_start3A_983 : memref<64x128xf32, #tpu.memory_space<vmem>>) target(%dma_start3A_979 : memref<64x128xf32, #tpu.memory_space<hbm>>) target_semaphore(%arg18 : memref<!tpu.dma_semaphore, #tpu.memory_space<semaphore_mem>>)
    %dma_wait3A_984 = arith.constant 7 : i32
    %dma_wait3A_985 = arith.constant 1 : i32
    %dma_wait3A_986 = arith.constant 0 : i32
    %dma_wait3A_987 = arith.constant 0 : i32
    %dma_wait3A_988 = tpu.memref_slice %arg8[%dma_wait3A_985, %dma_wait3A_986, %dma_wait3A_987] : memref<2x128x128xf32, #tpu.memory_space<vmem>> -> memref<1x128x128xf32, #tpu.memory_space<vmem>>
    %dma_wait3A_989 = tpu.memref_squeeze %dma_wait3A_988 : memref<1x128x128xf32, #tpu.memory_space<vmem>> -> memref<128x128xf32, #tpu.memory_space<vmem>>
    %dma_wait3A_990 = arith.constant 0 : i32
    %dma_wait3A_991 = tpu.memref_slice %arg7[%dma_wait3A_984, %dma_wait3A_990] : memref<8x128xi32, #tpu.memory_space<vmem>> -> memref<1x128xi32, #tpu.memory_space<vmem>>
    %dma_wait3A_992 = tpu.memref_squeeze %dma_wait3A_991 : memref<1x128xi32, #tpu.memory_space<vmem>> -> memref<128xi32, #tpu.memory_space<vmem>>
    %dma_wait3A_993 = arith.constant 0 : i32
    %dma_wait3A_994 = arith.constant 0 : i32
    %dma_wait3A_995 = tpu.memref_slice %arg4[%dma_wait3A_993, %dma_wait3A_994] : memref<500000x128xf32, #tpu.memory_space<hbm>> -> memref<500000x128xf32, #tpu.memory_space<hbm>>
    tpu.wait_indirect_dma semaphore(%arg13 : memref<!tpu.dma_semaphore, #tpu.memory_space<semaphore_mem>>) src(%dma_wait3A_995 : memref<500000x128xf32, #tpu.memory_space<hbm>>) dst(%dma_wait3A_989 : memref<128x128xf32, #tpu.memory_space<vmem>>)
    %dma_wait3A_996 = arith.constant 1 : i32
    %dma_wait3A_997 = arith.constant 0 : i32
    %dma_wait3A_998 = arith.constant 0 : i32
    %dma_wait3A_999 = tpu.memref_slice %arg10[%dma_wait3A_996, %dma_wait3A_997, %dma_wait3A_998] : memref<2x64x128xf32, #tpu.memory_space<vmem>> -> memref<1x64x128xf32, #tpu.memory_space<vmem>>
    %dma_wait3A_1000 = tpu.memref_squeeze %dma_wait3A_999 : memref<1x64x128xf32, #tpu.memory_space<vmem>> -> memref<64x128xf32, #tpu.memory_space<vmem>>
    %dma_wait3A_1001 = arith.constant 0 : i32
    %dma_wait3A_1002 = arith.constant 0 : i32
    %dma_wait3A_1003 = tpu.memref_slice %arg5[%add3A_859, %dma_wait3A_1001, %dma_wait3A_1002] : memref<64x64x128xf32, #tpu.memory_space<hbm>> -> memref<1x64x128xf32, #tpu.memory_space<hbm>>
    %dma_wait3A_1004 = tpu.memref_squeeze %dma_wait3A_1003 : memref<1x64x128xf32, #tpu.memory_space<hbm>> -> memref<64x128xf32, #tpu.memory_space<hbm>>
    %dma_wait3A_1005 = arith.constant 0 : i32
    %dma_wait3A_1006 = arith.constant 0 : i32
    %dma_wait3A_1007 = tpu.memref_slice %arg10[%dma_wait3A_996, %dma_wait3A_1005, %dma_wait3A_1006] : memref<2x64x128xf32, #tpu.memory_space<vmem>> -> memref<1x64x128xf32, #tpu.memory_space<vmem>>
    %dma_wait3A_1008 = tpu.memref_squeeze %dma_wait3A_1007 : memref<1x64x128xf32, #tpu.memory_space<vmem>> -> memref<64x128xf32, #tpu.memory_space<vmem>>
    %dma_wait3A_1009 = arith.constant 0 : i32
    %dma_wait3A_1010 = arith.constant 0 : i32
    %dma_wait3A_1011 = tpu.memref_slice %arg5[%add3A_859, %dma_wait3A_1009, %dma_wait3A_1010] : memref<64x64x128xf32, #tpu.memory_space<hbm>> -> memref<1x64x128xf32, #tpu.memory_space<hbm>>
    %dma_wait3A_1012 = tpu.memref_squeeze %dma_wait3A_1011 : memref<1x64x128xf32, #tpu.memory_space<hbm>> -> memref<64x128xf32, #tpu.memory_space<hbm>>
    tpu.wait_dma2 semaphore(%arg15 : memref<!tpu.dma_semaphore, #tpu.memory_space<semaphore_mem>>) src(%dma_wait3A_1012 : memref<64x128xf32, #tpu.memory_space<hbm>>) dst(%dma_wait3A_1008 : memref<64x128xf32, #tpu.memory_space<vmem>>)
    %dma_wait3A_1013 = arith.constant 7 : i32
    %dma_wait3A_1014 = arith.constant 1 : i32
    %dma_wait3A_1015 = arith.constant 0 : i32
    %dma_wait3A_1016 = arith.constant 0 : i32
    %dma_wait3A_1017 = tpu.memref_slice %arg9[%dma_wait3A_1014, %dma_wait3A_1015, %dma_wait3A_1016] : memref<2x128x16xf32, #tpu.memory_space<vmem>> -> memref<1x128x16xf32, #tpu.memory_space<vmem>>
    %dma_wait3A_1018 = tpu.memref_squeeze %dma_wait3A_1017 : memref<1x128x16xf32, #tpu.memory_space<vmem>> -> memref<128x16xf32, #tpu.memory_space<vmem>>
    %dma_wait3A_1019 = arith.constant 0 : i32
    %dma_wait3A_1020 = arith.constant 0 : i32
    %dma_wait3A_1021 = tpu.memref_slice %arg3[%add3A, %dma_wait3A_1013, %dma_wait3A_1019, %dma_wait3A_1020] : memref<32x8x128x16xf32, #tpu.memory_space<hbm>> -> memref<1x1x128x16xf32, #tpu.memory_space<hbm>>
    %dma_wait3A_1022 = tpu.memref_squeeze %dma_wait3A_1021 : memref<1x1x128x16xf32, #tpu.memory_space<hbm>> -> memref<128x16xf32, #tpu.memory_space<hbm>>
    %dma_wait3A_1023 = arith.constant 0 : i32
    %dma_wait3A_1024 = arith.constant 0 : i32
    %dma_wait3A_1025 = tpu.memref_slice %arg9[%dma_wait3A_1014, %dma_wait3A_1023, %dma_wait3A_1024] : memref<2x128x16xf32, #tpu.memory_space<vmem>> -> memref<1x128x16xf32, #tpu.memory_space<vmem>>
    %dma_wait3A_1026 = tpu.memref_squeeze %dma_wait3A_1025 : memref<1x128x16xf32, #tpu.memory_space<vmem>> -> memref<128x16xf32, #tpu.memory_space<vmem>>
    %dma_wait3A_1027 = arith.constant 0 : i32
    %dma_wait3A_1028 = arith.constant 0 : i32
    %dma_wait3A_1029 = tpu.memref_slice %arg3[%add3A, %dma_wait3A_1013, %dma_wait3A_1027, %dma_wait3A_1028] : memref<32x8x128x16xf32, #tpu.memory_space<hbm>> -> memref<1x1x128x16xf32, #tpu.memory_space<hbm>>
    %dma_wait3A_1030 = tpu.memref_squeeze %dma_wait3A_1029 : memref<1x1x128x16xf32, #tpu.memory_space<hbm>> -> memref<128x16xf32, #tpu.memory_space<hbm>>
    tpu.wait_dma2 semaphore(%arg17 : memref<!tpu.dma_semaphore, #tpu.memory_space<semaphore_mem>>) src(%dma_wait3A_1030 : memref<128x16xf32, #tpu.memory_space<hbm>>) dst(%dma_wait3A_1026 : memref<128x16xf32, #tpu.memory_space<vmem>>)
    %dma_wait3A_1031 = arith.constant 1 : i32
    %dma_wait3A_1032 = arith.constant 0 : i32
    %dma_wait3A_1033 = arith.constant 0 : i32
    %dma_wait3A_1034 = tpu.memref_slice %arg11[%dma_wait3A_1031, %dma_wait3A_1032, %dma_wait3A_1033] : memref<2x64x128xf32, #tpu.memory_space<vmem>> -> memref<1x64x128xf32, #tpu.memory_space<vmem>>
    %dma_wait3A_1035 = tpu.memref_squeeze %dma_wait3A_1034 : memref<1x64x128xf32, #tpu.memory_space<vmem>> -> memref<64x128xf32, #tpu.memory_space<vmem>>
    %dma_wait3A_1036 = arith.constant 0 : i32
    %dma_wait3A_1037 = arith.constant 0 : i32
    %dma_wait3A_1038 = tpu.memref_slice %arg6[%add3A_828, %dma_wait3A_1036, %dma_wait3A_1037] : memref<256x64x128xf32, #tpu.memory_space<hbm>> -> memref<1x64x128xf32, #tpu.memory_space<hbm>>
    %dma_wait3A_1039 = tpu.memref_squeeze %dma_wait3A_1038 : memref<1x64x128xf32, #tpu.memory_space<hbm>> -> memref<64x128xf32, #tpu.memory_space<hbm>>
    %dma_wait3A_1040 = arith.constant 0 : i32
    %dma_wait3A_1041 = arith.constant 0 : i32
    %dma_wait3A_1042 = tpu.memref_slice %arg6[%add3A_828, %dma_wait3A_1040, %dma_wait3A_1041] : memref<256x64x128xf32, #tpu.memory_space<hbm>> -> memref<1x64x128xf32, #tpu.memory_space<hbm>>
    %dma_wait3A_1043 = tpu.memref_squeeze %dma_wait3A_1042 : memref<1x64x128xf32, #tpu.memory_space<hbm>> -> memref<64x128xf32, #tpu.memory_space<hbm>>
    %dma_wait3A_1044 = arith.constant 0 : i32
    %dma_wait3A_1045 = arith.constant 0 : i32
    %dma_wait3A_1046 = tpu.memref_slice %arg11[%dma_wait3A_1031, %dma_wait3A_1044, %dma_wait3A_1045] : memref<2x64x128xf32, #tpu.memory_space<vmem>> -> memref<1x64x128xf32, #tpu.memory_space<vmem>>
    %dma_wait3A_1047 = tpu.memref_squeeze %dma_wait3A_1046 : memref<1x64x128xf32, #tpu.memory_space<vmem>> -> memref<64x128xf32, #tpu.memory_space<vmem>>
    tpu.wait_dma2 semaphore(%arg19 : memref<!tpu.dma_semaphore, #tpu.memory_space<semaphore_mem>>) src(%dma_wait3A_1047 : memref<64x128xf32, #tpu.memory_space<vmem>>) dst(%dma_wait3A_1043 : memref<64x128xf32, #tpu.memory_space<hbm>>)
    %scan3A_1048 = arith.constant 0 : i32
    %scan3A_1049 = arith.constant 0 : i32
    %scan3A_1050 = arith.constant 128 : i32
    %scan3A_1051 = arith.addi %scan3A_1049, %scan3A_1050 : i32
    %scan3A_1052 = arith.constant 1 : i32
    scf.for %scan3A_1107 = %scan3A_1049 to %scan3A_1051 step %scan3A_1052  : i32 {
      %get3A = arith.constant 1 : i32
      %get3A_1108 = arith.index_cast %get3A : i32 to index
      %get3A_1109 = arith.index_cast %scan3A_1107 : i32 to index
      %get3A_1110 = arith.constant 0 : index
      %get3A_1111 = tpu.vector_load %arg9[%get3A_1108, %get3A_1109, %get3A_1110] {strides = array<i32>} : memref<2x128x16xf32, #tpu.memory_space<vmem>>, vector<1x1x16xf32>,
      %get3A_1112 = vector.shape_cast %get3A_1111 : vector<1x1x16xf32> to vector<16xf32>
      %shift_right_logical3A = arith.constant 1 : i32
      %shift_right_logical3A_1113 = arith.shrui %scan3A_1107, %shift_right_logical3A : i32
      %and3A = arith.constant 1 : i32
      %and3A_1114 = arith.andi %scan3A_1107, %and3A : i32
      %mul3A_1115 = arith.constant 64 : i32
      %mul3A_1116 = arith.muli %and3A_1114, %mul3A_1115 : i32
      %get3A_1117 = arith.constant 1 : i32
      %get3A_1118 = arith.index_cast %get3A_1117 : i32 to index
      %get3A_1119 = arith.index_cast %scan3A_1107 : i32 to index
      %get3A_1120 = arith.constant 0 : index
      %get3A_1121 = tpu.vector_load %arg8[%get3A_1118, %get3A_1119, %get3A_1120] {strides = array<i32>} : memref<2x128x128xf32, #tpu.memory_space<vmem>>, vector<1x1x16xf32>,
      %get3A_1122 = vector.shape_cast %get3A_1121 : vector<1x1x16xf32> to vector<16xf32>
      %get3A_1123 = arith.constant 1 : i32
      %get3A_1124 = arith.index_cast %get3A_1123 : i32 to index
      %get3A_1125 = arith.index_cast %scan3A_1107 : i32 to index
      %get3A_1126 = arith.constant 64 : index
      %get3A_1127 = tpu.vector_load %arg8[%get3A_1124, %get3A_1125, %get3A_1126] {strides = array<i32>} : memref<2x128x128xf32, #tpu.memory_space<vmem>>, vector<1x1x16xf32>,
      %get3A_1128 = vector.shape_cast %get3A_1127 : vector<1x1x16xf32> to vector<16xf32>
      %sub3A = arith.constant 1.000000e+00 : f32
      %sub3A_1129 = vector.broadcast %sub3A : f32 to vector<16xf32>
      %sub3A_1130 = arith.subf %sub3A_1129, %get3A_1112 : vector<16xf32>
      %mul3A_1131 = arith.mulf %get3A_1122, %sub3A_1130 : vector<16xf32>
      %mul3A_1132 = arith.mulf %get3A_1128, %get3A_1112 : vector<16xf32>
      %add3A_1133 = arith.addf %mul3A_1131, %mul3A_1132 : vector<16xf32>
      %add3A_1134 = arith.constant 0 : i32
      %add3A_1135 = arith.addi %mul3A_1116, %add3A_1134 : i32
      %get3A_1136 = arith.constant 1 : i32
      %get3A_1137 = arith.index_cast %get3A_1136 : i32 to index
      %get3A_1138 = arith.index_cast %shift_right_logical3A_1113 : i32 to index
      %get3A_1139 = arith.index_cast %add3A_1135 : i32 to index
      %get3A_1140 = tpu.vector_load %arg10[%get3A_1137, %get3A_1138, %get3A_1139] {strides = array<i32>} : memref<2x64x128xf32, #tpu.memory_space<vmem>>, vector<1x1x16xf32>,
      %get3A_1141 = vector.shape_cast %get3A_1140 : vector<1x1x16xf32> to vector<16xf32>
      %add3A_1142 = arith.addf %add3A_1133, %get3A_1141 : vector<16xf32>
      %swap3A = arith.constant 1 : i32
      %swap3A_1143 = arith.index_cast %swap3A : i32 to index
      %swap3A_1144 = arith.index_cast %shift_right_logical3A_1113 : i32 to index
      %swap3A_1145 = arith.index_cast %add3A_1135 : i32 to index
      %swap3A_1146 = tpu.vector_load %arg11[%swap3A_1143, %swap3A_1144, %swap3A_1145] {strides = array<i32>} : memref<2x64x128xf32, #tpu.memory_space<vmem>>, vector<1x1x16xf32>,
      %swap3A_1147 = vector.shape_cast %swap3A_1146 : vector<1x1x16xf32> to vector<16xf32>
      %swap3A_1148 = vector.shape_cast %add3A_1142 : vector<16xf32> to vector<1x1x16xf32>
      tpu.vector_store %arg11[%swap3A_1143, %swap3A_1144, %swap3A_1145], %swap3A_1148 {strides = array<i32>} : memref<2x64x128xf32, #tpu.memory_space<vmem>>, vector<1x1x16xf32>,
      %get3A_1149 = arith.constant 1 : i32
      %get3A_1150 = arith.index_cast %get3A_1149 : i32 to index
      %get3A_1151 = arith.index_cast %scan3A_1107 : i32 to index
      %get3A_1152 = arith.constant 16 : index
      %get3A_1153 = tpu.vector_load %arg8[%get3A_1150, %get3A_1151, %get3A_1152] {strides = array<i32>} : memref<2x128x128xf32, #tpu.memory_space<vmem>>, vector<1x1x16xf32>,
      %get3A_1154 = vector.shape_cast %get3A_1153 : vector<1x1x16xf32> to vector<16xf32>
      %get3A_1155 = arith.constant 1 : i32
      %get3A_1156 = arith.index_cast %get3A_1155 : i32 to index
      %get3A_1157 = arith.index_cast %scan3A_1107 : i32 to index
      %get3A_1158 = arith.constant 80 : index
      %get3A_1159 = tpu.vector_load %arg8[%get3A_1156, %get3A_1157, %get3A_1158] {strides = array<i32>} : memref<2x128x128xf32, #tpu.memory_space<vmem>>, vector<1x1x16xf32>,
      %get3A_1160 = vector.shape_cast %get3A_1159 : vector<1x1x16xf32> to vector<16xf32>
      %sub3A_1161 = arith.constant 1.000000e+00 : f32
      %sub3A_1162 = vector.broadcast %sub3A_1161 : f32 to vector<16xf32>
      %sub3A_1163 = arith.subf %sub3A_1162, %get3A_1112 : vector<16xf32>
      %mul3A_1164 = arith.mulf %get3A_1154, %sub3A_1163 : vector<16xf32>
      %mul3A_1165 = arith.mulf %get3A_1160, %get3A_1112 : vector<16xf32>
      %add3A_1166 = arith.addf %mul3A_1164, %mul3A_1165 : vector<16xf32>
      %add3A_1167 = arith.constant 16 : i32
      %add3A_1168 = arith.addi %mul3A_1116, %add3A_1167 : i32
      %get3A_1169 = arith.constant 1 : i32
      %get3A_1170 = arith.index_cast %get3A_1169 : i32 to index
      %get3A_1171 = arith.index_cast %shift_right_logical3A_1113 : i32 to index
      %get3A_1172 = arith.index_cast %add3A_1168 : i32 to index
      %get3A_1173 = tpu.vector_load %arg10[%get3A_1170, %get3A_1171, %get3A_1172] {strides = array<i32>} : memref<2x64x128xf32, #tpu.memory_space<vmem>>, vector<1x1x16xf32>,
      %get3A_1174 = vector.shape_cast %get3A_1173 : vector<1x1x16xf32> to vector<16xf32>
      %add3A_1175 = arith.addf %add3A_1166, %get3A_1174 : vector<16xf32>
      %swap3A_1176 = arith.constant 1 : i32
      %swap3A_1177 = arith.index_cast %swap3A_1176 : i32 to index
      %swap3A_1178 = arith.index_cast %shift_right_logical3A_1113 : i32 to index
      %swap3A_1179 = arith.index_cast %add3A_1168 : i32 to index
      %swap3A_1180 = tpu.vector_load %arg11[%swap3A_1177, %swap3A_1178, %swap3A_1179] {strides = array<i32>} : memref<2x64x128xf32, #tpu.memory_space<vmem>>, vector<1x1x16xf32>,
      %swap3A_1181 = vector.shape_cast %swap3A_1180 : vector<1x1x16xf32> to vector<16xf32>
      %swap3A_1182 = vector.shape_cast %add3A_1175 : vector<16xf32> to vector<1x1x16xf32>
      tpu.vector_store %arg11[%swap3A_1177, %swap3A_1178, %swap3A_1179], %swap3A_1182 {strides = array<i32>} : memref<2x64x128xf32, #tpu.memory_space<vmem>>, vector<1x1x16xf32>,
      %get3A_1183 = arith.constant 1 : i32
      %get3A_1184 = arith.index_cast %get3A_1183 : i32 to index
      %get3A_1185 = arith.index_cast %scan3A_1107 : i32 to index
      %get3A_1186 = arith.constant 32 : index
      %get3A_1187 = tpu.vector_load %arg8[%get3A_1184, %get3A_1185, %get3A_1186] {strides = array<i32>} : memref<2x128x128xf32, #tpu.memory_space<vmem>>, vector<1x1x16xf32>,
      %get3A_1188 = vector.shape_cast %get3A_1187 : vector<1x1x16xf32> to vector<16xf32>
      %get3A_1189 = arith.constant 1 : i32
      %get3A_1190 = arith.index_cast %get3A_1189 : i32 to index
      %get3A_1191 = arith.index_cast %scan3A_1107 : i32 to index
      %get3A_1192 = arith.constant 96 : index
      %get3A_1193 = tpu.vector_load %arg8[%get3A_1190, %get3A_1191, %get3A_1192] {strides = array<i32>} : memref<2x128x128xf32, #tpu.memory_space<vmem>>, vector<1x1x16xf32>,
      %get3A_1194 = vector.shape_cast %get3A_1193 : vector<1x1x16xf32> to vector<16xf32>
      %sub3A_1195 = arith.constant 1.000000e+00 : f32
      %sub3A_1196 = vector.broadcast %sub3A_1195 : f32 to vector<16xf32>
      %sub3A_1197 = arith.subf %sub3A_1196, %get3A_1112 : vector<16xf32>
      %mul3A_1198 = arith.mulf %get3A_1188, %sub3A_1197 : vector<16xf32>
      %mul3A_1199 = arith.mulf %get3A_1194, %get3A_1112 : vector<16xf32>
      %add3A_1200 = arith.addf %mul3A_1198, %mul3A_1199 : vector<16xf32>
      %add3A_1201 = arith.constant 32 : i32
      %add3A_1202 = arith.addi %mul3A_1116, %add3A_1201 : i32
      %get3A_1203 = arith.constant 1 : i32
      %get3A_1204 = arith.index_cast %get3A_1203 : i32 to index
      %get3A_1205 = arith.index_cast %shift_right_logical3A_1113 : i32 to index
      %get3A_1206 = arith.index_cast %add3A_1202 : i32 to index
      %get3A_1207 = tpu.vector_load %arg10[%get3A_1204, %get3A_1205, %get3A_1206] {strides = array<i32>} : memref<2x64x128xf32, #tpu.memory_space<vmem>>, vector<1x1x16xf32>,
      %get3A_1208 = vector.shape_cast %get3A_1207 : vector<1x1x16xf32> to vector<16xf32>
      %add3A_1209 = arith.addf %add3A_1200, %get3A_1208 : vector<16xf32>
      %swap3A_1210 = arith.constant 1 : i32
      %swap3A_1211 = arith.index_cast %swap3A_1210 : i32 to index
      %swap3A_1212 = arith.index_cast %shift_right_logical3A_1113 : i32 to index
      %swap3A_1213 = arith.index_cast %add3A_1202 : i32 to index
      %swap3A_1214 = tpu.vector_load %arg11[%swap3A_1211, %swap3A_1212, %swap3A_1213] {strides = array<i32>} : memref<2x64x128xf32, #tpu.memory_space<vmem>>, vector<1x1x16xf32>,
      %swap3A_1215 = vector.shape_cast %swap3A_1214 : vector<1x1x16xf32> to vector<16xf32>
      %swap3A_1216 = vector.shape_cast %add3A_1209 : vector<16xf32> to vector<1x1x16xf32>
      tpu.vector_store %arg11[%swap3A_1211, %swap3A_1212, %swap3A_1213], %swap3A_1216 {strides = array<i32>} : memref<2x64x128xf32, #tpu.memory_space<vmem>>, vector<1x1x16xf32>,
      %get3A_1217 = arith.constant 1 : i32
      %get3A_1218 = arith.index_cast %get3A_1217 : i32 to index
      %get3A_1219 = arith.index_cast %scan3A_1107 : i32 to index
      %get3A_1220 = arith.constant 48 : index
      %get3A_1221 = tpu.vector_load %arg8[%get3A_1218, %get3A_1219, %get3A_1220] {strides = array<i32>} : memref<2x128x128xf32, #tpu.memory_space<vmem>>, vector<1x1x16xf32>,
      %get3A_1222 = vector.shape_cast %get3A_1221 : vector<1x1x16xf32> to vector<16xf32>
      %get3A_1223 = arith.constant 1 : i32
      %get3A_1224 = arith.index_cast %get3A_1223 : i32 to index
      %get3A_1225 = arith.index_cast %scan3A_1107 : i32 to index
      %get3A_1226 = arith.constant 112 : index
      %get3A_1227 = tpu.vector_load %arg8[%get3A_1224, %get3A_1225, %get3A_1226] {strides = array<i32>} : memref<2x128x128xf32, #tpu.memory_space<vmem>>, vector<1x1x16xf32>,
      %get3A_1228 = vector.shape_cast %get3A_1227 : vector<1x1x16xf32> to vector<16xf32>
      %sub3A_1229 = arith.constant 1.000000e+00 : f32
      %sub3A_1230 = vector.broadcast %sub3A_1229 : f32 to vector<16xf32>
      %sub3A_1231 = arith.subf %sub3A_1230, %get3A_1112 : vector<16xf32>
      %mul3A_1232 = arith.mulf %get3A_1222, %sub3A_1231 : vector<16xf32>
      %mul3A_1233 = arith.mulf %get3A_1228, %get3A_1112 : vector<16xf32>
      %add3A_1234 = arith.addf %mul3A_1232, %mul3A_1233 : vector<16xf32>
      %add3A_1235 = arith.constant 48 : i32
      %add3A_1236 = arith.addi %mul3A_1116, %add3A_1235 : i32
      %get3A_1237 = arith.constant 1 : i32
      %get3A_1238 = arith.index_cast %get3A_1237 : i32 to index
      %get3A_1239 = arith.index_cast %shift_right_logical3A_1113 : i32 to index
      %get3A_1240 = arith.index_cast %add3A_1236 : i32 to index
      %get3A_1241 = tpu.vector_load %arg10[%get3A_1238, %get3A_1239, %get3A_1240] {strides = array<i32>} : memref<2x64x128xf32, #tpu.memory_space<vmem>>, vector<1x1x16xf32>,
      %get3A_1242 = vector.shape_cast %get3A_1241 : vector<1x1x16xf32> to vector<16xf32>
      %add3A_1243 = arith.addf %add3A_1234, %get3A_1242 : vector<16xf32>
      %swap3A_1244 = arith.constant 1 : i32
      %swap3A_1245 = arith.index_cast %swap3A_1244 : i32 to index
      %swap3A_1246 = arith.index_cast %shift_right_logical3A_1113 : i32 to index
      %swap3A_1247 = arith.index_cast %add3A_1236 : i32 to index
      %swap3A_1248 = tpu.vector_load %arg11[%swap3A_1245, %swap3A_1246, %swap3A_1247] {strides = array<i32>} : memref<2x64x128xf32, #tpu.memory_space<vmem>>, vector<1x1x16xf32>,
      %swap3A_1249 = vector.shape_cast %swap3A_1248 : vector<1x1x16xf32> to vector<16xf32>
      %swap3A_1250 = vector.shape_cast %add3A_1243 : vector<16xf32> to vector<1x1x16xf32>
      tpu.vector_store %arg11[%swap3A_1245, %swap3A_1246, %swap3A_1247], %swap3A_1250 {strides = array<i32>} : memref<2x64x128xf32, #tpu.memory_space<vmem>>, vector<1x1x16xf32>,
    }
    %scan3A_1053 = arith.constant 128 : i32
    %add3A_1054 = arith.constant 7 : i32
    %add3A_1055 = arith.addi %mul3A_5, %add3A_1054 : i32
    %dma_start3A_1056 = arith.constant 1 : i32
    %dma_start3A_1057 = arith.constant 0 : i32
    %dma_start3A_1058 = arith.constant 0 : i32
    %dma_start3A_1059 = tpu.memref_slice %arg11[%dma_start3A_1056, %dma_start3A_1057, %dma_start3A_1058] : memref<2x64x128xf32, #tpu.memory_space<vmem>> -> memref<1x64x128xf32, #tpu.memory_space<vmem>>
    %dma_start3A_1060 = tpu.memref_squeeze %dma_start3A_1059 : memref<1x64x128xf32, #tpu.memory_space<vmem>> -> memref<64x128xf32, #tpu.memory_space<vmem>>
    %dma_start3A_1061 = arith.constant 0 : i32
    %dma_start3A_1062 = arith.constant 0 : i32
    %dma_start3A_1063 = tpu.memref_slice %arg6[%add3A_1055, %dma_start3A_1061, %dma_start3A_1062] : memref<256x64x128xf32, #tpu.memory_space<hbm>> -> memref<1x64x128xf32, #tpu.memory_space<hbm>>
    %dma_start3A_1064 = tpu.memref_squeeze %dma_start3A_1063 : memref<1x64x128xf32, #tpu.memory_space<hbm>> -> memref<64x128xf32, #tpu.memory_space<hbm>>
    %dma_start3A_1065 = arith.constant 0 : i32
    %dma_start3A_1066 = arith.constant 0 : i32
    %dma_start3A_1067 = tpu.memref_slice %arg6[%add3A_1055, %dma_start3A_1065, %dma_start3A_1066] : memref<256x64x128xf32, #tpu.memory_space<hbm>> -> memref<1x64x128xf32, #tpu.memory_space<hbm>>
    %dma_start3A_1068 = tpu.memref_squeeze %dma_start3A_1067 : memref<1x64x128xf32, #tpu.memory_space<hbm>> -> memref<64x128xf32, #tpu.memory_space<hbm>>
    %dma_start3A_1069 = arith.constant 0 : i32
    %dma_start3A_1070 = arith.constant 0 : i32
    %dma_start3A_1071 = tpu.memref_slice %arg11[%dma_start3A_1056, %dma_start3A_1069, %dma_start3A_1070] : memref<2x64x128xf32, #tpu.memory_space<vmem>> -> memref<1x64x128xf32, #tpu.memory_space<vmem>>
    %dma_start3A_1072 = tpu.memref_squeeze %dma_start3A_1071 : memref<1x64x128xf32, #tpu.memory_space<vmem>> -> memref<64x128xf32, #tpu.memory_space<vmem>>
    tpu.enqueue_dma source(%dma_start3A_1072 : memref<64x128xf32, #tpu.memory_space<vmem>>) target(%dma_start3A_1068 : memref<64x128xf32, #tpu.memory_space<hbm>>) target_semaphore(%arg19 : memref<!tpu.dma_semaphore, #tpu.memory_space<semaphore_mem>>)
    %dma_wait3A_1073 = arith.constant 0 : i32
    %dma_wait3A_1074 = arith.constant 0 : i32
    %dma_wait3A_1075 = arith.constant 0 : i32
    %dma_wait3A_1076 = tpu.memref_slice %arg11[%dma_wait3A_1073, %dma_wait3A_1074, %dma_wait3A_1075] : memref<2x64x128xf32, #tpu.memory_space<vmem>> -> memref<1x64x128xf32, #tpu.memory_space<vmem>>
    %dma_wait3A_1077 = tpu.memref_squeeze %dma_wait3A_1076 : memref<1x64x128xf32, #tpu.memory_space<vmem>> -> memref<64x128xf32, #tpu.memory_space<vmem>>
    %dma_wait3A_1078 = arith.constant 0 : i32
    %dma_wait3A_1079 = arith.constant 0 : i32
    %dma_wait3A_1080 = tpu.memref_slice %arg6[%add3A_966, %dma_wait3A_1078, %dma_wait3A_1079] : memref<256x64x128xf32, #tpu.memory_space<hbm>> -> memref<1x64x128xf32, #tpu.memory_space<hbm>>
    %dma_wait3A_1081 = tpu.memref_squeeze %dma_wait3A_1080 : memref<1x64x128xf32, #tpu.memory_space<hbm>> -> memref<64x128xf32, #tpu.memory_space<hbm>>
    %dma_wait3A_1082 = arith.constant 0 : i32
    %dma_wait3A_1083 = arith.constant 0 : i32
    %dma_wait3A_1084 = tpu.memref_slice %arg6[%add3A_966, %dma_wait3A_1082, %dma_wait3A_1083] : memref<256x64x128xf32, #tpu.memory_space<hbm>> -> memref<1x64x128xf32, #tpu.memory_space<hbm>>
    %dma_wait3A_1085 = tpu.memref_squeeze %dma_wait3A_1084 : memref<1x64x128xf32, #tpu.memory_space<hbm>> -> memref<64x128xf32, #tpu.memory_space<hbm>>
    %dma_wait3A_1086 = arith.constant 0 : i32
    %dma_wait3A_1087 = arith.constant 0 : i32
    %dma_wait3A_1088 = tpu.memref_slice %arg11[%dma_wait3A_1073, %dma_wait3A_1086, %dma_wait3A_1087] : memref<2x64x128xf32, #tpu.memory_space<vmem>> -> memref<1x64x128xf32, #tpu.memory_space<vmem>>
    %dma_wait3A_1089 = tpu.memref_squeeze %dma_wait3A_1088 : memref<1x64x128xf32, #tpu.memory_space<vmem>> -> memref<64x128xf32, #tpu.memory_space<vmem>>
    tpu.wait_dma2 semaphore(%arg18 : memref<!tpu.dma_semaphore, #tpu.memory_space<semaphore_mem>>) src(%dma_wait3A_1089 : memref<64x128xf32, #tpu.memory_space<vmem>>) dst(%dma_wait3A_1085 : memref<64x128xf32, #tpu.memory_space<hbm>>)
    %dma_wait3A_1090 = arith.constant 1 : i32
    %dma_wait3A_1091 = arith.constant 0 : i32
    %dma_wait3A_1092 = arith.constant 0 : i32
    %dma_wait3A_1093 = tpu.memref_slice %arg11[%dma_wait3A_1090, %dma_wait3A_1091, %dma_wait3A_1092] : memref<2x64x128xf32, #tpu.memory_space<vmem>> -> memref<1x64x128xf32, #tpu.memory_space<vmem>>
    %dma_wait3A_1094 = tpu.memref_squeeze %dma_wait3A_1093 : memref<1x64x128xf32, #tpu.memory_space<vmem>> -> memref<64x128xf32, #tpu.memory_space<vmem>>
    %dma_wait3A_1095 = arith.constant 0 : i32
    %dma_wait3A_1096 = arith.constant 0 : i32
    %dma_wait3A_1097 = tpu.memref_slice %arg6[%add3A_1055, %dma_wait3A_1095, %dma_wait3A_1096] : memref<256x64x128xf32, #tpu.memory_space<hbm>> -> memref<1x64x128xf32, #tpu.memory_space<hbm>>
    %dma_wait3A_1098 = tpu.memref_squeeze %dma_wait3A_1097 : memref<1x64x128xf32, #tpu.memory_space<hbm>> -> memref<64x128xf32, #tpu.memory_space<hbm>>
    %dma_wait3A_1099 = arith.constant 0 : i32
    %dma_wait3A_1100 = arith.constant 0 : i32
    %dma_wait3A_1101 = tpu.memref_slice %arg6[%add3A_1055, %dma_wait3A_1099, %dma_wait3A_1100] : memref<256x64x128xf32, #tpu.memory_space<hbm>> -> memref<1x64x128xf32, #tpu.memory_space<hbm>>
    %dma_wait3A_1102 = tpu.memref_squeeze %dma_wait3A_1101 : memref<1x64x128xf32, #tpu.memory_space<hbm>> -> memref<64x128xf32, #tpu.memory_space<hbm>>
    %dma_wait3A_1103 = arith.constant 0 : i32
    %dma_wait3A_1104 = arith.constant 0 : i32
    %dma_wait3A_1105 = tpu.memref_slice %arg11[%dma_wait3A_1090, %dma_wait3A_1103, %dma_wait3A_1104] : memref<2x64x128xf32, #tpu.memory_space<vmem>> -> memref<1x64x128xf32, #tpu.memory_space<vmem>>
    %dma_wait3A_1106 = tpu.memref_squeeze %dma_wait3A_1105 : memref<1x64x128xf32, #tpu.memory_space<vmem>> -> memref<64x128xf32, #tpu.memory_space<vmem>>
    tpu.wait_dma2 semaphore(%arg19 : memref<!tpu.dma_semaphore, #tpu.memory_space<semaphore_mem>>) src(%dma_wait3A_1106 : memref<64x128xf32, #tpu.memory_space<vmem>>) dst(%dma_wait3A_1102 : memref<64x128xf32, #tpu.memory_space<hbm>>)
    return
  }
}

</mosaic_0001>

<sc_bundles>
// kernel: kernel.3.cloned.1.call-start
scs
__scs_entry_jumppad:
0x0: {  	(pc) =	sbr.rel $0x88, $3  }
0x1: {  	(tag) =	ssettag $0x0;
	lr =	simm.s32 $0x1  }
0x2: {  	[smem:$0x3F9E] =	sst lr;
	_ =	strace $0xD0000000  }
0x3: {  	_ = 	snop  }
0x4: {  	_ = 	snop  }
0x5: {  	_ = 	snop  }
0x6: {  	_ = 	snop  }
0x7: {  	_ = 	snop  }
__scs_overlays_trampoline_lowered:
0x8: {  	[smem:$0x3FAD] =	sst s0  }
0x9: {  	[smem:$0x3FAE] =	sst s1  }
0xa: {  	[smem:$0x3FAF] =	sst s2  }
0xb: {  	[smem:$0x3FB0] =	sst s3  }
0xc: {  	[smem:$0x3FB1] =	sst s4  }
0xd: {  	[smem:$0x3FB2] =	sst s5  }
0xe: {  	[smem:$0x3FB3] =	sst s6  }
0xf: {  	[smem:$0x3FB4] =	sst s7  }
0x10: {  	[smem:$0x3FB5] =	sst s8  }
0x11: {  	[smem:$0x3FB6] =	sst s9;
	s0 =	simm.s32 @!p0 $0x0  }
0x12: {  	s1 =	sld [smem:$0x3F9C];
	s0 =	simm.s32 @p0 $0x1  }
0x13: {  	[smem:$0x3FB7] =	sst s0;
	s0 =	simm.s32 @!p1 $0x0  }
0x14: {  	s2 =	sld [smem:$0x3F9B];
	s0 =	simm.s32 @p1 $0x1  }
0x15: {  	[smem:$0x3FB8] =	sst s0;
	s0 =	simm.s32 @!p2 $0x0  }
0x16: {  	s3 =	sld [smem:$0x3FDB];
	s0 =	simm.s32 @p2 $0x1  }
0x17: {  	s4 =	simm.s32 $0x1BF5;
	[smem:$0x3FBA] =	sst s0  }
0x18: {  	s0 =	sld [smem:$0x3F9D];
	_ =	swait.ge [sflag:s4], $0x0  }
0x19: {  	s7 =	sld [smem:$0x3F9E]  }
0x1a: {  	s8 =	sadd.s32 $0xFFFFE003, lr  }
0x1b: {  	s9 =	sadd.s32 $0xFFFFFEF7, lr;
	s5 =	simm.s32 $0xFFFFFFFF;
	p2 =	slt.u32 s8, $0xFFFFF086  }
0x1c: {  	p1 =	slt.u32 s9, $0xF7A;
	s5 =	simm.s32 @!p2 $0x0  }
0x1d: {  	s5 =	simm.s32 @p1 $0x1;
	p0 =	seq.s32 s7, s2  }
0x1e: {  	s7 =	smul.u32 @!p0 $0xF7A, s2;
	p2 =	seq.s32 @!p0 s5, $0x0  }
0x1f: {  	s9 =	smul.u32 $0xF7A, s1;
	s8 =	simm.s32 @!p0 $0x1BF5;
	p2 =	por !p2, p0  }
0x20: {  	[sflag:s8] =	ssyncset.s32 @!p0 $0xFFFFF086;
	s6 =	sadd.s32 @!p0 s3, s7;
	s7 =	simm.s32 @!p0 $0x108  }
0x21: {  	s3 =	sadd.s32 s3, s9;
	s6 =	sadd.s32 @!p0 $0x88, s6;
	s7 =	simm.s32 @p2 $0x1082  }
0x22: {  	[simem:s7], [sflag:s8] =	dma.local @!p0 [hbm:s6], $0xF7A  }
0x23: {  	s9 =	sor.u32 $0xD0000000, s2;
	s6 =	simm.s32 $0x108;
	_ =	swait.ge @!p0 [sflag:s8], $0x0  }
0x24: {  	s3 =	sadd.s32 $0x88, s3;
	s6 =	simm.s32 @!p1 $0x1082;
	[sflag:s4] =	ssyncset.s32 $0xFFFFF086  }
0x25: {  	[simem:s6], [sflag:s4] =	dma.local [hbm:s3], $0xF7A  }
0x26: {  	[smem:$0x3F9E] =	sst s1;
	(tag) =	ssettag s2;
	_ =	strace s9  }
0x27: {  	s1 =	sld [smem:$0x3FAE]  }
0x28: {  	s2 =	sld [smem:$0x3FAF]  }
0x29: {  	s4 =	sld [smem:$0x3FB1]  }
0x2a: {  	p0 =	seq.s32 s5, $0x0;
	s5 =	sld [smem:$0x3FB2]  }
0x2b: {  	s6 =	sld [smem:$0x3FB3]  }
0x2c: {  	s7 =	sld [smem:$0x3FB4]  }
0x2d: {  	s3 =	simm.s32 $0x108;
	s8 =	sld [smem:$0x3FB5]  }
0x2e: {  	s3 =	simm.s32 @!p0 $0x1082;
	s9 =	sld [smem:$0x3FB6]  }
0x2f: {  	lr =	sadd.s32 s0, s3;
	s0 =	sld [smem:$0x3FAD]  }
0x30: {  	s3 =	sld [smem:$0x3FB0]  }
0x31: {  	[smem:$0x3FB9] =	sst s10  }
0x32: {  	s10 =	sld [smem:$0x3FB7];
	_ =	sdelay $0x3  }
0x33: {  	p0 =	seq.s32 s10, $0x1;
	s10 =	sld [smem:$0x3FB9];
	_ =	sdelay $0x3  }
0x34: {  	[smem:$0x3FB9] =	sst s10  }
0x35: {  	s10 =	sld [smem:$0x3FB8];
	_ =	sdelay $0x3  }
0x36: {  	p1 =	seq.s32 s10, $0x1;
	s10 =	sld [smem:$0x3FB9];
	_ =	sdelay $0x3  }
0x37: {  	[smem:$0x3FB9] =	sst s10  }
0x38: {  	s10 =	sld [smem:$0x3FBA]  }
0x39: {  	_ = 	snop;
	(pc) =	sbr.ind lr, $3  }
0x3a: {  	_ = 	snop  }
0x3b: {  	_ = 	snop  }
0x3c: {  	p2 =	seq.s32 s10, $0x1;
	s10 =	sld [smem:$0x3FB9]  }
0x3d: {  	_ =	shalt  }
0x3e: {  	_ =	shalt  }
0x3f: {  	_ =	shalt  }
0x40: {  	_ =	shalt  }
0x41: {  	_ =	shalt  }
0x42: {  	_ =	shalt  }
0x43: {  	_ =	shalt  }
0x44: {  	_ =	shalt  }
0x45: {  	_ =	shalt  }
0x46: {  	_ =	shalt  }
0x47: {  	_ =	shalt  }
0x48: {  	_ =	shalt  }
0x49: {  	_ =	shalt  }
0x4a: {  	_ =	shalt  }
0x4b: {  	_ =	shalt  }
0x4c: {  	_ =	shalt  }
0x4d: {  	_ =	shalt  }
0x4e: {  	_ =	shalt  }
0x4f: {  	_ =	shalt  }
0x50: {  	_ =	shalt  }
0x51: {  	_ =	shalt  }
0x52: {  	_ =	shalt  }
0x53: {  	_ =	shalt  }
0x54: {  	_ =	shalt  }
0x55: {  	_ =	shalt  }
0x56: {  	_ =	shalt  }
0x57: {  	_ =	shalt  }
0x58: {  	_ =	shalt  }
0x59: {  	_ =	shalt  }
0x5a: {  	_ =	shalt  }
0x5b: {  	_ =	shalt  }
0x5c: {  	_ =	shalt  }
0x5d: {  	_ =	shalt  }
0x5e: {  	_ =	shalt  }
0x5f: {  	_ =	shalt  }
0x60: {  	_ =	shalt  }
0x61: {  	_ =	shalt  }
0x62: {  	_ =	shalt  }
0x63: {  	_ =	shalt  }
0x64: {  	_ =	shalt  }
0x65: {  	_ =	shalt  }
0x66: {  	_ =	shalt  }
0x67: {  	_ =	shalt  }
0x68: {  	_ =	shalt  }
0x69: {  	_ =	shalt  }
0x6a: {  	_ =	shalt  }
0x6b: {  	_ =	shalt  }
0x6c: {  	_ =	shalt  }
0x6d: {  	_ =	shalt  }
0x6e: {  	_ =	shalt  }
0x6f: {  	_ =	shalt  }
0x70: {  	_ =	shalt  }
0x71: {  	_ =	shalt  }
0x72: {  	_ =	shalt  }
0x73: {  	_ =	shalt  }
0x74: {  	_ =	shalt  }
0x75: {  	_ =	shalt  }
0x76: {  	_ =	shalt  }
0x77: {  	_ =	shalt  }
0x78: {  	_ =	shalt  }
0x79: {  	_ =	shalt  }
0x7a: {  	_ =	shalt  }
0x7b: {  	_ =	shalt  }
0x7c: {  	_ =	shalt  }
0x7d: {  	_ =	shalt  }
0x7e: {  	_ =	shalt  }
0x7f: {  	_ =	shalt  }
0x80: {  	_ =	shalt  }
0x81: {  	_ =	shalt  }
0x82: {  	_ =	shalt  }
0x83: {  	_ =	shalt  }
0x84: {  	_ =	shalt  }
0x85: {  	_ =	shalt  }
0x86: {  	_ =	shalt  }
0x87: {  	_ =	shalt  }
.Lfunc_end0:
.L_simem_size_0:
called_computation_lowered:
.L_overlay_start_0:
0x88: {  	s2 =	sld [smem:$0x3FD9]  }
0x89: {  	s3 =	sld [smem:$0x3FFE];
	_ =	sdelay $0x1  }
0x8a: {  	s1 =	srdreg.scid  }
0x8b: {  	s0 =	sand.u32 $0x1, s1  }
0x8c: {  	s17 =	sshll.u32 s0, $0xA;
	s2 =	sadd.s32 s3, s2  }
0x8d: {  	s2 =	sadd.s32 s2, s17  }
0x8e: {  	[smem:$0x3FC5] =	sst s2  }
0x8f: {  	_ = 	snop  }
0x90: {  	s2 =	sld [smem:$0x3FD0];
	(tm) =	ssettm $0x1  }
0x91: {  	s18 =	sld [smem:$0x3FFB];
	_ =	sdelay $0x3  }
0x92: {  	_ =	strace s18  }
0x93: {  	s3 =	sld [smem:$0x3FFC];
	_ =	sdelay $0x3  }
0x94: {  	_ =	strace s3  }
0x95: {  	s3 =	sld [smem:$0x3FFD];
	_ =	sdelay $0x3  }
0x96: {  	_ =	strace s3  }
0x97: {  	_ =	strace $0x8FFFFFFF  }
0x98: {  	s19 =	sld [smem:$0x3FDB];
	_ =	sdelay $0x1  }
0x99: {  	s4 =	simm.s32 $_scs_section_size  }
0x9a: {  	s5 =	simm.s32 $_size__tile_overlayer_lowered;
	s6 =	simm.s32 $_tile_overlayer_lowered  }
0x9b: {  	s22 =	simm.s32 $0x1BFF;
	s21 =	sshll.u32 s6, $0x1;
	s3 =	sadd.s32 s4, s19  }
0x9c: {  	s7 =	simm.s32 $0x0;
	s20 =	sshll.u32 s5, $0x1;
	s5 =	sadd.s32 s21, s3  }
0x9d: {  	[timem:s7], [sflag:s22] =	dma.local [hbm:s5], s20  }
0x9e: {  	_ =	swait.ge [sflag:s22], s20  }
0x9f: {  	s4 =	ssub.s32 $0x0, s20;
	[sflag:s22] =	ssyncset.done $0x0  }
0xa0: {  	[sflag:s22] =	ssyncadd.s32 s4;
	_ =	sdelay $0x1  }
0xa1: {  	s23 =	simm.s32 $0x1B8B  }
0xa2: {  	_ =	swait.ge [sflag:s23], $0x1  }
0xa3: {  	[sflag:s23] =	ssyncset.done $0x0  }
0xa4: {  	s25 =	simm.s32 $0x1B8E;
	s24 =	sld [smem:$0x3FFE];
	[sflag:s23] =	ssyncadd.s32 $0xFFFFFFFF  }
0xa5: {  	s26 =	simm.s32 $execute0_lowered;
	[smem:$0x3FD2] =	sst s25  }
0xa6: {  	s5 =	sshll.u32 s26, $0x1;
	_ =	strace $0x80000046;
	[dreg:$0x1] =	wrdreg $0xFFFFFFFF  }
0xa7: {  	s28 =	simm.s32 $_size_execute0_lowered;
	s3 =	sadd.s32 s3, s5;
	[dreg:$0x0] =	wrdreg $0x0  }
0xa8: {  	s5 =	sshll.u32 s28, $0x1;
	[dreg:$0x2] =	wrdreg s3  }
0xa9: {  	[dreg:$0x3] =	wrdreg s5  }
0xaa: {  	[dreg:$0x4] =	wrdreg $0xC0  }
0xab: {  	_ =	task [dreg:s7], $0x5FFFF  }
0xac: {  	[dreg:$0x1] =	wrdreg $0xFFFFFFFF  }
0xad: {  	[dreg:$0x0] =	wrdreg $0x60  }
0xae: {  	[dreg:$0x2] =	wrdreg s24  }
0xaf: {  	[dreg:$0x3] =	wrdreg s2  }
0xb0: {  	[dreg:$0x4] =	wrdreg $0x9  }
0xb1: {  	_ =	task.clear_ibuf [dreg:s7], $0x5FFFF;
	_ =	strace $0x90000046  }
0xb2: {  	s29 =	simm.s32 $0x9;
	_ =	strace $0x80000048  }
0xb3: {  	_ =	swait.ge [sflag:s29], $0x1  }
0xb4: {  	[sflag:s29] =	ssyncadd.s32 $0xFFFFFFFF  }
0xb5: {  	_ =	strace $0x90000048  }
0xb6: {  	_ =	sfence  }
0xb7: {  	s30 =	sld [smem:$0x0];
	_ =	sdelay $0x2  }
0xb8: {  	s31 =	sshll.u32 s1, $0xD;
	s1 =	sshrl.u32 s1, $0x2  }
0xb9: {  	s3 =	sand.u32 $0x4000, s31;
	s1 =	sadd.s32 s1, s30  }
0xba: {  	s0 =	sor.u32 s3, s0;
	s1 =	sshll.u32 s1, $0x11  }
0xbb: {  	s0 =	sor.u32 s1, s0  }
0xbc: {  	s0 =	sadd.s32 $0x8F2B, s0  }
0xbd: {  	[sflag:s0] =	ssyncadd.remote.s32 $0x1  }
0xbe: {  	_ =	sfence.sel $0xFFFF  }
0xbf: {  	[dreg:$0x0] =	wrdreg $0xFFFFFFFF;
	(pc) =	sbr.abs _section_cstart, $3  }
0xc0: {  	[dreg:$0x1] =	wrdreg $0xFFFFFFFF  }
0xc1: {  	_ =	task.clear_ibuf [dreg:s7], $0x2FFFF;
	_ =	strace $0x9FFFFFFF  }
0xc2: {  	(tm) =	ssettm $0x7FFFFFFF  }
0xc3: {  	_ =	shalt  }
tec
execute0_lowered:
.L_overlay_start_1:
0x0: {  	(tag) =	ssettag $0x1  }
0x1: {  	s0 =	rddreg [dreg:$0x0]  }
0x2: {  	s1 =	srdreg.scid;
	s2 =	stileid.u32  }
0x3: {  	s4 =	rddreg [dreg:$0x1];
	s1 =	sand.u32 $0x1, s1;
	s3 =	sshll.u32 s2, $0x1  }
0x4: {  	s31 =	simm.s32 $0x9;
	s2 =	simm.s32 $0x0;
	s3 =	sor.u32 s1, s3  }
0x5: {  	[smem:$0x7FF] =	sst s2;
	s1 =	ssub.s32 $0x2, s1;
	s5 =	sshll.u32 s3, $0x7  }
0x6: {  	_ =	strace $0x80000047;
	s6 =	sshll.u32 s3, $0xE;
	s5 =	sadd.s32 s5, s0  }
0x7: {  	s9 =	sshrl.u32 s1, $0x1;
	s6 =	sadd.s32 s6, s0;
	s5 =	sadd.s32 $0xA00, s5  }
0x8: {  	s1 =	ssub.s32 s1, s9;
	s9 =	sadd.s32 $0x11A00, s6;
	[dreg:$0x3] =	wrdreg s5  }
0x9: {  	s7 =	sshll.u32 s3, $0xD;
	s11 =	sadd.s32 $0x12200, s6;
	[dreg:$0x5] =	wrdreg s9  }
0xa: {  	s3 =	sadd.s32 $0xF43E00, s0;
	s13 =	sadd.s32 $0x12A00, s6;
	[dreg:$0x7] =	wrdreg s11  }
0xb: {  	s8 =	sand.u32 $0xE000, s7;
	s16 =	sadd.s32 $0x13200, s6;
	[dreg:$0x9] =	wrdreg s13  }
0xc: {  	s0 =	sadd.s32 s8, s0;
	s19 =	sadd.s32 $0x13A00, s6;
	[dreg:$0xc] =	wrdreg s16  }
0xd: {  	s22 =	sadd.s32 $0x14200, s6;
	s24 =	sadd.s32 $0x14A00, s6;
	[dreg:$0xf] =	wrdreg s19  }
0xe: {  	s25 =	sadd.s32 $0x15200, s6;
	s26 =	smax.u32 s1, $0x1;
	[dreg:$0x12] =	wrdreg s22  }
0xf: {  	s1 =	simm.s32 $0x80;
	s6 =	simm.s32 $0x12400;
	[dreg:$0x14] =	wrdreg s24  }
0x10: {  	s8 =	sadd.s32 $0x1A00, s0;
	s10 =	sadd.s32 $0x1E00, s0;
	[dreg:$0x16] =	wrdreg s25  }
0x11: {  	s9 =	sadd.s32 s4, s7;
	s12 =	sadd.s32 $0x2200, s0;
	[dreg:$0x17] =	wrdreg s26  }
0x12: {  	s15 =	sadd.s32 $0x2600, s0;
	s18 =	sadd.s32 $0x2A00, s0;
	[dreg:$0x4] =	wrdreg s8  }
0x13: {  	s21 =	sadd.s32 $0x2E00, s0;
	s23 =	sadd.s32 $0x3200, s0;
	[dreg:$0x6] =	wrdreg s10  }
0x14: {  	s0 =	sadd.s32 $0x3600, s0;
	s4 =	simm.s32 $0x10400;
	[dreg:$0x8] =	wrdreg s12  }
0x15: {  	s5 =	simm.s32 $0x4400;
	s7 =	simm.s32 $0xC400;
	[dreg:$0xb] =	wrdreg s15  }
0x16: {  	s11 =	simm.s32 $0x5;
	s13 =	simm.s32 $0x8400;
	[dreg:$0xe] =	wrdreg s18  }
0x17: {  	s16 =	simm.s32 $0x6;
	s19 =	simm.s32 $0x8;
	[dreg:$0x11] =	wrdreg s21  }
0x18: {  	s14 =	sadd.s32 $0x400, s9;
	s17 =	sadd.s32 $0x800, s9;
	[dreg:$0x13] =	wrdreg s23  }
0x19: {  	s20 =	sadd.s32 $0xC00, s9;
	[dreg:$0x15] =	wrdreg s0;
	s26 =	sadd.s32 $0x1000, s9  }
0x1a: {  	s28 =	sadd.s32 $0x1400, s9;
	s29 =	sadd.s32 $0x1800, s9;
	s30 =	sadd.s32 $0x1C00, s9  }
0x1b: {  	s0 =	simm.s32 $0x400;
	s8 =	simm.s32 $0x1;
	[dreg:$0xa] =	wrdreg s14  }
0x1c: {  	s10 =	simm.s32 $0x3;
	s12 =	simm.s32 $0x14400;
	[dreg:$0xd] =	wrdreg s17  }
0x1d: {  	s15 =	simm.s32 $0x4;
	s18 =	simm.s32 $0x7;
	[dreg:$0x10] =	wrdreg s20  }
0x1e: {  	s14 =	simm.s32 $0x2;
	s17 =	simm.s32 $0x16400;
	s20 =	simm.s32 $0x0  }
.LBB2_1:
0x1f: {  	s21 =	rddreg [dreg:$0x3]  }
0x20: {  	[tilespmem:s2], [sflag:$0x9] =	stream.linear.gather [hbm4b:s21+s2], $0x400, $0x38;
	[tilespmem:$0x18400] =	vst v63  }
0x21: {  	_ =	swait.ge [sflag:s31], $0x400  }
0x22: {  	[sflag:s31] =	ssyncset.done $0x0  }
0x23: {  	[sflag:s31] =	ssyncadd.s32 $0xFFFFFC00  }
0x24: {  	[tilespmem:s0], [sflag:$0x1] =	stream.indirect.gather [hbm4b:s3+s1], $0x80, s2, s1, $0xb8;
	[tilespmem:$0x18400] =	vst v63  }
0x25: {  	s22 =	rddreg [dreg:$0x4]  }
0x26: {  	[tilespmem:s4], [sflag:$0x3] =	stream.linear.gather [hbm4b:s22+s2], $0x2000, $0x38;
	[tilespmem:$0x18400] =	vst v63  }
0x27: {  	s23 =	rddreg [dreg:$0x5]  }
0x28: {  	[tilespmem:s13], [sflag:$0x5] =	stream.linear.gather [hbm4b:s23+s2], $0x4000, $0x38;
	[tilespmem:$0x18400] =	vst v63  }
0x29: {  	_ = 	snop  }
0x2a: {  	[tilespmem:s5], [sflag:$0x2] =	stream.indirect.gather [hbm4b:s3+s1], $0x80, s1, s1, $0xb8;
	[tilespmem:$0x18400] =	vst v63  }
0x2b: {  	s24 =	rddreg [dreg:$0x6]  }
0x2c: {  	[tilespmem:s6], [sflag:$0x4] =	stream.linear.gather [hbm4b:s24+s2], $0x2000, $0x38;
	[tilespmem:$0x18400] =	vst v63  }
0x2d: {  	s25 =	rddreg [dreg:$0x7]  }
0x2e: {  	[tilespmem:s7], [sflag:$0x6] =	stream.linear.gather [hbm4b:s25+s2], $0x4000, $0x38;
	[tilespmem:$0x18400] =	vst v63  }
0x2f: {  	_ =	swait.ge [sflag:s8], $0x4000  }
0x30: {  	[sflag:s8] =	ssyncset.done $0x0  }
0x31: {  	[sflag:s8] =	ssyncadd.s32 $0xFFFFC000  }
0x32: {  	_ =	swait.ge [sflag:s10], $0x2000  }
0x33: {  	[sflag:s10] =	ssyncset.done $0x0  }
0x34: {  	[sflag:s10] =	ssyncadd.s32 $0xFFFFE000  }
0x35: {  	_ =	swait.ge [sflag:s11], $0x4000  }
0x36: {  	[sflag:s11] =	ssyncset.done $0x0  }
0x37: {  	[sflag:s11] =	ssyncadd.s32 $0xFFFFC000  }
0x38: {  	s21 =	simm.s32 $0x440;
	v0 =	vld [tilespmem:s13+$0x0]  }
0x39: {  	v1 =	vld [tilespmem:s21+$0x0]  }
0x3a: {  	v2 =	vld [tilespmem:s21+$0xFFFFFFC0];
	_ =	sdelay $0x2  }
0x3b: {  	s22 =	simm.s32 $0x0;
	v3 =	vsub.f32 $1.000000000e+00, v0  }
0x3c: {  	v4 =	vld [tilespmem:s22+$0x10400]  }
0x3d: {  	v1 =	vmul.f32 v1, v0;
	v2 =	vmul.f32 v3, v2;
	_ =	sdelay $0x1  }
0x3e: {  	v1 =	vadd.f32 v1, v2;
	_ =	sdelay $0x1  }
0x3f: {  	v1 =	vadd.f32 v1, v4;
	_ =	sdelay $0x1  }
0x40: {  	[tilespmem:s22+$0x14400] =	vst v1  }
0x41: {  	v1 =	vld [tilespmem:s21+$0xFFFFFFD0]  }
0x42: {  	v2 =	vld [tilespmem:s21+$0x10];
	_ =	sdelay $0x3  }
0x43: {  	v62 =	vld [tilespmem:s22+$0x10410]  }
0x44: {  	v1 =	vmul.f32 v1, v3;
	v2 =	vmul.f32 v2, v0;
	_ =	sdelay $0x1  }
0x45: {  	v1 =	vadd.f32 v2, v1;
	_ =	sdelay $0x1  }
0x46: {  	v1 =	vadd.f32 v1, v62;
	_ =	sdelay $0x1  }
0x47: {  	[tilespmem:s22+$0x14410] =	vst v1  }
0x48: {  	v1 =	vld [tilespmem:s21+$0xFFFFFFE0]  }
0x49: {  	v2 =	vld [tilespmem:s21+$0x20];
	_ =	sdelay $0x3  }
0x4a: {  	v63 =	vld [tilespmem:s22+$0x10420]  }
0x4b: {  	v1 =	vmul.f32 v1, v3;
	v2 =	vmul.f32 v2, v0;
	_ =	sdelay $0x1  }
0x4c: {  	v1 =	vadd.f32 v2, v1;
	_ =	sdelay $0x1  }
0x4d: {  	v1 =	vadd.f32 v1, v63;
	_ =	sdelay $0x1  }
0x4e: {  	[tilespmem:s22+$0x14420] =	vst v1  }
0x4f: {  	v2 =	vld [tilespmem:s21+$0x30]  }
0x50: {  	v1 =	vld [tilespmem:s21+$0xFFFFFFF0];
	_ =	sdelay $0x3  }
0x51: {  	v2 =	vmul.f32 v2, v0;
	v0 =	vld [tilespmem:s22+$0x10430]  }
0x52: {  	v1 =	vmul.f32 v1, v3;
	_ =	sdelay $0x1  }
0x53: {  	s23 =	simm.s32 $0x100;
	s24 =	simm.s32 $0x8400;
	v1 =	vadd.f32 v2, v1  }
.LBB2_2:
0x54: {  	p0 =	sne.s32 s23, $0x7F00;
	s21 =	sadd.s32 $0x80, s21;
	s24 =	sadd.s32 $0x80, s24  }
0x55: {  	s25 =	smov.u32 s23;
	s23 =	sadd.s32 $0x100, s23;
	v0 =	vadd.f32 v1, v0;
	_ =	sdelay $0x1  }
0x56: {  	[tilespmem:s22+$0x14430] =	vst v0  }
0x57: {  	v1 =	vld [tilespmem:s24+$0x0]  }
0x58: {  	v0 =	vld [tilespmem:s21+$0x0]  }
0x59: {  	v2 =	vld [tilespmem:s21+$0xFFFFFFC0];
	_ =	sdelay $0x2  }
0x5a: {  	s22 =	sshra.s32 s25, $0x2;
	v3 =	vsub.f32 $1.000000000e+00, v1  }
0x5b: {  	v0 =	vmul.f32 v0, v1;
	v4 =	vld [tilespmem:s22+$0x10400]  }
0x5c: {  	v2 =	vmul.f32 v3, v2;
	_ =	sdelay $0x1  }
0x5d: {  	v0 =	vadd.f32 v0, v2;
	_ =	sdelay $0x1  }
0x5e: {  	v0 =	vadd.f32 v0, v4;
	_ =	sdelay $0x1  }
0x5f: {  	[tilespmem:s22+$0x14400] =	vst v0  }
0x60: {  	v0 =	vld [tilespmem:s21+$0xFFFFFFD0]  }
0x61: {  	v2 =	vld [tilespmem:s21+$0x10];
	_ =	sdelay $0x2  }
0x62: {  	v4 =	vld [tilespmem:s22+$0x10410]  }
0x63: {  	v0 =	vmul.f32 v0, v3  }
0x64: {  	v2 =	vmul.f32 v2, v1;
	_ =	sdelay $0x1  }
0x65: {  	v0 =	vadd.f32 v2, v0;
	_ =	sdelay $0x1  }
0x66: {  	v0 =	vadd.f32 v0, v4;
	_ =	sdelay $0x1  }
0x67: {  	[tilespmem:s22+$0x14410] =	vst v0  }
0x68: {  	v0 =	vld [tilespmem:s21+$0xFFFFFFE0]  }
0x69: {  	v2 =	vld [tilespmem:s21+$0x20];
	_ =	sdelay $0x1  }
0x6a: {  	v4 =	vld [tilespmem:s22+$0x10420];
	_ =	sdelay $0x1  }
0x6b: {  	v0 =	vmul.f32 v0, v3  }
0x6c: {  	v2 =	vmul.f32 v2, v1;
	_ =	sdelay $0x1  }
0x6d: {  	v0 =	vadd.f32 v2, v0;
	_ =	sdelay $0x1  }
0x6e: {  	v0 =	vadd.f32 v0, v4;
	_ =	sdelay $0x1  }
0x6f: {  	[tilespmem:s22+$0x14420] =	vst v0  }
0x70: {  	v2 =	vld [tilespmem:s21+$0xFFFFFFF0]  }
0x71: {  	v4 =	vld [tilespmem:s21+$0x30]  }
0x72: {  	v0 =	vld [tilespmem:s22+$0x10430];
	_ =	sdelay $0x1  }
.Ltmp0:
0x73: {  	(pc) =	sbr.rel @p0 .LBB2_2-.Ltmp0, $3  }
0x74: {  	v2 =	vmul.f32 v2, v3  }
0x75: {  	v1 =	vmul.f32 v4, v1;
	_ =	sdelay $0x1  }
0x76: {  	v1 =	vadd.f32 v1, v2  }
0x77: {  	_ = 	snop  }
0x78: {  	v0 =	vadd.f32 v1, v0;
	_ =	sdelay $0x1  }
0x79: {  	s21 =	simm.s32 $0x0;
	[tilespmem:s22+$0x14430] =	vst v0  }
0x7a: {  	[hbm4b:s9+s21] =	stream.linear.scatter [tilespmem:s12], [sflag:$0x7], $0x2000, $0x38;
	[tilespmem:$0x18400] =	vst v63  }
0x7b: {  	s23 =	simm.s32 $0x100  }
0x7c: {  	[tilespmem:s0], [sflag:$0x1] =	stream.indirect.gather [hbm4b:s3+s1], $0x80, s23, s1, $0xb8;
	[tilespmem:$0x18400] =	vst v63  }
0x7d: {  	s24 =	rddreg [dreg:$0x8]  }
0x7e: {  	[tilespmem:s4], [sflag:$0x3] =	stream.linear.gather [hbm4b:s24+s21], $0x2000, $0x38;
	[tilespmem:$0x18400] =	vst v63  }
0x7f: {  	s25 =	rddreg [dreg:$0x9]  }
0x80: {  	[tilespmem:s13], [sflag:$0x5] =	stream.linear.gather [hbm4b:s25+s21], $0x4000, $0x38;
	[tilespmem:$0x18400] =	vst v63  }
0x81: {  	_ =	swait.ge [sflag:s14], $0x4000  }
0x82: {  	[sflag:s14] =	ssyncset.done $0x0  }
0x83: {  	[sflag:s14] =	ssyncadd.s32 $0xFFFFC000  }
0x84: {  	_ =	swait.ge [sflag:s15], $0x2000  }
0x85: {  	[sflag:s15] =	ssyncset.done $0x0  }
0x86: {  	[sflag:s15] =	ssyncadd.s32 $0xFFFFE000  }
0x87: {  	_ =	swait.ge [sflag:s16], $0x4000  }
0x88: {  	[sflag:s16] =	ssyncset.done $0x0  }
0x89: {  	s23 =	simm.s32 $0x0;
	[sflag:s16] =	ssyncadd.s32 $0xFFFFC000  }
0x8a: {  	v0 =	vld [tilespmem:s23+$0xC400]  }
0x8b: {  	v1 =	vld [tilespmem:s23+$0x4440]  }
0x8c: {  	v2 =	vld [tilespmem:s23+$0x4400];
	_ =	sdelay $0x2  }
0x8d: {  	s21 =	simm.s32 $0x12430;
	v3 =	vsub.f32 $1.000000000e+00, v0  }
0x8e: {  	v4 =	vld [tilespmem:s21+$0xFFFFFFD0]  }
0x8f: {  	v1 =	vmul.f32 v1, v0;
	v2 =	vmul.f32 v3, v2;
	_ =	sdelay $0x1  }
0x90: {  	v1 =	vadd.f32 v1, v2;
	_ =	sdelay $0x1  }
0x91: {  	v1 =	vadd.f32 v1, v4  }
0x92: {  	s22 =	simm.s32 $0x16430  }
0x93: {  	[tilespmem:s22+$0xFFFFFFD0] =	vst v1  }
0x94: {  	v1 =	vld [tilespmem:s23+$0x4410]  }
0x95: {  	v2 =	vld [tilespmem:s23+$0x4450];
	_ =	sdelay $0x3  }
0x96: {  	v62 =	vld [tilespmem:s21+$0xFFFFFFE0]  }
0x97: {  	v1 =	vmul.f32 v1, v3;
	v2 =	vmul.f32 v2, v0;
	_ =	sdelay $0x1  }
0x98: {  	v1 =	vadd.f32 v2, v1;
	_ =	sdelay $0x1  }
0x99: {  	v1 =	vadd.f32 v1, v62;
	_ =	sdelay $0x1  }
0x9a: {  	[tilespmem:s22+$0xFFFFFFE0] =	vst v1  }
0x9b: {  	v1 =	vld [tilespmem:s23+$0x4420]  }
0x9c: {  	v2 =	vld [tilespmem:s23+$0x4460];
	_ =	sdelay $0x3  }
0x9d: {  	v63 =	vld [tilespmem:s21+$0xFFFFFFF0]  }
0x9e: {  	v1 =	vmul.f32 v1, v3;
	v2 =	vmul.f32 v2, v0;
	_ =	sdelay $0x1  }
0x9f: {  	v1 =	vadd.f32 v2, v1;
	_ =	sdelay $0x1  }
0xa0: {  	v1 =	vadd.f32 v1, v63;
	_ =	sdelay $0x1  }
0xa1: {  	[tilespmem:s22+$0xFFFFFFF0] =	vst v1  }
0xa2: {  	v2 =	vld [tilespmem:s23+$0x4470]  }
0xa3: {  	v1 =	vld [tilespmem:s23+$0x4430];
	_ =	sdelay $0x3  }
0xa4: {  	v2 =	vmul.f32 v2, v0;
	v0 =	vld [tilespmem:s21+$0x0]  }
0xa5: {  	v1 =	vmul.f32 v1, v3;
	_ =	sdelay $0x1  }
0xa6: {  	s24 =	simm.s32 $0x16430;
	s23 =	simm.s32 $0x200;
	v1 =	vadd.f32 v2, v1  }
.LBB2_4:
0xa7: {  	p0 =	sne.s32 s23, $0xFE00;
	s22 =	sadd.s32 $0x40, s22;
	s21 =	sadd.s32 $0x40, s21  }
0xa8: {  	s25 =	smov.u32 s23;
	s23 =	sadd.s32 $0x200, s23;
	v0 =	vadd.f32 v1, v0;
	_ =	sdelay $0x1  }
0xa9: {  	s25 =	sshra.s32 s25, $0x2;
	[tilespmem:s24+$0x0] =	vst v0;
	s24 =	smov.u32 s22  }
0xaa: {  	v1 =	vld [tilespmem:s25+$0xC400]  }
0xab: {  	v0 =	vld [tilespmem:s25+$0x4440]  }
0xac: {  	v2 =	vld [tilespmem:s25+$0x4400];
	_ =	sdelay $0x2  }
0xad: {  	v3 =	vsub.f32 $1.000000000e+00, v1  }
0xae: {  	v0 =	vmul.f32 v0, v1;
	v4 =	vld [tilespmem:s21+$0xFFFFFFD0]  }
0xaf: {  	v2 =	vmul.f32 v3, v2;
	_ =	sdelay $0x1  }
0xb0: {  	v0 =	vadd.f32 v0, v2;
	_ =	sdelay $0x1  }
0xb1: {  	v0 =	vadd.f32 v0, v4;
	_ =	sdelay $0x1  }
0xb2: {  	[tilespmem:s22+$0xFFFFFFD0] =	vst v0  }
0xb3: {  	v0 =	vld [tilespmem:s25+$0x4410]  }
0xb4: {  	v2 =	vld [tilespmem:s25+$0x4450];
	_ =	sdelay $0x2  }
0xb5: {  	v4 =	vld [tilespmem:s21+$0xFFFFFFE0]  }
0xb6: {  	v0 =	vmul.f32 v0, v3  }
0xb7: {  	v2 =	vmul.f32 v2, v1;
	_ =	sdelay $0x1  }
0xb8: {  	v0 =	vadd.f32 v2, v0;
	_ =	sdelay $0x1  }
0xb9: {  	v0 =	vadd.f32 v0, v4;
	_ =	sdelay $0x1  }
0xba: {  	[tilespmem:s22+$0xFFFFFFE0] =	vst v0  }
0xbb: {  	v0 =	vld [tilespmem:s25+$0x4420]  }
0xbc: {  	v2 =	vld [tilespmem:s25+$0x4460];
	_ =	sdelay $0x1  }
0xbd: {  	v4 =	vld [tilespmem:s21+$0xFFFFFFF0];
	_ =	sdelay $0x1  }
0xbe: {  	v0 =	vmul.f32 v0, v3  }
0xbf: {  	v2 =	vmul.f32 v2, v1;
	_ =	sdelay $0x1  }
0xc0: {  	v0 =	vadd.f32 v2, v0;
	_ =	sdelay $0x1  }
0xc1: {  	v0 =	vadd.f32 v0, v4;
	_ =	sdelay $0x1  }
0xc2: {  	[tilespmem:s22+$0xFFFFFFF0] =	vst v0  }
0xc3: {  	v2 =	vld [tilespmem:s25+$0x4430]  }
0xc4: {  	v4 =	vld [tilespmem:s25+$0x4470]  }
0xc5: {  	v0 =	vld [tilespmem:s21+$0x0];
	_ =	sdelay $0x1  }
.Ltmp1:
0xc6: {  	(pc) =	sbr.rel @p0 .LBB2_4-.Ltmp1, $3  }
0xc7: {  	v2 =	vmul.f32 v2, v3  }
0xc8: {  	v1 =	vmul.f32 v4, v1;
	_ =	sdelay $0x1  }
0xc9: {  	v1 =	vadd.f32 v1, v2  }
0xca: {  	_ = 	snop  }
0xcb: {  	v0 =	vadd.f32 v1, v0;
	_ =	sdelay $0x1  }
0xcc: {  	s21 =	simm.s32 $0x0;
	s22 =	rddreg [dreg:$0xa];
	[tilespmem:s24+$0x0] =	vst v0  }
0xcd: {  	[hbm4b:s22+s21] =	stream.linear.scatter [tilespmem:s17], [sflag:$0x8], $0x2000, $0x38;
	[tilespmem:$0x18400] =	vst v63  }
0xce: {  	s23 =	simm.s32 $0x180  }
0xcf: {  	[tilespmem:s5], [sflag:$0x2] =	stream.indirect.gather [hbm4b:s3+s1], $0x80, s23, s1, $0xb8;
	[tilespmem:$0x18400] =	vst v63  }
0xd0: {  	s24 =	rddreg [dreg:$0xb]  }
0xd1: {  	[tilespmem:s6], [sflag:$0x4] =	stream.linear.gather [hbm4b:s24+s21], $0x2000, $0x38;
	[tilespmem:$0x18400] =	vst v63  }
0xd2: {  	s25 =	rddreg [dreg:$0xc]  }
0xd3: {  	[tilespmem:s7], [sflag:$0x6] =	stream.linear.gather [hbm4b:s25+s21], $0x4000, $0x38;
	[tilespmem:$0x18400] =	vst v63  }
0xd4: {  	_ =	swait.ge [sflag:s8], $0x4000  }
0xd5: {  	[sflag:s8] =	ssyncset.done $0x0  }
0xd6: {  	[sflag:s8] =	ssyncadd.s32 $0xFFFFC000  }
0xd7: {  	_ =	swait.ge [sflag:s10], $0x2000  }
0xd8: {  	[sflag:s10] =	ssyncset.done $0x0  }
0xd9: {  	[sflag:s10] =	ssyncadd.s32 $0xFFFFE000  }
0xda: {  	_ =	swait.ge [sflag:s11], $0x4000  }
0xdb: {  	[sflag:s11] =	ssyncset.done $0x0  }
0xdc: {  	[sflag:s11] =	ssyncadd.s32 $0xFFFFC000  }
0xdd: {  	_ =	swait.ge [sflag:s18], $0x2000  }
0xde: {  	[sflag:s18] =	ssyncset.done $0x0  }
0xdf: {  	s21 =	simm.s32 $0x8400;
	[sflag:s18] =	ssyncadd.s32 $0xFFFFE000  }
0xe0: {  	s22 =	simm.s32 $0x440;
	v0 =	vld [tilespmem:s21+$0x0]  }
0xe1: {  	v1 =	vld [tilespmem:s22+$0x0]  }
0xe2: {  	v2 =	vld [tilespmem:s22+$0xFFFFFFC0];
	_ =	sdelay $0x2  }
0xe3: {  	s23 =	simm.s32 $0x0;
	v3 =	vsub.f32 $1.000000000e+00, v0  }
0xe4: {  	v4 =	vld [tilespmem:s23+$0x10400]  }
0xe5: {  	v1 =	vmul.f32 v1, v0;
	v2 =	vmul.f32 v3, v2;
	_ =	sdelay $0x1  }
0xe6: {  	v1 =	vadd.f32 v1, v2;
	_ =	sdelay $0x1  }
0xe7: {  	v1 =	vadd.f32 v1, v4;
	_ =	sdelay $0x1  }
0xe8: {  	[tilespmem:s23+$0x14400] =	vst v1  }
0xe9: {  	v1 =	vld [tilespmem:s22+$0xFFFFFFD0]  }
0xea: {  	v2 =	vld [tilespmem:s22+$0x10];
	_ =	sdelay $0x3  }
0xeb: {  	v62 =	vld [tilespmem:s23+$0x10410]  }
0xec: {  	v1 =	vmul.f32 v1, v3;
	v2 =	vmul.f32 v2, v0;
	_ =	sdelay $0x1  }
0xed: {  	v1 =	vadd.f32 v2, v1;
	_ =	sdelay $0x1  }
0xee: {  	v1 =	vadd.f32 v1, v62;
	_ =	sdelay $0x1  }
0xef: {  	[tilespmem:s23+$0x14410] =	vst v1  }
0xf0: {  	v1 =	vld [tilespmem:s22+$0xFFFFFFE0]  }
0xf1: {  	v2 =	vld [tilespmem:s22+$0x20];
	_ =	sdelay $0x3  }
0xf2: {  	v63 =	vld [tilespmem:s23+$0x10420]  }
0xf3: {  	v1 =	vmul.f32 v1, v3;
	v2 =	vmul.f32 v2, v0;
	_ =	sdelay $0x1  }
0xf4: {  	v1 =	vadd.f32 v2, v1;
	_ =	sdelay $0x1  }
0xf5: {  	v1 =	vadd.f32 v1, v63;
	_ =	sdelay $0x1  }
0xf6: {  	[tilespmem:s23+$0x14420] =	vst v1  }
0xf7: {  	v2 =	vld [tilespmem:s22+$0x30]  }
0xf8: {  	v1 =	vld [tilespmem:s22+$0xFFFFFFF0];
	_ =	sdelay $0x3  }
0xf9: {  	v2 =	vmul.f32 v2, v0;
	v0 =	vld [tilespmem:s23+$0x10430]  }
0xfa: {  	v1 =	vmul.f32 v1, v3;
	_ =	sdelay $0x1  }
0xfb: {  	s24 =	simm.s32 $0x100;
	v1 =	vadd.f32 v2, v1  }
.LBB2_6:
0xfc: {  	p0 =	sne.s32 s24, $0x7F00;
	s22 =	sadd.s32 $0x80, s22;
	s21 =	sadd.s32 $0x80, s21  }
0xfd: {  	s25 =	smov.u32 s24;
	s24 =	sadd.s32 $0x100, s24;
	v0 =	vadd.f32 v1, v0;
	_ =	sdelay $0x1  }
0xfe: {  	[tilespmem:s23+$0x14430] =	vst v0  }
0xff: {  	v1 =	vld [tilespmem:s21+$0x0]  }
0x100: {  	v0 =	vld [tilespmem:s22+$0x0]  }
0x101: {  	v2 =	vld [tilespmem:s22+$0xFFFFFFC0];
	_ =	sdelay $0x2  }
0x102: {  	s23 =	sshra.s32 s25, $0x2;
	v3 =	vsub.f32 $1.000000000e+00, v1  }
0x103: {  	v0 =	vmul.f32 v0, v1;
	v4 =	vld [tilespmem:s23+$0x10400]  }
0x104: {  	v2 =	vmul.f32 v3, v2;
	_ =	sdelay $0x1  }
0x105: {  	v0 =	vadd.f32 v0, v2;
	_ =	sdelay $0x1  }
0x106: {  	v0 =	vadd.f32 v0, v4;
	_ =	sdelay $0x1  }
0x107: {  	[tilespmem:s23+$0x14400] =	vst v0  }
0x108: {  	v0 =	vld [tilespmem:s22+$0xFFFFFFD0]  }
0x109: {  	v2 =	vld [tilespmem:s22+$0x10];
	_ =	sdelay $0x2  }
0x10a: {  	v4 =	vld [tilespmem:s23+$0x10410]  }
0x10b: {  	v0 =	vmul.f32 v0, v3  }
0x10c: {  	v2 =	vmul.f32 v2, v1;
	_ =	sdelay $0x1  }
0x10d: {  	v0 =	vadd.f32 v2, v0;
	_ =	sdelay $0x1  }
0x10e: {  	v0 =	vadd.f32 v0, v4;
	_ =	sdelay $0x1  }
0x10f: {  	[tilespmem:s23+$0x14410] =	vst v0  }
0x110: {  	v0 =	vld [tilespmem:s22+$0xFFFFFFE0]  }
0x111: {  	v2 =	vld [tilespmem:s22+$0x20];
	_ =	sdelay $0x1  }
0x112: {  	v4 =	vld [tilespmem:s23+$0x10420];
	_ =	sdelay $0x1  }
0x113: {  	v0 =	vmul.f32 v0, v3  }
0x114: {  	v2 =	vmul.f32 v2, v1;
	_ =	sdelay $0x1  }
0x115: {  	v0 =	vadd.f32 v2, v0;
	_ =	sdelay $0x1  }
0x116: {  	v0 =	vadd.f32 v0, v4;
	_ =	sdelay $0x1  }
0x117: {  	[tilespmem:s23+$0x14420] =	vst v0  }
0x118: {  	v2 =	vld [tilespmem:s22+$0xFFFFFFF0]  }
0x119: {  	v4 =	vld [tilespmem:s22+$0x30]  }
0x11a: {  	v0 =	vld [tilespmem:s23+$0x10430];
	_ =	sdelay $0x1  }
.Ltmp2:
0x11b: {  	(pc) =	sbr.rel @p0 .LBB2_6-.Ltmp2, $3  }
0x11c: {  	v2 =	vmul.f32 v2, v3  }
0x11d: {  	v1 =	vmul.f32 v4, v1;
	_ =	sdelay $0x1  }
0x11e: {  	v1 =	vadd.f32 v1, v2  }
0x11f: {  	_ = 	snop  }
0x120: {  	v0 =	vadd.f32 v1, v0;
	_ =	sdelay $0x1  }
0x121: {  	s21 =	simm.s32 $0x0;
	s22 =	rddreg [dreg:$0xd];
	[tilespmem:s23+$0x14430] =	vst v0  }
0x122: {  	[hbm4b:s22+s21] =	stream.linear.scatter [tilespmem:s12], [sflag:$0x7], $0x2000, $0x38;
	[tilespmem:$0x18400] =	vst v63  }
0x123: {  	s25 =	simm.s32 $0x200  }
0x124: {  	[tilespmem:s0], [sflag:$0x1] =	stream.indirect.gather [hbm4b:s3+s1], $0x80, s25, s1, $0xb8;
	[tilespmem:$0x18400] =	vst v63  }
0x125: {  	s23 =	rddreg [dreg:$0xe]  }
0x126: {  	[tilespmem:s4], [sflag:$0x3] =	stream.linear.gather [hbm4b:s23+s21], $0x2000, $0x38;
	[tilespmem:$0x18400] =	vst v63  }
0x127: {  	s24 =	rddreg [dreg:$0xf]  }
0x128: {  	[tilespmem:s13], [sflag:$0x5] =	stream.linear.gather [hbm4b:s24+s21], $0x4000, $0x38;
	[tilespmem:$0x18400] =	vst v63  }
0x129: {  	_ =	swait.ge [sflag:s14], $0x4000  }
0x12a: {  	[sflag:s14] =	ssyncset.done $0x0  }
0x12b: {  	[sflag:s14] =	ssyncadd.s32 $0xFFFFC000  }
0x12c: {  	_ =	swait.ge [sflag:s15], $0x2000  }
0x12d: {  	[sflag:s15] =	ssyncset.done $0x0  }
0x12e: {  	[sflag:s15] =	ssyncadd.s32 $0xFFFFE000  }
0x12f: {  	_ =	swait.ge [sflag:s16], $0x4000  }
0x130: {  	[sflag:s16] =	ssyncset.done $0x0  }
0x131: {  	[sflag:s16] =	ssyncadd.s32 $0xFFFFC000  }
0x132: {  	_ =	swait.ge [sflag:s19], $0x2000  }
0x133: {  	[sflag:s19] =	ssyncset.done $0x0  }
0x134: {  	s25 =	simm.s32 $0x0;
	[sflag:s19] =	ssyncadd.s32 $0xFFFFE000  }
0x135: {  	v0 =	vld [tilespmem:s25+$0xC400]  }
0x136: {  	v1 =	vld [tilespmem:s25+$0x4440]  }
0x137: {  	v2 =	vld [tilespmem:s25+$0x4400];
	_ =	sdelay $0x2  }
0x138: {  	s21 =	simm.s32 $0x12430;
	v3 =	vsub.f32 $1.000000000e+00, v0  }
0x139: {  	v4 =	vld [tilespmem:s21+$0xFFFFFFD0]  }
0x13a: {  	v1 =	vmul.f32 v1, v0;
	v2 =	vmul.f32 v3, v2;
	_ =	sdelay $0x1  }
0x13b: {  	v1 =	vadd.f32 v1, v2;
	_ =	sdelay $0x1  }
0x13c: {  	v1 =	vadd.f32 v1, v4  }
0x13d: {  	s22 =	simm.s32 $0x16430  }
0x13e: {  	[tilespmem:s22+$0xFFFFFFD0] =	vst v1  }
0x13f: {  	v1 =	vld [tilespmem:s25+$0x4410]  }
0x140: {  	v2 =	vld [tilespmem:s25+$0x4450];
	_ =	sdelay $0x3  }
0x141: {  	v62 =	vld [tilespmem:s21+$0xFFFFFFE0]  }
0x142: {  	v1 =	vmul.f32 v1, v3;
	v2 =	vmul.f32 v2, v0;
	_ =	sdelay $0x1  }
0x143: {  	v1 =	vadd.f32 v2, v1;
	_ =	sdelay $0x1  }
0x144: {  	v1 =	vadd.f32 v1, v62;
	_ =	sdelay $0x1  }
0x145: {  	[tilespmem:s22+$0xFFFFFFE0] =	vst v1  }
0x146: {  	v1 =	vld [tilespmem:s25+$0x4420]  }
0x147: {  	v2 =	vld [tilespmem:s25+$0x4460];
	_ =	sdelay $0x3  }
0x148: {  	v63 =	vld [tilespmem:s21+$0xFFFFFFF0]  }
0x149: {  	v1 =	vmul.f32 v1, v3;
	v2 =	vmul.f32 v2, v0;
	_ =	sdelay $0x1  }
0x14a: {  	v1 =	vadd.f32 v2, v1;
	_ =	sdelay $0x1  }
0x14b: {  	v1 =	vadd.f32 v1, v63;
	_ =	sdelay $0x1  }
0x14c: {  	[tilespmem:s22+$0xFFFFFFF0] =	vst v1  }
0x14d: {  	v2 =	vld [tilespmem:s25+$0x4470]  }
0x14e: {  	v1 =	vld [tilespmem:s25+$0x4430];
	_ =	sdelay $0x3  }
0x14f: {  	v2 =	vmul.f32 v2, v0;
	v0 =	vld [tilespmem:s21+$0x0]  }
0x150: {  	v1 =	vmul.f32 v1, v3;
	_ =	sdelay $0x1  }
0x151: {  	s23 =	simm.s32 $0x200;
	s24 =	simm.s32 $0x16430;
	v1 =	vadd.f32 v2, v1  }
.LBB2_8:
0x152: {  	p0 =	sne.s32 s23, $0xFE00;
	s22 =	sadd.s32 $0x40, s22;
	s21 =	sadd.s32 $0x40, s21  }
0x153: {  	s25 =	smov.u32 s23;
	s23 =	sadd.s32 $0x200, s23;
	v0 =	vadd.f32 v1, v0;
	_ =	sdelay $0x1  }
0x154: {  	s25 =	sshra.s32 s25, $0x2;
	[tilespmem:s24+$0x0] =	vst v0;
	s24 =	smov.u32 s22  }
0x155: {  	v1 =	vld [tilespmem:s25+$0xC400]  }
0x156: {  	v0 =	vld [tilespmem:s25+$0x4440]  }
0x157: {  	v2 =	vld [tilespmem:s25+$0x4400];
	_ =	sdelay $0x2  }
0x158: {  	v3 =	vsub.f32 $1.000000000e+00, v1  }
0x159: {  	v0 =	vmul.f32 v0, v1;
	v4 =	vld [tilespmem:s21+$0xFFFFFFD0]  }
0x15a: {  	v2 =	vmul.f32 v3, v2;
	_ =	sdelay $0x1  }
0x15b: {  	v0 =	vadd.f32 v0, v2;
	_ =	sdelay $0x1  }
0x15c: {  	v0 =	vadd.f32 v0, v4;
	_ =	sdelay $0x1  }
0x15d: {  	[tilespmem:s22+$0xFFFFFFD0] =	vst v0  }
0x15e: {  	v0 =	vld [tilespmem:s25+$0x4410]  }
0x15f: {  	v2 =	vld [tilespmem:s25+$0x4450];
	_ =	sdelay $0x2  }
0x160: {  	v4 =	vld [tilespmem:s21+$0xFFFFFFE0]  }
0x161: {  	v0 =	vmul.f32 v0, v3  }
0x162: {  	v2 =	vmul.f32 v2, v1;
	_ =	sdelay $0x1  }
0x163: {  	v0 =	vadd.f32 v2, v0;
	_ =	sdelay $0x1  }
0x164: {  	v0 =	vadd.f32 v0, v4;
	_ =	sdelay $0x1  }
0x165: {  	[tilespmem:s22+$0xFFFFFFE0] =	vst v0  }
0x166: {  	v0 =	vld [tilespmem:s25+$0x4420]  }
0x167: {  	v2 =	vld [tilespmem:s25+$0x4460];
	_ =	sdelay $0x1  }
0x168: {  	v4 =	vld [tilespmem:s21+$0xFFFFFFF0];
	_ =	sdelay $0x1  }
0x169: {  	v0 =	vmul.f32 v0, v3  }
0x16a: {  	v2 =	vmul.f32 v2, v1;
	_ =	sdelay $0x1  }
0x16b: {  	v0 =	vadd.f32 v2, v0;
	_ =	sdelay $0x1  }
0x16c: {  	v0 =	vadd.f32 v0, v4;
	_ =	sdelay $0x1  }
0x16d: {  	[tilespmem:s22+$0xFFFFFFF0] =	vst v0  }
0x16e: {  	v2 =	vld [tilespmem:s25+$0x4430]  }
0x16f: {  	v4 =	vld [tilespmem:s25+$0x4470]  }
0x170: {  	v0 =	vld [tilespmem:s21+$0x0];
	_ =	sdelay $0x1  }
.Ltmp3:
0x171: {  	(pc) =	sbr.rel @p0 .LBB2_8-.Ltmp3, $3  }
0x172: {  	v2 =	vmul.f32 v2, v3  }
0x173: {  	v1 =	vmul.f32 v4, v1;
	_ =	sdelay $0x1  }
0x174: {  	v1 =	vadd.f32 v1, v2  }
0x175: {  	_ = 	snop  }
0x176: {  	v0 =	vadd.f32 v1, v0;
	_ =	sdelay $0x1  }
0x177: {  	s21 =	simm.s32 $0x0;
	s22 =	rddreg [dreg:$0x10];
	[tilespmem:s24+$0x0] =	vst v0  }
0x178: {  	[hbm4b:s22+s21] =	stream.linear.scatter [tilespmem:s17], [sflag:$0x8], $0x2000, $0x38;
	[tilespmem:$0x18400] =	vst v63  }
0x179: {  	s23 =	simm.s32 $0x280  }
0x17a: {  	[tilespmem:s5], [sflag:$0x2] =	stream.indirect.gather [hbm4b:s3+s1], $0x80, s23, s1, $0xb8;
	[tilespmem:$0x18400] =	vst v63  }
0x17b: {  	s24 =	rddreg [dreg:$0x11]  }
0x17c: {  	[tilespmem:s6], [sflag:$0x4] =	stream.linear.gather [hbm4b:s24+s21], $0x2000, $0x38;
	[tilespmem:$0x18400] =	vst v63  }
0x17d: {  	s25 =	rddreg [dreg:$0x12]  }
0x17e: {  	[tilespmem:s7], [sflag:$0x6] =	stream.linear.gather [hbm4b:s25+s21], $0x4000, $0x38;
	[tilespmem:$0x18400] =	vst v63  }
0x17f: {  	_ =	swait.ge [sflag:s8], $0x4000  }
0x180: {  	[sflag:s8] =	ssyncset.done $0x0  }
0x181: {  	[sflag:s8] =	ssyncadd.s32 $0xFFFFC000  }
0x182: {  	_ =	swait.ge [sflag:s10], $0x2000  }
0x183: {  	[sflag:s10] =	ssyncset.done $0x0  }
0x184: {  	[sflag:s10] =	ssyncadd.s32 $0xFFFFE000  }
0x185: {  	_ =	swait.ge [sflag:s11], $0x4000  }
0x186: {  	[sflag:s11] =	ssyncset.done $0x0  }
0x187: {  	[sflag:s11] =	ssyncadd.s32 $0xFFFFC000  }
0x188: {  	_ =	swait.ge [sflag:s18], $0x2000  }
0x189: {  	[sflag:s18] =	ssyncset.done $0x0  }
0x18a: {  	s21 =	simm.s32 $0x8400;
	[sflag:s18] =	ssyncadd.s32 $0xFFFFE000  }
0x18b: {  	s22 =	simm.s32 $0x440;
	v0 =	vld [tilespmem:s21+$0x0]  }
0x18c: {  	v1 =	vld [tilespmem:s22+$0x0]  }
0x18d: {  	v2 =	vld [tilespmem:s22+$0xFFFFFFC0];
	_ =	sdelay $0x2  }
0x18e: {  	s23 =	simm.s32 $0x0;
	v3 =	vsub.f32 $1.000000000e+00, v0  }
0x18f: {  	v4 =	vld [tilespmem:s23+$0x10400]  }
0x190: {  	v1 =	vmul.f32 v1, v0;
	v2 =	vmul.f32 v3, v2;
	_ =	sdelay $0x1  }
0x191: {  	v1 =	vadd.f32 v1, v2;
	_ =	sdelay $0x1  }
0x192: {  	v1 =	vadd.f32 v1, v4;
	_ =	sdelay $0x1  }
0x193: {  	[tilespmem:s23+$0x14400] =	vst v1  }
0x194: {  	v1 =	vld [tilespmem:s22+$0xFFFFFFD0]  }
0x195: {  	v2 =	vld [tilespmem:s22+$0x10];
	_ =	sdelay $0x3  }
0x196: {  	v62 =	vld [tilespmem:s23+$0x10410]  }
0x197: {  	v1 =	vmul.f32 v1, v3;
	v2 =	vmul.f32 v2, v0;
	_ =	sdelay $0x1  }
0x198: {  	v1 =	vadd.f32 v2, v1;
	_ =	sdelay $0x1  }
0x199: {  	v1 =	vadd.f32 v1, v62;
	_ =	sdelay $0x1  }
0x19a: {  	[tilespmem:s23+$0x14410] =	vst v1  }
0x19b: {  	v1 =	vld [tilespmem:s22+$0xFFFFFFE0]  }
0x19c: {  	v2 =	vld [tilespmem:s22+$0x20];
	_ =	sdelay $0x3  }
0x19d: {  	v63 =	vld [tilespmem:s23+$0x10420]  }
0x19e: {  	v1 =	vmul.f32 v1, v3;
	v2 =	vmul.f32 v2, v0;
	_ =	sdelay $0x1  }
0x19f: {  	v1 =	vadd.f32 v2, v1;
	_ =	sdelay $0x1  }
0x1a0: {  	v1 =	vadd.f32 v1, v63;
	_ =	sdelay $0x1  }
0x1a1: {  	[tilespmem:s23+$0x14420] =	vst v1  }
0x1a2: {  	v2 =	vld [tilespmem:s22+$0x30]  }
0x1a3: {  	v1 =	vld [tilespmem:s22+$0xFFFFFFF0];
	_ =	sdelay $0x3  }
0x1a4: {  	v2 =	vmul.f32 v2, v0;
	v0 =	vld [tilespmem:s23+$0x10430]  }
0x1a5: {  	v1 =	vmul.f32 v1, v3;
	_ =	sdelay $0x1  }
0x1a6: {  	s24 =	simm.s32 $0x100;
	v1 =	vadd.f32 v2, v1  }
.LBB2_10:
0x1a7: {  	p0 =	sne.s32 s24, $0x7F00;
	s22 =	sadd.s32 $0x80, s22;
	s21 =	sadd.s32 $0x80, s21  }
0x1a8: {  	s25 =	smov.u32 s24;
	s24 =	sadd.s32 $0x100, s24;
	v0 =	vadd.f32 v1, v0;
	_ =	sdelay $0x1  }
0x1a9: {  	[tilespmem:s23+$0x14430] =	vst v0  }
0x1aa: {  	v1 =	vld [tilespmem:s21+$0x0]  }
0x1ab: {  	v0 =	vld [tilespmem:s22+$0x0]  }
0x1ac: {  	v2 =	vld [tilespmem:s22+$0xFFFFFFC0];
	_ =	sdelay $0x2  }
0x1ad: {  	s23 =	sshra.s32 s25, $0x2;
	v3 =	vsub.f32 $1.000000000e+00, v1  }
0x1ae: {  	v0 =	vmul.f32 v0, v1;
	v4 =	vld [tilespmem:s23+$0x10400]  }
0x1af: {  	v2 =	vmul.f32 v3, v2;
	_ =	sdelay $0x1  }
0x1b0: {  	v0 =	vadd.f32 v0, v2;
	_ =	sdelay $0x1  }
0x1b1: {  	v0 =	vadd.f32 v0, v4;
	_ =	sdelay $0x1  }
0x1b2: {  	[tilespmem:s23+$0x14400] =	vst v0  }
0x1b3: {  	v0 =	vld [tilespmem:s22+$0xFFFFFFD0]  }
0x1b4: {  	v2 =	vld [tilespmem:s22+$0x10];
	_ =	sdelay $0x2  }
0x1b5: {  	v4 =	vld [tilespmem:s23+$0x10410]  }
0x1b6: {  	v0 =	vmul.f32 v0, v3  }
0x1b7: {  	v2 =	vmul.f32 v2, v1;
	_ =	sdelay $0x1  }
0x1b8: {  	v0 =	vadd.f32 v2, v0;
	_ =	sdelay $0x1  }
0x1b9: {  	v0 =	vadd.f32 v0, v4;
	_ =	sdelay $0x1  }
0x1ba: {  	[tilespmem:s23+$0x14410] =	vst v0  }
0x1bb: {  	v0 =	vld [tilespmem:s22+$0xFFFFFFE0]  }
0x1bc: {  	v2 =	vld [tilespmem:s22+$0x20];
	_ =	sdelay $0x1  }
0x1bd: {  	v4 =	vld [tilespmem:s23+$0x10420];
	_ =	sdelay $0x1  }
0x1be: {  	v0 =	vmul.f32 v0, v3  }
0x1bf: {  	v2 =	vmul.f32 v2, v1;
	_ =	sdelay $0x1  }
0x1c0: {  	v0 =	vadd.f32 v2, v0;
	_ =	sdelay $0x1  }
0x1c1: {  	v0 =	vadd.f32 v0, v4;
	_ =	sdelay $0x1  }
0x1c2: {  	[tilespmem:s23+$0x14420] =	vst v0  }
0x1c3: {  	v2 =	vld [tilespmem:s22+$0xFFFFFFF0]  }
0x1c4: {  	v4 =	vld [tilespmem:s22+$0x30]  }
0x1c5: {  	v0 =	vld [tilespmem:s23+$0x10430];
	_ =	sdelay $0x1  }
.Ltmp4:
0x1c6: {  	(pc) =	sbr.rel @p0 .LBB2_10-.Ltmp4, $3  }
0x1c7: {  	v2 =	vmul.f32 v2, v3  }
0x1c8: {  	v1 =	vmul.f32 v4, v1;
	_ =	sdelay $0x1  }
0x1c9: {  	v1 =	vadd.f32 v1, v2  }
0x1ca: {  	_ = 	snop  }
0x1cb: {  	v0 =	vadd.f32 v1, v0;
	_ =	sdelay $0x1  }
0x1cc: {  	s21 =	simm.s32 $0x0;
	[tilespmem:s23+$0x14430] =	vst v0  }
0x1cd: {  	[hbm4b:s26+s21] =	stream.linear.scatter [tilespmem:s12], [sflag:$0x7], $0x2000, $0x38;
	[tilespmem:$0x18400] =	vst v63  }
0x1ce: {  	s22 =	simm.s32 $0x300  }
0x1cf: {  	[tilespmem:s0], [sflag:$0x1] =	stream.indirect.gather [hbm4b:s3+s1], $0x80, s22, s1, $0xb8;
	[tilespmem:$0x18400] =	vst v63  }
0x1d0: {  	s23 =	rddreg [dreg:$0x13]  }
0x1d1: {  	[tilespmem:s4], [sflag:$0x3] =	stream.linear.gather [hbm4b:s23+s21], $0x2000, $0x38;
	[tilespmem:$0x18400] =	vst v63  }
0x1d2: {  	s24 =	rddreg [dreg:$0x14]  }
0x1d3: {  	[tilespmem:s13], [sflag:$0x5] =	stream.linear.gather [hbm4b:s24+s21], $0x4000, $0x38;
	[tilespmem:$0x18400] =	vst v63  }
0x1d4: {  	_ =	swait.ge [sflag:s14], $0x4000  }
0x1d5: {  	[sflag:s14] =	ssyncset.done $0x0  }
0x1d6: {  	[sflag:s14] =	ssyncadd.s32 $0xFFFFC000  }
0x1d7: {  	_ =	swait.ge [sflag:s15], $0x2000  }
0x1d8: {  	[sflag:s15] =	ssyncset.done $0x0  }
0x1d9: {  	[sflag:s15] =	ssyncadd.s32 $0xFFFFE000  }
0x1da: {  	_ =	swait.ge [sflag:s16], $0x4000  }
0x1db: {  	[sflag:s16] =	ssyncset.done $0x0  }
0x1dc: {  	[sflag:s16] =	ssyncadd.s32 $0xFFFFC000  }
0x1dd: {  	_ =	swait.ge [sflag:s19], $0x2000  }
0x1de: {  	[sflag:s19] =	ssyncset.done $0x0  }
0x1df: {  	s25 =	simm.s32 $0x0;
	[sflag:s19] =	ssyncadd.s32 $0xFFFFE000  }
0x1e0: {  	v0 =	vld [tilespmem:s25+$0xC400]  }
0x1e1: {  	v1 =	vld [tilespmem:s25+$0x4440]  }
0x1e2: {  	v2 =	vld [tilespmem:s25+$0x4400];
	_ =	sdelay $0x2  }
0x1e3: {  	s21 =	simm.s32 $0x12430;
	v3 =	vsub.f32 $1.000000000e+00, v0  }
0x1e4: {  	v4 =	vld [tilespmem:s21+$0xFFFFFFD0]  }
0x1e5: {  	v1 =	vmul.f32 v1, v0;
	v2 =	vmul.f32 v3, v2;
	_ =	sdelay $0x1  }
0x1e6: {  	v1 =	vadd.f32 v1, v2;
	_ =	sdelay $0x1  }
0x1e7: {  	v1 =	vadd.f32 v1, v4  }
0x1e8: {  	s22 =	simm.s32 $0x16430  }
0x1e9: {  	[tilespmem:s22+$0xFFFFFFD0] =	vst v1  }
0x1ea: {  	v1 =	vld [tilespmem:s25+$0x4410]  }
0x1eb: {  	v2 =	vld [tilespmem:s25+$0x4450];
	_ =	sdelay $0x3  }
0x1ec: {  	v62 =	vld [tilespmem:s21+$0xFFFFFFE0]  }
0x1ed: {  	v1 =	vmul.f32 v1, v3;
	v2 =	vmul.f32 v2, v0;
	_ =	sdelay $0x1  }
0x1ee: {  	v1 =	vadd.f32 v2, v1;
	_ =	sdelay $0x1  }
0x1ef: {  	v1 =	vadd.f32 v1, v62;
	_ =	sdelay $0x1  }
0x1f0: {  	[tilespmem:s22+$0xFFFFFFE0] =	vst v1  }
0x1f1: {  	v1 =	vld [tilespmem:s25+$0x4420]  }
0x1f2: {  	v2 =	vld [tilespmem:s25+$0x4460];
	_ =	sdelay $0x3  }
0x1f3: {  	v63 =	vld [tilespmem:s21+$0xFFFFFFF0]  }
0x1f4: {  	v1 =	vmul.f32 v1, v3;
	v2 =	vmul.f32 v2, v0;
	_ =	sdelay $0x1  }
0x1f5: {  	v1 =	vadd.f32 v2, v1;
	_ =	sdelay $0x1  }
0x1f6: {  	v1 =	vadd.f32 v1, v63;
	_ =	sdelay $0x1  }
0x1f7: {  	[tilespmem:s22+$0xFFFFFFF0] =	vst v1  }
0x1f8: {  	v2 =	vld [tilespmem:s25+$0x4470]  }
0x1f9: {  	v1 =	vld [tilespmem:s25+$0x4430];
	_ =	sdelay $0x3  }
0x1fa: {  	v2 =	vmul.f32 v2, v0;
	v0 =	vld [tilespmem:s21+$0x0]  }
0x1fb: {  	v1 =	vmul.f32 v1, v3;
	_ =	sdelay $0x1  }
0x1fc: {  	s23 =	simm.s32 $0x200;
	s24 =	simm.s32 $0x16430;
	v1 =	vadd.f32 v2, v1  }
.LBB2_12:
0x1fd: {  	p0 =	sne.s32 s23, $0xFE00;
	s22 =	sadd.s32 $0x40, s22;
	s21 =	sadd.s32 $0x40, s21  }
0x1fe: {  	s25 =	smov.u32 s23;
	s23 =	sadd.s32 $0x200, s23;
	v0 =	vadd.f32 v1, v0;
	_ =	sdelay $0x1  }
0x1ff: {  	s25 =	sshra.s32 s25, $0x2;
	[tilespmem:s24+$0x0] =	vst v0;
	s24 =	smov.u32 s22  }
0x200: {  	v1 =	vld [tilespmem:s25+$0xC400]  }
0x201: {  	v0 =	vld [tilespmem:s25+$0x4440]  }
0x202: {  	v2 =	vld [tilespmem:s25+$0x4400];
	_ =	sdelay $0x2  }
0x203: {  	v3 =	vsub.f32 $1.000000000e+00, v1  }
0x204: {  	v0 =	vmul.f32 v0, v1;
	v4 =	vld [tilespmem:s21+$0xFFFFFFD0]  }
0x205: {  	v2 =	vmul.f32 v3, v2;
	_ =	sdelay $0x1  }
0x206: {  	v0 =	vadd.f32 v0, v2;
	_ =	sdelay $0x1  }
0x207: {  	v0 =	vadd.f32 v0, v4;
	_ =	sdelay $0x1  }
0x208: {  	[tilespmem:s22+$0xFFFFFFD0] =	vst v0  }
0x209: {  	v0 =	vld [tilespmem:s25+$0x4410]  }
0x20a: {  	v2 =	vld [tilespmem:s25+$0x4450];
	_ =	sdelay $0x2  }
0x20b: {  	v4 =	vld [tilespmem:s21+$0xFFFFFFE0]  }
0x20c: {  	v0 =	vmul.f32 v0, v3  }
0x20d: {  	v2 =	vmul.f32 v2, v1;
	_ =	sdelay $0x1  }
0x20e: {  	v0 =	vadd.f32 v2, v0;
	_ =	sdelay $0x1  }
0x20f: {  	v0 =	vadd.f32 v0, v4;
	_ =	sdelay $0x1  }
0x210: {  	[tilespmem:s22+$0xFFFFFFE0] =	vst v0  }
0x211: {  	v0 =	vld [tilespmem:s25+$0x4420]  }
0x212: {  	v2 =	vld [tilespmem:s25+$0x4460];
	_ =	sdelay $0x1  }
0x213: {  	v4 =	vld [tilespmem:s21+$0xFFFFFFF0];
	_ =	sdelay $0x1  }
0x214: {  	v0 =	vmul.f32 v0, v3  }
0x215: {  	v2 =	vmul.f32 v2, v1;
	_ =	sdelay $0x1  }
0x216: {  	v0 =	vadd.f32 v2, v0;
	_ =	sdelay $0x1  }
0x217: {  	v0 =	vadd.f32 v0, v4;
	_ =	sdelay $0x1  }
0x218: {  	[tilespmem:s22+$0xFFFFFFF0] =	vst v0  }
0x219: {  	v2 =	vld [tilespmem:s25+$0x4430]  }
0x21a: {  	v4 =	vld [tilespmem:s25+$0x4470]  }
0x21b: {  	v0 =	vld [tilespmem:s21+$0x0];
	_ =	sdelay $0x1  }
.Ltmp5:
0x21c: {  	(pc) =	sbr.rel @p0 .LBB2_12-.Ltmp5, $3  }
0x21d: {  	v2 =	vmul.f32 v2, v3  }
0x21e: {  	v1 =	vmul.f32 v4, v1;
	_ =	sdelay $0x1  }
0x21f: {  	v1 =	vadd.f32 v1, v2  }
0x220: {  	_ = 	snop  }
0x221: {  	v0 =	vadd.f32 v1, v0;
	_ =	sdelay $0x1  }
0x222: {  	s21 =	simm.s32 $0x0;
	[tilespmem:s24+$0x0] =	vst v0  }
0x223: {  	[hbm4b:s28+s21] =	stream.linear.scatter [tilespmem:s17], [sflag:$0x8], $0x2000, $0x38;
	[tilespmem:$0x18400] =	vst v63  }
0x224: {  	s22 =	simm.s32 $0x380  }
0x225: {  	[tilespmem:s5], [sflag:$0x2] =	stream.indirect.gather [hbm4b:s3+s1], $0x80, s22, s1, $0xb8;
	[tilespmem:$0x18400] =	vst v63  }
0x226: {  	s24 =	rddreg [dreg:$0x15]  }
0x227: {  	[tilespmem:s6], [sflag:$0x4] =	stream.linear.gather [hbm4b:s24+s21], $0x2000, $0x38;
	[tilespmem:$0x18400] =	vst v63  }
0x228: {  	s25 =	rddreg [dreg:$0x16]  }
0x229: {  	[tilespmem:s7], [sflag:$0x6] =	stream.linear.gather [hbm4b:s25+s21], $0x4000, $0x38;
	[tilespmem:$0x18400] =	vst v63  }
0x22a: {  	_ =	swait.ge [sflag:s8], $0x4000  }
0x22b: {  	[sflag:s8] =	ssyncset.done $0x0  }
0x22c: {  	[sflag:s8] =	ssyncadd.s32 $0xFFFFC000  }
0x22d: {  	_ =	swait.ge [sflag:s10], $0x2000  }
0x22e: {  	[sflag:s10] =	ssyncset.done $0x0  }
0x22f: {  	[sflag:s10] =	ssyncadd.s32 $0xFFFFE000  }
0x230: {  	_ =	swait.ge [sflag:s11], $0x4000  }
0x231: {  	[sflag:s11] =	ssyncset.done $0x0  }
0x232: {  	[sflag:s11] =	ssyncadd.s32 $0xFFFFC000  }
0x233: {  	_ =	swait.ge [sflag:s18], $0x2000  }
0x234: {  	[sflag:s18] =	ssyncset.done $0x0  }
0x235: {  	s21 =	simm.s32 $0x8400;
	[sflag:s18] =	ssyncadd.s32 $0xFFFFE000  }
0x236: {  	s22 =	simm.s32 $0x440;
	v0 =	vld [tilespmem:s21+$0x0]  }
0x237: {  	v1 =	vld [tilespmem:s22+$0x0]  }
0x238: {  	v2 =	vld [tilespmem:s22+$0xFFFFFFC0];
	_ =	sdelay $0x2  }
0x239: {  	s23 =	simm.s32 $0x0;
	v3 =	vsub.f32 $1.000000000e+00, v0  }
0x23a: {  	v4 =	vld [tilespmem:s23+$0x10400]  }
0x23b: {  	v1 =	vmul.f32 v1, v0;
	v2 =	vmul.f32 v3, v2;
	_ =	sdelay $0x1  }
0x23c: {  	v1 =	vadd.f32 v1, v2;
	_ =	sdelay $0x1  }
0x23d: {  	v1 =	vadd.f32 v1, v4;
	_ =	sdelay $0x1  }
0x23e: {  	[tilespmem:s23+$0x14400] =	vst v1  }
0x23f: {  	v1 =	vld [tilespmem:s22+$0xFFFFFFD0]  }
0x240: {  	v2 =	vld [tilespmem:s22+$0x10];
	_ =	sdelay $0x3  }
0x241: {  	v62 =	vld [tilespmem:s23+$0x10410]  }
0x242: {  	v1 =	vmul.f32 v1, v3;
	v2 =	vmul.f32 v2, v0;
	_ =	sdelay $0x1  }
0x243: {  	v1 =	vadd.f32 v2, v1;
	_ =	sdelay $0x1  }
0x244: {  	v1 =	vadd.f32 v1, v62;
	_ =	sdelay $0x1  }
0x245: {  	[tilespmem:s23+$0x14410] =	vst v1  }
0x246: {  	v1 =	vld [tilespmem:s22+$0xFFFFFFE0]  }
0x247: {  	v2 =	vld [tilespmem:s22+$0x20];
	_ =	sdelay $0x3  }
0x248: {  	v63 =	vld [tilespmem:s23+$0x10420]  }
0x249: {  	v1 =	vmul.f32 v1, v3;
	v2 =	vmul.f32 v2, v0;
	_ =	sdelay $0x1  }
0x24a: {  	v1 =	vadd.f32 v2, v1;
	_ =	sdelay $0x1  }
0x24b: {  	v1 =	vadd.f32 v1, v63;
	_ =	sdelay $0x1  }
0x24c: {  	[tilespmem:s23+$0x14420] =	vst v1  }
0x24d: {  	v2 =	vld [tilespmem:s22+$0x30]  }
0x24e: {  	v1 =	vld [tilespmem:s22+$0xFFFFFFF0];
	_ =	sdelay $0x3  }
0x24f: {  	v2 =	vmul.f32 v2, v0;
	v0 =	vld [tilespmem:s23+$0x10430]  }
0x250: {  	v1 =	vmul.f32 v1, v3;
	_ =	sdelay $0x1  }
0x251: {  	s24 =	simm.s32 $0x100;
	v1 =	vadd.f32 v2, v1  }
.LBB2_14:
0x252: {  	p0 =	sne.s32 s24, $0x7F00;
	s22 =	sadd.s32 $0x80, s22;
	s21 =	sadd.s32 $0x80, s21  }
0x253: {  	s25 =	smov.u32 s24;
	s24 =	sadd.s32 $0x100, s24;
	v0 =	vadd.f32 v1, v0;
	_ =	sdelay $0x1  }
0x254: {  	[tilespmem:s23+$0x14430] =	vst v0  }
0x255: {  	v1 =	vld [tilespmem:s21+$0x0]  }
0x256: {  	v0 =	vld [tilespmem:s22+$0x0]  }
0x257: {  	v2 =	vld [tilespmem:s22+$0xFFFFFFC0];
	_ =	sdelay $0x2  }
0x258: {  	s23 =	sshra.s32 s25, $0x2;
	v3 =	vsub.f32 $1.000000000e+00, v1  }
0x259: {  	v0 =	vmul.f32 v0, v1;
	v4 =	vld [tilespmem:s23+$0x10400]  }
0x25a: {  	v2 =	vmul.f32 v3, v2;
	_ =	sdelay $0x1  }
0x25b: {  	v0 =	vadd.f32 v0, v2;
	_ =	sdelay $0x1  }
0x25c: {  	v0 =	vadd.f32 v0, v4;
	_ =	sdelay $0x1  }
0x25d: {  	[tilespmem:s23+$0x14400] =	vst v0  }
0x25e: {  	v0 =	vld [tilespmem:s22+$0xFFFFFFD0]  }
0x25f: {  	v2 =	vld [tilespmem:s22+$0x10];
	_ =	sdelay $0x2  }
0x260: {  	v4 =	vld [tilespmem:s23+$0x10410]  }
0x261: {  	v0 =	vmul.f32 v0, v3  }
0x262: {  	v2 =	vmul.f32 v2, v1;
	_ =	sdelay $0x1  }
0x263: {  	v0 =	vadd.f32 v2, v0;
	_ =	sdelay $0x1  }
0x264: {  	v0 =	vadd.f32 v0, v4;
	_ =	sdelay $0x1  }
0x265: {  	[tilespmem:s23+$0x14410] =	vst v0  }
0x266: {  	v0 =	vld [tilespmem:s22+$0xFFFFFFE0]  }
0x267: {  	v2 =	vld [tilespmem:s22+$0x20];
	_ =	sdelay $0x1  }
0x268: {  	v4 =	vld [tilespmem:s23+$0x10420];
	_ =	sdelay $0x1  }
0x269: {  	v0 =	vmul.f32 v0, v3  }
0x26a: {  	v2 =	vmul.f32 v2, v1;
	_ =	sdelay $0x1  }
0x26b: {  	v0 =	vadd.f32 v2, v0;
	_ =	sdelay $0x1  }
0x26c: {  	v0 =	vadd.f32 v0, v4;
	_ =	sdelay $0x1  }
0x26d: {  	[tilespmem:s23+$0x14420] =	vst v0  }
0x26e: {  	v2 =	vld [tilespmem:s22+$0xFFFFFFF0]  }
0x26f: {  	v4 =	vld [tilespmem:s22+$0x30]  }
0x270: {  	v0 =	vld [tilespmem:s23+$0x10430];
	_ =	sdelay $0x1  }
.Ltmp6:
0x271: {  	(pc) =	sbr.rel @p0 .LBB2_14-.Ltmp6, $3  }
0x272: {  	v2 =	vmul.f32 v2, v3  }
0x273: {  	v1 =	vmul.f32 v4, v1;
	_ =	sdelay $0x1  }
0x274: {  	v1 =	vadd.f32 v1, v2  }
0x275: {  	_ = 	snop  }
0x276: {  	v0 =	vadd.f32 v1, v0;
	_ =	sdelay $0x1  }
0x277: {  	s21 =	simm.s32 $0x0;
	[tilespmem:s23+$0x14430] =	vst v0  }
0x278: {  	[hbm4b:s29+s21] =	stream.linear.scatter [tilespmem:s12], [sflag:$0x7], $0x2000, $0x38;
	[tilespmem:$0x18400] =	vst v63  }
0x279: {  	_ =	swait.ge [sflag:s14], $0x4000  }
0x27a: {  	[sflag:s14] =	ssyncset.done $0x0  }
0x27b: {  	[sflag:s14] =	ssyncadd.s32 $0xFFFFC000  }
0x27c: {  	_ =	swait.ge [sflag:s15], $0x2000  }
0x27d: {  	[sflag:s15] =	ssyncset.done $0x0  }
0x27e: {  	[sflag:s15] =	ssyncadd.s32 $0xFFFFE000  }
0x27f: {  	_ =	swait.ge [sflag:s16], $0x4000  }
0x280: {  	[sflag:s16] =	ssyncset.done $0x0  }
0x281: {  	[sflag:s16] =	ssyncadd.s32 $0xFFFFC000  }
0x282: {  	_ =	swait.ge [sflag:s19], $0x2000  }
0x283: {  	[sflag:s19] =	ssyncset.done $0x0  }
0x284: {  	s25 =	simm.s32 $0x0;
	[sflag:s19] =	ssyncadd.s32 $0xFFFFE000  }
0x285: {  	v0 =	vld [tilespmem:s25+$0xC400]  }
0x286: {  	v1 =	vld [tilespmem:s25+$0x4440]  }
0x287: {  	v2 =	vld [tilespmem:s25+$0x4400];
	_ =	sdelay $0x2  }
0x288: {  	s21 =	simm.s32 $0x12430;
	v3 =	vsub.f32 $1.000000000e+00, v0  }
0x289: {  	v4 =	vld [tilespmem:s21+$0xFFFFFFD0]  }
0x28a: {  	v1 =	vmul.f32 v1, v0;
	v2 =	vmul.f32 v3, v2;
	_ =	sdelay $0x1  }
0x28b: {  	v1 =	vadd.f32 v1, v2;
	_ =	sdelay $0x1  }
0x28c: {  	v1 =	vadd.f32 v1, v4  }
0x28d: {  	s22 =	simm.s32 $0x16430  }
0x28e: {  	[tilespmem:s22+$0xFFFFFFD0] =	vst v1  }
0x28f: {  	v1 =	vld [tilespmem:s25+$0x4410]  }
0x290: {  	v2 =	vld [tilespmem:s25+$0x4450];
	_ =	sdelay $0x3  }
0x291: {  	v62 =	vld [tilespmem:s21+$0xFFFFFFE0]  }
0x292: {  	v1 =	vmul.f32 v1, v3;
	v2 =	vmul.f32 v2, v0;
	_ =	sdelay $0x1  }
0x293: {  	v1 =	vadd.f32 v2, v1;
	_ =	sdelay $0x1  }
0x294: {  	v1 =	vadd.f32 v1, v62;
	_ =	sdelay $0x1  }
0x295: {  	[tilespmem:s22+$0xFFFFFFE0] =	vst v1  }
0x296: {  	v1 =	vld [tilespmem:s25+$0x4420]  }
0x297: {  	v2 =	vld [tilespmem:s25+$0x4460];
	_ =	sdelay $0x3  }
0x298: {  	v63 =	vld [tilespmem:s21+$0xFFFFFFF0]  }
0x299: {  	v1 =	vmul.f32 v1, v3;
	v2 =	vmul.f32 v2, v0;
	_ =	sdelay $0x1  }
0x29a: {  	v1 =	vadd.f32 v2, v1;
	_ =	sdelay $0x1  }
0x29b: {  	v1 =	vadd.f32 v1, v63;
	_ =	sdelay $0x1  }
0x29c: {  	[tilespmem:s22+$0xFFFFFFF0] =	vst v1  }
0x29d: {  	v2 =	vld [tilespmem:s25+$0x4470]  }
0x29e: {  	v1 =	vld [tilespmem:s25+$0x4430];
	_ =	sdelay $0x3  }
0x29f: {  	v2 =	vmul.f32 v2, v0;
	v0 =	vld [tilespmem:s21+$0x0]  }
0x2a0: {  	v1 =	vmul.f32 v1, v3;
	_ =	sdelay $0x1  }
0x2a1: {  	s24 =	simm.s32 $0x16430;
	s23 =	simm.s32 $0x200;
	v1 =	vadd.f32 v2, v1  }
.LBB2_16:
0x2a2: {  	p0 =	sne.s32 s23, $0xFE00;
	s22 =	sadd.s32 $0x40, s22;
	s21 =	sadd.s32 $0x40, s21  }
0x2a3: {  	s25 =	smov.u32 s23;
	s23 =	sadd.s32 $0x200, s23;
	v0 =	vadd.f32 v1, v0;
	_ =	sdelay $0x1  }
0x2a4: {  	s25 =	sshra.s32 s25, $0x2;
	[tilespmem:s24+$0x0] =	vst v0;
	s24 =	smov.u32 s22  }
0x2a5: {  	v1 =	vld [tilespmem:s25+$0xC400]  }
0x2a6: {  	v0 =	vld [tilespmem:s25+$0x4440]  }
0x2a7: {  	v2 =	vld [tilespmem:s25+$0x4400];
	_ =	sdelay $0x2  }
0x2a8: {  	v3 =	vsub.f32 $1.000000000e+00, v1  }
0x2a9: {  	v0 =	vmul.f32 v0, v1;
	v4 =	vld [tilespmem:s21+$0xFFFFFFD0]  }
0x2aa: {  	v2 =	vmul.f32 v3, v2;
	_ =	sdelay $0x1  }
0x2ab: {  	v0 =	vadd.f32 v0, v2;
	_ =	sdelay $0x1  }
0x2ac: {  	v0 =	vadd.f32 v0, v4;
	_ =	sdelay $0x1  }
0x2ad: {  	[tilespmem:s22+$0xFFFFFFD0] =	vst v0  }
0x2ae: {  	v0 =	vld [tilespmem:s25+$0x4410]  }
0x2af: {  	v2 =	vld [tilespmem:s25+$0x4450];
	_ =	sdelay $0x2  }
0x2b0: {  	v4 =	vld [tilespmem:s21+$0xFFFFFFE0]  }
0x2b1: {  	v0 =	vmul.f32 v0, v3  }
0x2b2: {  	v2 =	vmul.f32 v2, v1;
	_ =	sdelay $0x1  }
0x2b3: {  	v0 =	vadd.f32 v2, v0;
	_ =	sdelay $0x1  }
0x2b4: {  	v0 =	vadd.f32 v0, v4;
	_ =	sdelay $0x1  }
0x2b5: {  	[tilespmem:s22+$0xFFFFFFE0] =	vst v0  }
0x2b6: {  	v0 =	vld [tilespmem:s25+$0x4420]  }
0x2b7: {  	v2 =	vld [tilespmem:s25+$0x4460];
	_ =	sdelay $0x1  }
0x2b8: {  	v4 =	vld [tilespmem:s21+$0xFFFFFFF0];
	_ =	sdelay $0x1  }
0x2b9: {  	v0 =	vmul.f32 v0, v3  }
0x2ba: {  	v2 =	vmul.f32 v2, v1;
	_ =	sdelay $0x1  }
0x2bb: {  	v0 =	vadd.f32 v2, v0;
	_ =	sdelay $0x1  }
0x2bc: {  	v0 =	vadd.f32 v0, v4;
	_ =	sdelay $0x1  }
0x2bd: {  	[tilespmem:s22+$0xFFFFFFF0] =	vst v0  }
0x2be: {  	v2 =	vld [tilespmem:s25+$0x4430]  }
0x2bf: {  	v4 =	vld [tilespmem:s25+$0x4470]  }
0x2c0: {  	v0 =	vld [tilespmem:s21+$0x0];
	_ =	sdelay $0x1  }
.Ltmp7:
0x2c1: {  	(pc) =	sbr.rel @p0 .LBB2_16-.Ltmp7, $3  }
0x2c2: {  	v2 =	vmul.f32 v2, v3  }
0x2c3: {  	v1 =	vmul.f32 v4, v1;
	_ =	sdelay $0x1  }
0x2c4: {  	v1 =	vadd.f32 v1, v2  }
0x2c5: {  	_ = 	snop  }
0x2c6: {  	v0 =	vadd.f32 v1, v0;
	_ =	sdelay $0x1  }
0x2c7: {  	[tilespmem:s24+$0x0] =	vst v0  }
0x2c8: {  	[hbm4b:s30+s2] =	stream.linear.scatter [tilespmem:s17], [sflag:$0x8], $0x2000, $0x38;
	[tilespmem:$0x18400] =	vst v63  }
0x2c9: {  	_ =	swait.ge [sflag:s18], $0x2000  }
0x2ca: {  	[sflag:s18] =	ssyncset.done $0x0  }
0x2cb: {  	[sflag:s18] =	ssyncadd.s32 $0xFFFFE000  }
0x2cc: {  	_ =	swait.ge [sflag:s19], $0x2000  }
0x2cd: {  	s20 =	sadd.s32 $0x1, s20;
	s21 =	rddreg [dreg:$0x17]  }
0x2ce: {  	p0 =	sne.s32 s20, s21  }
.Ltmp8:
0x2cf: {  	_ = 	snop;
	(pc) =	sbr.rel @p0 .LBB2_1-.Ltmp8, $3  }
0x2d0: {  	_ =	sdelay $0x1  }
0x2d1: {  	[sflag:s19] =	ssyncset.done $0x0  }
0x2d2: {  	[sflag:s19] =	ssyncadd.s32 $0xFFFFE000  }
0x2d3: {  	_ =	sfence.sel $0x180000  }
0x2d4: {  	[bflag:$0x0] =	sbarrier.arrive $0xFFFF  }
0x2d5: {  	_ =	strace $0x90000047  }
0x2d6: {  	s0 =	stileid.u32;
	[bflag:$0x2] =	sbarrier.arrive $0xFFFF  }
0x2d7: {  	p0 =	sne.s32 s0, $0x0;
	s0 =	rddreg [dreg:$0x2]  }
0x2d8: {  	s0 =	sadd.s32 @!p0 $0x100000, s0  }
0x2d9: {  	[sflag:s0] =	ssyncadd.tile.s32 @!p0 $0x1;
	_ =	shalt  }
.Lfunc_end2:
_tile_overlayer_lowered:
.L_overlay_start_2:
0x2da: {  	(tag) =	ssettag $0x2  }
0x2db: {  	s0 =	rddreg [dreg:$0x0];
	s2 =	stileid.u32  }
0x2dc: {  	s1 =	rddreg [dreg:$0x1];
	p0 =	sne.s32 s2, $0x0  }
0x2dd: {  	s3 =	rddreg [dreg:$0x2];
	[bflag:$0x3] =	sbarrier.arrive $0xFFFF;
	s2 =	simm.s32 @!p0 $0x1C09  }
0x2de: {  	[timem:s3], [sflag:s2] =	dma.local @!p0 [hbm:s0], s1  }
0x2df: {  	s0 =	simm.s32 @!p0 $0x9  }
0x2e0: {  	_ =	swait.ge @!p0 [sflag:s0], s1  }
0x2e1: {  	s1 =	ssub.s32 @!p0 $0x0, s1;
	[sflag:s0] =	ssyncset.done @!p0 $0x0  }
0x2e2: {  	[sflag:s0] =	ssyncadd.s32 @!p0 s1  }
0x2e3: {  	[bflag:$0x3] =	sbarrier.arrive $0xFFFF  }
0x2e4: {  	_ =	shalt  }

</sc_bundles>
